<compile_context>
chip_gen: v7x
topology: tpu7x:2x2x1
jax: 0.10.2.dev20260603
libtpu: 0.0.44.dev20260713+nightly
codegen_flags: <defaults>
</compile_context>

<pallas_src>
import functools

import jax
import jax.numpy as jnp
from jax import lax
from jax.experimental import pallas as pl
from jax.experimental.pallas import tpu as pltpu
from jax.experimental.pallas import tpu_sc as plsc

N = 10000
E = 320000
D = 128
NC = 2
NS = 16
NW = NC * NS
C = 80
CS = 40
NB = 4
EPW = E // NW
CHUNKS = EPW // CS
EROWS = E // C
NP = 10240
DEG_ZPT = NP // NS
DEG_RPW = NP // NW
ZB = 32
ACC_ZPT = NP // NS

_MAGIC = 0x5F3759DF


def _zero_f32(ref, num):
    def body(k, _):
        ref[pl.ds(k * 16, 16)] = jnp.zeros((16,), jnp.float32)
        return 0
    lax.fori_loop(0, num, body, 0)


def _mesh():
    return plsc.VectorSubcoreMesh(core_axis_name="c", subcore_axis_name="s")


@functools.partial(
    pl.kernel,
    mesh=_mesh(),
    compiler_params=pltpu.CompilerParams(use_tc_tiling_on_sc=False),
    out_type=jax.ShapeDtypeStruct((NP,), jnp.float32),
    scratch_types=[
        pltpu.VMEM((E // NS,), jnp.int32),
        pltpu.VMEM((C,), jnp.float32),
        pltpu.VMEM((DEG_ZPT,), jnp.float32),
        pltpu.VMEM((DEG_RPW,), jnp.float32),
        pltpu.VMEM((DEG_RPW,), jnp.float32),
        pltpu.VMEM_SHARED((NP,), jnp.float32),
        pltpu.SemaphoreType.DMA,
        pltpu.SemaphoreType.DMA,
    ],
)
def _deg_kernel(dst_hbm, dinv_hbm, idx_v, ones_v, zb_v, degv, dinvv, deg_sp,
                dsem, dsem2):
    c = lax.axis_index("c")
    s = lax.axis_index("s")
    wid = c * NS + s

    _zero_f32(zb_v, DEG_ZPT // 16)

    def ones_body(k, _):
        ones_v[pl.ds(k * 16, 16)] = jnp.ones((16,), jnp.float32)
        return 0
    lax.fori_loop(0, C // 16, ones_body, 0)

    pltpu.sync_copy(zb_v, deg_sp.at[pl.ds(s * DEG_ZPT, DEG_ZPT)])

    ept = E // NS
    rows = ept // C
    pltpu.sync_copy(dst_hbm.at[pl.ds(s * ept, ept)], idx_v)

    plsc.subcore_barrier()

    K = 10
    def fire(g, sem):
        for b in range(K):
            pltpu.async_copy(
                ones_v, deg_sp.at[idx_v.at[pl.ds((g * K + b) * C, C)]], sem,
                add=True)

    def drain(g, sem):
        for b in range(K):
            pltpu.make_async_copy(
                ones_v, deg_sp.at[idx_v.at[pl.ds((g * K + b) * C, C)]],
                sem).wait()

    ngroups = rows // K
    fire(0, dsem)
    def scat_body(g, _):
        @pl.when(g % 2 == 0)
        def _():
            fire(g + 1, dsem2)
            drain(g, dsem)
        @pl.when(g % 2 == 1)
        def _():
            fire(g + 1, dsem)
            drain(g, dsem2)
        return 0
    lax.fori_loop(0, ngroups - 1, scat_body, 0)
    if (ngroups - 1) % 2 == 0:
        drain(ngroups - 1, dsem)
    else:
        drain(ngroups - 1, dsem2)

    plsc.subcore_barrier()

    base = wid * DEG_RPW
    pltpu.sync_copy(deg_sp.at[pl.ds(base, DEG_RPW)], degv)

    def newton_body(k, _):
        d = degv[pl.ds(k * 16, 16)] + 1.0
        i = jnp.int32(_MAGIC) - lax.shift_right_arithmetic(
            lax.bitcast_convert_type(d, jnp.int32), 1)
        y = lax.bitcast_convert_type(i, jnp.float32)
        y = y * (1.5 - 0.5 * d * y * y)
        y = y * (1.5 - 0.5 * d * y * y)
        y = y * (1.5 - 0.5 * d * y * y)
        dinvv[pl.ds(k * 16, 16)] = y
        return 0
    lax.fori_loop(0, DEG_RPW // 16, newton_body, 0)

    pltpu.sync_copy(dinvv, dinv_hbm.at[pl.ds(base, DEG_RPW)])


@functools.partial(
    pl.kernel,
    mesh=_mesh(),
    compiler_params=pltpu.CompilerParams(use_tc_tiling_on_sc=False),
    out_type=jax.ShapeDtypeStruct((NC, NP, D), jnp.float32),
    scratch_types=(
        [pltpu.VMEM((EPW,), jnp.int32),
         pltpu.VMEM((EPW,), jnp.int32)]
        + [pltpu.VMEM((CS, D), jnp.float32)] * NB
        + [pltpu.VMEM((ZB, D), jnp.float32),
           pltpu.VMEM_SHARED((NP, D), jnp.float32)]
        + [pltpu.SemaphoreType.DMA] * NB
        + [pltpu.SemaphoreType.DMA] * NB
    ),
)
def _scatter_kernel(y_hbm, src_hbm, dst_hbm, out_hbm,
                    sidx, didx, *rest):
    bufs = rest[:NB]
    zb = rest[NB]
    acc_sp = rest[NB + 1]
    gsems = rest[NB + 2:2 * NB + 2]
    ssems = rest[2 * NB + 2:]
    c = lax.axis_index("c")
    s = lax.axis_index("s")
    wid = c * NS + s

    def zb_body(r, _):
        for cc in range(D // 16):
            zb[r, pl.ds(cc * 16, 16)] = jnp.zeros((16,), jnp.float32)
        return 0
    lax.fori_loop(0, ZB, zb_body, 0)

    def zinit_body(k, _):
        pltpu.async_copy(zb, acc_sp.at[pl.ds(s * ACC_ZPT + k * ZB, ZB)],
                         gsems[0])
        return 0
    lax.fori_loop(0, ACC_ZPT // ZB, zinit_body, 0)
    pltpu.sync_copy(src_hbm.at[pl.ds(wid * EPW, EPW)], sidx)
    pltpu.sync_copy(dst_hbm.at[pl.ds(wid * EPW, EPW)], didx)

    def sslice(j):
        return sidx.at[pl.ds(j * CS, CS)]

    def dslice(j):
        return didx.at[pl.ds(j * CS, CS)]

    for b in range(1, NB):
        pltpu.async_copy(y_hbm.at[sslice(b)], bufs[b], gsems[b])

    def zdrain_body(k, _):
        pltpu.make_async_copy(zb, acc_sp.at[pl.ds(s * ACC_ZPT + k * ZB, ZB)],
                              gsems[0]).wait()
        return 0
    lax.fori_loop(0, ACC_ZPT // ZB, zdrain_body, 0)
    pltpu.async_copy(y_hbm.at[sslice(0)], bufs[0], gsems[0])

    plsc.subcore_barrier()

    def gwait(j, b):
        pltpu.make_async_copy(y_hbm.at[sslice(j)], bufs[b], gsems[b]).wait()

    def sissue(j, b):
        pltpu.async_copy(bufs[b], acc_sp.at[dslice(j)], ssems[b], add=True)

    def swait(j, b):
        pltpu.make_async_copy(bufs[b], acc_sp.at[dslice(j)], ssems[b]).wait()

    def loop_body(g, _):
        for b in range(NB):
            j = NB * g + b
            gwait(j, b)
            sissue(j, b)
        for b in range(NB):
            j = NB * g + b
            nxt = j + NB
            @pl.when(nxt < CHUNKS)
            def _():
                swait(j, b)
                pltpu.async_copy(y_hbm.at[sslice(nxt)], bufs[b], gsems[b])
        return 0
    lax.fori_loop(0, CHUNKS // NB, loop_body, 0)
    for j in range((CHUNKS // NB) * NB, CHUNKS):
        b = j % NB
        gwait(j, b)
        sissue(j, b)
    for j in range(CHUNKS - NB, CHUNKS):
        swait(j, j % NB)

    plsc.subcore_barrier()

    pltpu.sync_copy(acc_sp.at[pl.ds(s * ACC_ZPT, ACC_ZPT)],
                    out_hbm.at[c, pl.ds(s * ACC_ZPT, ACC_ZPT)])


_f32 = jnp.float32
BM = 2000


def _mm_body(x_ref, w_ref, y_ref):
    y_ref[...] = jnp.dot(x_ref[...], w_ref[...],
                         preferred_element_type=_f32)


def _scale_body(xw_ref, dinv_ref, y_ref):
    y_ref[...] = xw_ref[...] * dinv_ref[...]


def _tc2_body(acc_ref, y1_ref, dinv_ref, b1_ref, w2_ref, y2_ref):
    agg = acc_ref[0] + acc_ref[1]
    pre = (agg + y1_ref[...]) * dinv_ref[...] + b1_ref[...]
    h = jnp.maximum(pre, 0.0)
    y2_ref[...] = jnp.dot(h, w2_ref[...],
                          preferred_element_type=_f32) * dinv_ref[...]


def _tc3_body(acc_ref, y2_ref, dinv_ref, b2_ref, o_ref):
    agg = acc_ref[0] + acc_ref[1]
    o_ref[...] = (agg + y2_ref[...]) * dinv_ref[...] + b2_ref[...]


_ROW = pl.BlockSpec((BM, D), lambda i: (i, 0))
_ACC = pl.BlockSpec((NC, BM, D), lambda i: (0, i, 0))
_DNV = pl.BlockSpec((BM, 1), lambda i: (i, 0))
_WMAT = pl.BlockSpec((D, D), lambda i: (0, 0))
_BIAS = pl.BlockSpec((1, D), lambda i: (0, 0))
_GRID = N // BM


def _matmul(a, w):
    return pl.pallas_call(
        _mm_body,
        grid=(_GRID,),
        in_specs=[_ROW, _WMAT],
        out_specs=_ROW,
        out_shape=jax.ShapeDtypeStruct((N, D), _f32),
    )(a, w)


def kernel(x, edge_index, W1, b1, W2, b2):
    src = edge_index[0].astype(jnp.int32)
    dst = edge_index[1].astype(jnp.int32)

    dinv_pad = _deg_kernel(dst)
    xw1 = _matmul(x, W1)
    dinv2 = dinv_pad[:N].reshape(N, 1)

    y1 = pl.pallas_call(
        _scale_body,
        grid=(_GRID,),
        in_specs=[_ROW, _DNV],
        out_specs=_ROW,
        out_shape=jax.ShapeDtypeStruct((N, D), _f32),
    )(xw1, dinv2)

    acc1 = _scatter_kernel(y1, src, dst)

    y2 = pl.pallas_call(
        _tc2_body,
        grid=(_GRID,),
        in_specs=[_ACC, _ROW, _DNV, _BIAS, _WMAT],
        out_specs=_ROW,
        out_shape=jax.ShapeDtypeStruct((N, D), _f32),
    )(acc1, y1, dinv2, b1.reshape(1, D), W2)

    acc2 = _scatter_kernel(y2, src, dst)

    out = pl.pallas_call(
        _tc3_body,
        grid=(_GRID,),
        in_specs=[_ACC, _ROW, _DNV, _BIAS],
        out_specs=_ROW,
        out_shape=jax.ShapeDtypeStruct((N, D), _f32),
    )(acc2, y2, dinv2, b2.reshape(1, D))
    return out

# --- scband reference (transcript-rebuilt; emitter-appended) ---
"""Pipeline reference for scband-graph-classifier-6090263626390 (READ-ONLY COPY).

The authoritative reference and input builder live on the scoring server;
editing this copy changes nothing except your own understanding.
"""

import jax, jax.numpy as jnp
import numpy as np

N_NODES = 10000
N_EDGES = 320000
D_IN = 128
D_HID = 128
D_OUT = 128


def setup_inputs(seed: int = 0) -> dict:
    key = jax.random.key(seed)
    k1, k2, k3, k4 = jax.random.split(key, 4)
    x = jax.random.normal(k1, (N_NODES, D_IN), dtype=jnp.float32)
    edge_index = jax.random.randint(k2, (2, N_EDGES), 0, N_NODES, dtype=jnp.int64)
    W1 = jax.random.normal(k3, (D_IN, D_HID), dtype=jnp.float32) * (1.0 / np.sqrt(D_IN))
    b1 = jnp.zeros((D_HID,), dtype=jnp.float32)
    W2 = jax.random.normal(k4, (D_HID, D_OUT), dtype=jnp.float32) * (1.0 / np.sqrt(D_HID))
    b2 = jnp.zeros((D_OUT,), dtype=jnp.float32)
    return {"x": x, "edge_index": edge_index, "W1": W1, "b1": b1, "W2": W2, "b2": b2}


def _gcn_conv(x, edge_index, W, b):
    # Faithful GCNConv: linear transform, add self-loops, symmetric normalization,
    # scatter-add aggregation, bias.
    n = x.shape[0]
    loop = jnp.arange(n, dtype=edge_index.dtype)
    src = jnp.concatenate([edge_index[0], loop])
    dst = jnp.concatenate([edge_index[1], loop])
    ones = jnp.ones(src.shape[0], dtype=x.dtype)
    deg = jnp.zeros((n,), dtype=x.dtype).at[dst].add(ones)
    dinv = jnp.where(deg > 0, deg ** -0.5, 0.0)
    norm = dinv[src] * dinv[dst]
    xw = x @ W
    msg = xw[src] * norm[:, None]
    out = jnp.zeros((n, W.shape[1]), dtype=x.dtype).at[dst].add(msg)
    return out + b


def reference(x, edge_index, W1, b1, W2, b2):
    h = _gcn_conv(x, edge_index, W1, b1)
    h = jax.nn.relu(h)
    out = _gcn_conv(h, edge_index, W2, b2)
    return out

if __name__ == "__main__":
    import jax
    _d = setup_inputs()
    print(jax.jit(kernel)(*tuple(_d.values())))

</pallas_src>

<mosaic_0001>
#map = affine_map<(d0, d1) -> (0)>
module attributes {stable_mosaic.version = 14 : i64} {
  func.func @_deg_kernel(%arg0: i32, %arg1: i32, %arg2: memref<320000xi32, #tpu.memory_space<hbm>>, %arg3: memref<10240xf32, #tpu.memory_space<hbm>>, %arg4: memref<20000xi32, #tpu.memory_space<vmem>>, %arg5: memref<80xf32, #tpu.memory_space<vmem>>, %arg6: memref<640xf32, #tpu.memory_space<vmem>>, %arg7: memref<320xf32, #tpu.memory_space<vmem>>, %arg8: memref<320xf32, #tpu.memory_space<vmem>>, %arg9: memref<10240xf32, #tpu.memory_space<vmem_shared>>, %arg10: memref<!tpu.dma_semaphore, #tpu.memory_space<semaphore_mem>>, %arg11: memref<!tpu.dma_semaphore, #tpu.memory_space<semaphore_mem>>) attributes {dimension_semantics = [#tpu.dimension_semantics<core_parallel>, #tpu.dimension_semantics<subcore_parallel>], iteration_bounds = array<i64: 2, 16>, scalar_prefetch = 0 : i64, scratch_operands = 8 : i64, tpu.core_type = #tpu.core_type<sc_vector_subcore>, window_params = [{transform_indices = #map}, {transform_indices = #map}]} {
    %mul3A = arith.constant 16 : i32
    %mul3A_0 = arith.muli %arg0, %mul3A : i32
    %add3A = arith.addi %mul3A_0, %arg1 : i32
    %scan3A = arith.constant 0 : i32
    %scan3A_1 = arith.constant 0 : i32
    %scan3A_2 = arith.constant 40 : i32
    %scan3A_3 = arith.addi %scan3A_1, %scan3A_2 : i32
    %scan3A_4 = arith.constant 1 : i32
    %scan3A_5 = scf.for %scan3A_113 = %scan3A_1 to %scan3A_3 step %scan3A_4 iter_args(%scan3A_114 = %scan3A) -> (i32)  : i32 {
      %broadcast_in_dim3A = arith.constant 0.000000e+00 : f32
      %broadcast_in_dim3A_115 = vector.broadcast %broadcast_in_dim3A : f32 to vector<16xf32>
      %mul3A_116 = arith.constant 16 : i32
      %mul3A_117 = arith.muli %scan3A_113, %mul3A_116 : i32
      %swap3A = arith.index_cast %mul3A_117 : i32 to index
      %swap3A_118 = tpu.vector_load %arg6[%swap3A] {strides = array<i32>} : memref<640xf32, #tpu.memory_space<vmem>>, vector<16xf32>,
      %swap3A_119 = vector.shape_cast %swap3A_118 : vector<16xf32> to vector<16xf32>
      %swap3A_120 = vector.shape_cast %broadcast_in_dim3A_115 : vector<16xf32> to vector<16xf32>
      tpu.vector_store %arg6[%swap3A], %swap3A_120 {strides = array<i32>} : memref<640xf32, #tpu.memory_space<vmem>>, vector<16xf32>,
      %scan3A_121 = arith.constant 0 : i32
      scf.yield %scan3A_121 : i32
    }
    %scan3A_6 = arith.constant 40 : i32
    %scan3A_7 = arith.constant 0 : i32
    %scan3A_8 = arith.constant 0 : i32
    %scan3A_9 = arith.constant 5 : i32
    %scan3A_10 = arith.addi %scan3A_8, %scan3A_9 : i32
    %scan3A_11 = arith.constant 1 : i32
    %scan3A_12 = scf.for %scan3A_113 = %scan3A_8 to %scan3A_10 step %scan3A_11 iter_args(%scan3A_114 = %scan3A_7) -> (i32)  : i32 {
      %broadcast_in_dim3A = arith.constant 1.000000e+00 : f32
      %broadcast_in_dim3A_115 = vector.broadcast %broadcast_in_dim3A : f32 to vector<16xf32>
      %mul3A_116 = arith.constant 16 : i32
      %mul3A_117 = arith.muli %scan3A_113, %mul3A_116 : i32
      %swap3A = arith.index_cast %mul3A_117 : i32 to index
      %swap3A_118 = tpu.vector_load %arg5[%swap3A] {strides = array<i32>} : memref<80xf32, #tpu.memory_space<vmem>>, vector<16xf32>,
      %swap3A_119 = vector.shape_cast %swap3A_118 : vector<16xf32> to vector<16xf32>
      %swap3A_120 = vector.shape_cast %broadcast_in_dim3A_115 : vector<16xf32> to vector<16xf32>
      tpu.vector_store %arg5[%swap3A], %swap3A_120 {strides = array<i32>} : memref<80xf32, #tpu.memory_space<vmem>>, vector<16xf32>,
      %scan3A_121 = arith.constant 0 : i32
      scf.yield %scan3A_121 : i32
    }
    %scan3A_13 = arith.constant 5 : i32
    %mul3A_14 = arith.constant 640 : i32
    %mul3A_15 = arith.muli %arg1, %mul3A_14 : i32
    "tpu.region"() ({
      %run_scoped3A = tpu.sem_alloc : memref<!tpu.dma_semaphore, #tpu.memory_space<semaphore_mem>>
      %dma_start3A_113 = tpu.memref_slice %arg9[%mul3A_15] : memref<10240xf32, #tpu.memory_space<vmem_shared>> -> memref<640xf32, #tpu.memory_space<vmem_shared>>
      %dma_start3A_114 = tpu.memref_slice %arg9[%mul3A_15] : memref<10240xf32, #tpu.memory_space<vmem_shared>> -> memref<640xf32, #tpu.memory_space<vmem_shared>>
      tpu.enqueue_dma source(%arg6 : memref<640xf32, #tpu.memory_space<vmem>>) target(%dma_start3A_114 : memref<640xf32, #tpu.memory_space<vmem_shared>>) target_semaphore(%run_scoped3A : memref<!tpu.dma_semaphore, #tpu.memory_space<semaphore_mem>>)
      %dma_wait3A_115 = tpu.memref_slice %arg9[%mul3A_15] : memref<10240xf32, #tpu.memory_space<vmem_shared>> -> memref<640xf32, #tpu.memory_space<vmem_shared>>
      %dma_wait3A_116 = tpu.memref_slice %arg9[%mul3A_15] : memref<10240xf32, #tpu.memory_space<vmem_shared>> -> memref<640xf32, #tpu.memory_space<vmem_shared>>
      tpu.wait_dma2 semaphore(%run_scoped3A : memref<!tpu.dma_semaphore, #tpu.memory_space<semaphore_mem>>) src(%arg6 : memref<640xf32, #tpu.memory_space<vmem>>) dst(%dma_wait3A_116 : memref<640xf32, #tpu.memory_space<vmem_shared>>)
      tpu.yield
    }) : () -> ()
    %mul3A_16 = arith.constant 20000 : i32
    %mul3A_17 = arith.muli %arg1, %mul3A_16 : i32
    "tpu.region"() ({
      %run_scoped3A = tpu.sem_alloc : memref<!tpu.dma_semaphore, #tpu.memory_space<semaphore_mem>>
      %dma_start3A_113 = tpu.memref_slice %arg2[%mul3A_17] : memref<320000xi32, #tpu.memory_space<hbm>> -> memref<20000xi32, #tpu.memory_space<hbm>>
      %dma_start3A_114 = tpu.memref_slice %arg2[%mul3A_17] : memref<320000xi32, #tpu.memory_space<hbm>> -> memref<20000xi32, #tpu.memory_space<hbm>>
      tpu.enqueue_dma source(%dma_start3A_114 : memref<20000xi32, #tpu.memory_space<hbm>>) target(%arg4 : memref<20000xi32, #tpu.memory_space<vmem>>) target_semaphore(%run_scoped3A : memref<!tpu.dma_semaphore, #tpu.memory_space<semaphore_mem>>)
      %dma_wait3A_115 = tpu.memref_slice %arg2[%mul3A_17] : memref<320000xi32, #tpu.memory_space<hbm>> -> memref<20000xi32, #tpu.memory_space<hbm>>
      %dma_wait3A_116 = tpu.memref_slice %arg2[%mul3A_17] : memref<320000xi32, #tpu.memory_space<hbm>> -> memref<20000xi32, #tpu.memory_space<hbm>>
      tpu.wait_dma2 semaphore(%run_scoped3A : memref<!tpu.dma_semaphore, #tpu.memory_space<semaphore_mem>>) src(%dma_wait3A_116 : memref<20000xi32, #tpu.memory_space<hbm>>) dst(%arg4 : memref<20000xi32, #tpu.memory_space<vmem>>)
      tpu.yield
    }) : () -> ()
    %barrier3A = arith.constant 0 : index
    tpu.barrier barrier_id(%barrier3A)
    %dma_start3A = arith.constant 0 : i32
    %dma_start3A_18 = tpu.memref_slice %arg4[%dma_start3A] : memref<20000xi32, #tpu.memory_space<vmem>> -> memref<80xi32, #tpu.memory_space<vmem>>
    %dma_start3A_19 = arith.constant 0 : i32
    %dma_start3A_20 = tpu.memref_slice %arg9[%dma_start3A_19] : memref<10240xf32, #tpu.memory_space<vmem_shared>> -> memref<10240xf32, #tpu.memory_space<vmem_shared>>
    tpu.enqueue_indirect_dma source(%arg5 : memref<80xf32, #tpu.memory_space<vmem>>) target(%dma_start3A_20 : memref<10240xf32, #tpu.memory_space<vmem_shared>>) offsets(%dma_start3A_18 : memref<80xi32, #tpu.memory_space<vmem>>) semaphore(%arg10 : memref<!tpu.dma_semaphore, #tpu.memory_space<semaphore_mem>>) {add = true}
    %dma_start3A_21 = arith.constant 80 : i32
    %dma_start3A_22 = tpu.memref_slice %arg4[%dma_start3A_21] : memref<20000xi32, #tpu.memory_space<vmem>> -> memref<80xi32, #tpu.memory_space<vmem>>
    %dma_start3A_23 = arith.constant 0 : i32
    %dma_start3A_24 = tpu.memref_slice %arg9[%dma_start3A_23] : memref<10240xf32, #tpu.memory_space<vmem_shared>> -> memref<10240xf32, #tpu.memory_space<vmem_shared>>
    tpu.enqueue_indirect_dma source(%arg5 : memref<80xf32, #tpu.memory_space<vmem>>) target(%dma_start3A_24 : memref<10240xf32, #tpu.memory_space<vmem_shared>>) offsets(%dma_start3A_22 : memref<80xi32, #tpu.memory_space<vmem>>) semaphore(%arg10 : memref<!tpu.dma_semaphore, #tpu.memory_space<semaphore_mem>>) {add = true}
    %dma_start3A_25 = arith.constant 160 : i32
    %dma_start3A_26 = tpu.memref_slice %arg4[%dma_start3A_25] : memref<20000xi32, #tpu.memory_space<vmem>> -> memref<80xi32, #tpu.memory_space<vmem>>
    %dma_start3A_27 = arith.constant 0 : i32
    %dma_start3A_28 = tpu.memref_slice %arg9[%dma_start3A_27] : memref<10240xf32, #tpu.memory_space<vmem_shared>> -> memref<10240xf32, #tpu.memory_space<vmem_shared>>
    tpu.enqueue_indirect_dma source(%arg5 : memref<80xf32, #tpu.memory_space<vmem>>) target(%dma_start3A_28 : memref<10240xf32, #tpu.memory_space<vmem_shared>>) offsets(%dma_start3A_26 : memref<80xi32, #tpu.memory_space<vmem>>) semaphore(%arg10 : memref<!tpu.dma_semaphore, #tpu.memory_space<semaphore_mem>>) {add = true}
    %dma_start3A_29 = arith.constant 240 : i32
    %dma_start3A_30 = tpu.memref_slice %arg4[%dma_start3A_29] : memref<20000xi32, #tpu.memory_space<vmem>> -> memref<80xi32, #tpu.memory_space<vmem>>
    %dma_start3A_31 = arith.constant 0 : i32
    %dma_start3A_32 = tpu.memref_slice %arg9[%dma_start3A_31] : memref<10240xf32, #tpu.memory_space<vmem_shared>> -> memref<10240xf32, #tpu.memory_space<vmem_shared>>
    tpu.enqueue_indirect_dma source(%arg5 : memref<80xf32, #tpu.memory_space<vmem>>) target(%dma_start3A_32 : memref<10240xf32, #tpu.memory_space<vmem_shared>>) offsets(%dma_start3A_30 : memref<80xi32, #tpu.memory_space<vmem>>) semaphore(%arg10 : memref<!tpu.dma_semaphore, #tpu.memory_space<semaphore_mem>>) {add = true}
    %dma_start3A_33 = arith.constant 320 : i32
    %dma_start3A_34 = tpu.memref_slice %arg4[%dma_start3A_33] : memref<20000xi32, #tpu.memory_space<vmem>> -> memref<80xi32, #tpu.memory_space<vmem>>
    %dma_start3A_35 = arith.constant 0 : i32
    %dma_start3A_36 = tpu.memref_slice %arg9[%dma_start3A_35] : memref<10240xf32, #tpu.memory_space<vmem_shared>> -> memref<10240xf32, #tpu.memory_space<vmem_shared>>
    tpu.enqueue_indirect_dma source(%arg5 : memref<80xf32, #tpu.memory_space<vmem>>) target(%dma_start3A_36 : memref<10240xf32, #tpu.memory_space<vmem_shared>>) offsets(%dma_start3A_34 : memref<80xi32, #tpu.memory_space<vmem>>) semaphore(%arg10 : memref<!tpu.dma_semaphore, #tpu.memory_space<semaphore_mem>>) {add = true}
    %dma_start3A_37 = arith.constant 400 : i32
    %dma_start3A_38 = tpu.memref_slice %arg4[%dma_start3A_37] : memref<20000xi32, #tpu.memory_space<vmem>> -> memref<80xi32, #tpu.memory_space<vmem>>
    %dma_start3A_39 = arith.constant 0 : i32
    %dma_start3A_40 = tpu.memref_slice %arg9[%dma_start3A_39] : memref<10240xf32, #tpu.memory_space<vmem_shared>> -> memref<10240xf32, #tpu.memory_space<vmem_shared>>
    tpu.enqueue_indirect_dma source(%arg5 : memref<80xf32, #tpu.memory_space<vmem>>) target(%dma_start3A_40 : memref<10240xf32, #tpu.memory_space<vmem_shared>>) offsets(%dma_start3A_38 : memref<80xi32, #tpu.memory_space<vmem>>) semaphore(%arg10 : memref<!tpu.dma_semaphore, #tpu.memory_space<semaphore_mem>>) {add = true}
    %dma_start3A_41 = arith.constant 480 : i32
    %dma_start3A_42 = tpu.memref_slice %arg4[%dma_start3A_41] : memref<20000xi32, #tpu.memory_space<vmem>> -> memref<80xi32, #tpu.memory_space<vmem>>
    %dma_start3A_43 = arith.constant 0 : i32
    %dma_start3A_44 = tpu.memref_slice %arg9[%dma_start3A_43] : memref<10240xf32, #tpu.memory_space<vmem_shared>> -> memref<10240xf32, #tpu.memory_space<vmem_shared>>
    tpu.enqueue_indirect_dma source(%arg5 : memref<80xf32, #tpu.memory_space<vmem>>) target(%dma_start3A_44 : memref<10240xf32, #tpu.memory_space<vmem_shared>>) offsets(%dma_start3A_42 : memref<80xi32, #tpu.memory_space<vmem>>) semaphore(%arg10 : memref<!tpu.dma_semaphore, #tpu.memory_space<semaphore_mem>>) {add = true}
    %dma_start3A_45 = arith.constant 560 : i32
    %dma_start3A_46 = tpu.memref_slice %arg4[%dma_start3A_45] : memref<20000xi32, #tpu.memory_space<vmem>> -> memref<80xi32, #tpu.memory_space<vmem>>
    %dma_start3A_47 = arith.constant 0 : i32
    %dma_start3A_48 = tpu.memref_slice %arg9[%dma_start3A_47] : memref<10240xf32, #tpu.memory_space<vmem_shared>> -> memref<10240xf32, #tpu.memory_space<vmem_shared>>
    tpu.enqueue_indirect_dma source(%arg5 : memref<80xf32, #tpu.memory_space<vmem>>) target(%dma_start3A_48 : memref<10240xf32, #tpu.memory_space<vmem_shared>>) offsets(%dma_start3A_46 : memref<80xi32, #tpu.memory_space<vmem>>) semaphore(%arg10 : memref<!tpu.dma_semaphore, #tpu.memory_space<semaphore_mem>>) {add = true}
    %dma_start3A_49 = arith.constant 640 : i32
    %dma_start3A_50 = tpu.memref_slice %arg4[%dma_start3A_49] : memref<20000xi32, #tpu.memory_space<vmem>> -> memref<80xi32, #tpu.memory_space<vmem>>
    %dma_start3A_51 = arith.constant 0 : i32
    %dma_start3A_52 = tpu.memref_slice %arg9[%dma_start3A_51] : memref<10240xf32, #tpu.memory_space<vmem_shared>> -> memref<10240xf32, #tpu.memory_space<vmem_shared>>
    tpu.enqueue_indirect_dma source(%arg5 : memref<80xf32, #tpu.memory_space<vmem>>) target(%dma_start3A_52 : memref<10240xf32, #tpu.memory_space<vmem_shared>>) offsets(%dma_start3A_50 : memref<80xi32, #tpu.memory_space<vmem>>) semaphore(%arg10 : memref<!tpu.dma_semaphore, #tpu.memory_space<semaphore_mem>>) {add = true}
    %dma_start3A_53 = arith.constant 720 : i32
    %dma_start3A_54 = tpu.memref_slice %arg4[%dma_start3A_53] : memref<20000xi32, #tpu.memory_space<vmem>> -> memref<80xi32, #tpu.memory_space<vmem>>
    %dma_start3A_55 = arith.constant 0 : i32
    %dma_start3A_56 = tpu.memref_slice %arg9[%dma_start3A_55] : memref<10240xf32, #tpu.memory_space<vmem_shared>> -> memref<10240xf32, #tpu.memory_space<vmem_shared>>
    tpu.enqueue_indirect_dma source(%arg5 : memref<80xf32, #tpu.memory_space<vmem>>) target(%dma_start3A_56 : memref<10240xf32, #tpu.memory_space<vmem_shared>>) offsets(%dma_start3A_54 : memref<80xi32, #tpu.memory_space<vmem>>) semaphore(%arg10 : memref<!tpu.dma_semaphore, #tpu.memory_space<semaphore_mem>>) {add = true}
    %scan3A_57 = arith.constant 0 : i32
    %scan3A_58 = arith.constant 0 : i32
    %scan3A_59 = arith.constant 24 : i32
    %scan3A_60 = arith.addi %scan3A_58, %scan3A_59 : i32
    %scan3A_61 = arith.constant 1 : i32
    %scan3A_62 = scf.for %scan3A_113 = %scan3A_58 to %scan3A_60 step %scan3A_61 iter_args(%scan3A_114 = %scan3A_57) -> (i32)  : i32 {
      %jit3A = arith.constant 2 : i32
      %eq3A = arith.constant 0 : i32
      %eq3A_115 = arith.cmpi eq, %jit3A, %eq3A : i32
      %jit3A_116 = arith.constant 1 : i32
      %select_n3A = arith.select %eq3A_115, %jit3A_116, %jit3A : i32
      %rem3A = arith.remsi %scan3A_113, %select_n3A : i32
      %ne3A = arith.constant 0 : i32
      %ne3A_117 = arith.cmpi ne, %rem3A, %ne3A : i32
      %lt3A = arith.constant 0 : i32
      %lt3A_118 = arith.cmpi slt, %rem3A, %lt3A : i32
      %lt3A_119 = arith.constant 0 : i32
      %lt3A_120 = arith.cmpi slt, %select_n3A, %lt3A_119 : i32
      %ne3A_121 = arith.xori %lt3A_118, %lt3A_120 : i1
      %and3A = arith.andi %ne3A_121, %ne3A_117 : i1
      %add3A_122 = arith.addi %rem3A, %select_n3A : i32
      %select_n3A_123 = arith.select %and3A, %add3A_122, %rem3A : i32
      %eq3A_124 = arith.constant 0 : i32
      %eq3A_125 = arith.cmpi eq, %select_n3A_123, %eq3A_124 : i32
      %convert_element_type3A = arith.extui %eq3A_125 : i1 to i32
      %cond3A = arith.constant 0 : i32
      %cond3A_126 = arith.cmpi ne, %convert_element_type3A, %cond3A : i32
      scf.if %cond3A_126 {
        %add3A_149 = arith.constant 1 : i32
        %add3A_150 = arith.addi %scan3A_113, %add3A_149 : i32
        %mul3A_151 = arith.constant 10 : i32
        %mul3A_152 = arith.muli %add3A_150, %mul3A_151 : i32
        %add3A_153 = arith.constant 0 : i32
        %add3A_154 = arith.addi %mul3A_152, %add3A_153 : i32
        %mul3A_155 = arith.constant 80 : i32
        %mul3A_156 = arith.muli %add3A_154, %mul3A_155 : i32
        %dma_start3A_157 = tpu.memref_slice %arg4[%mul3A_156] : memref<20000xi32, #tpu.memory_space<vmem>> -> memref<80xi32, #tpu.memory_space<vmem>>
        %dma_start3A_158 = arith.constant 0 : i32
        %dma_start3A_159 = tpu.memref_slice %arg9[%dma_start3A_158] : memref<10240xf32, #tpu.memory_space<vmem_shared>> -> memref<10240xf32, #tpu.memory_space<vmem_shared>>
        tpu.enqueue_indirect_dma source(%arg5 : memref<80xf32, #tpu.memory_space<vmem>>) target(%dma_start3A_159 : memref<10240xf32, #tpu.memory_space<vmem_shared>>) offsets(%dma_start3A_157 : memref<80xi32, #tpu.memory_space<vmem>>) semaphore(%arg11 : memref<!tpu.dma_semaphore, #tpu.memory_space<semaphore_mem>>) {add = true}
        %mul3A_160 = arith.constant 10 : i32
        %mul3A_161 = arith.muli %add3A_150, %mul3A_160 : i32
        %add3A_162 = arith.constant 1 : i32
        %add3A_163 = arith.addi %mul3A_161, %add3A_162 : i32
        %mul3A_164 = arith.constant 80 : i32
        %mul3A_165 = arith.muli %add3A_163, %mul3A_164 : i32
        %dma_start3A_166 = tpu.memref_slice %arg4[%mul3A_165] : memref<20000xi32, #tpu.memory_space<vmem>> -> memref<80xi32, #tpu.memory_space<vmem>>
        %dma_start3A_167 = arith.constant 0 : i32
        %dma_start3A_168 = tpu.memref_slice %arg9[%dma_start3A_167] : memref<10240xf32, #tpu.memory_space<vmem_shared>> -> memref<10240xf32, #tpu.memory_space<vmem_shared>>
        tpu.enqueue_indirect_dma source(%arg5 : memref<80xf32, #tpu.memory_space<vmem>>) target(%dma_start3A_168 : memref<10240xf32, #tpu.memory_space<vmem_shared>>) offsets(%dma_start3A_166 : memref<80xi32, #tpu.memory_space<vmem>>) semaphore(%arg11 : memref<!tpu.dma_semaphore, #tpu.memory_space<semaphore_mem>>) {add = true}
        %mul3A_169 = arith.constant 10 : i32
        %mul3A_170 = arith.muli %add3A_150, %mul3A_169 : i32
        %add3A_171 = arith.constant 2 : i32
        %add3A_172 = arith.addi %mul3A_170, %add3A_171 : i32
        %mul3A_173 = arith.constant 80 : i32
        %mul3A_174 = arith.muli %add3A_172, %mul3A_173 : i32
        %dma_start3A_175 = tpu.memref_slice %arg4[%mul3A_174] : memref<20000xi32, #tpu.memory_space<vmem>> -> memref<80xi32, #tpu.memory_space<vmem>>
        %dma_start3A_176 = arith.constant 0 : i32
        %dma_start3A_177 = tpu.memref_slice %arg9[%dma_start3A_176] : memref<10240xf32, #tpu.memory_space<vmem_shared>> -> memref<10240xf32, #tpu.memory_space<vmem_shared>>
        tpu.enqueue_indirect_dma source(%arg5 : memref<80xf32, #tpu.memory_space<vmem>>) target(%dma_start3A_177 : memref<10240xf32, #tpu.memory_space<vmem_shared>>) offsets(%dma_start3A_175 : memref<80xi32, #tpu.memory_space<vmem>>) semaphore(%arg11 : memref<!tpu.dma_semaphore, #tpu.memory_space<semaphore_mem>>) {add = true}
        %mul3A_178 = arith.constant 10 : i32
        %mul3A_179 = arith.muli %add3A_150, %mul3A_178 : i32
        %add3A_180 = arith.constant 3 : i32
        %add3A_181 = arith.addi %mul3A_179, %add3A_180 : i32
        %mul3A_182 = arith.constant 80 : i32
        %mul3A_183 = arith.muli %add3A_181, %mul3A_182 : i32
        %dma_start3A_184 = tpu.memref_slice %arg4[%mul3A_183] : memref<20000xi32, #tpu.memory_space<vmem>> -> memref<80xi32, #tpu.memory_space<vmem>>
        %dma_start3A_185 = arith.constant 0 : i32
        %dma_start3A_186 = tpu.memref_slice %arg9[%dma_start3A_185] : memref<10240xf32, #tpu.memory_space<vmem_shared>> -> memref<10240xf32, #tpu.memory_space<vmem_shared>>
        tpu.enqueue_indirect_dma source(%arg5 : memref<80xf32, #tpu.memory_space<vmem>>) target(%dma_start3A_186 : memref<10240xf32, #tpu.memory_space<vmem_shared>>) offsets(%dma_start3A_184 : memref<80xi32, #tpu.memory_space<vmem>>) semaphore(%arg11 : memref<!tpu.dma_semaphore, #tpu.memory_space<semaphore_mem>>) {add = true}
        %mul3A_187 = arith.constant 10 : i32
        %mul3A_188 = arith.muli %add3A_150, %mul3A_187 : i32
        %add3A_189 = arith.constant 4 : i32
        %add3A_190 = arith.addi %mul3A_188, %add3A_189 : i32
        %mul3A_191 = arith.constant 80 : i32
        %mul3A_192 = arith.muli %add3A_190, %mul3A_191 : i32
        %dma_start3A_193 = tpu.memref_slice %arg4[%mul3A_192] : memref<20000xi32, #tpu.memory_space<vmem>> -> memref<80xi32, #tpu.memory_space<vmem>>
        %dma_start3A_194 = arith.constant 0 : i32
        %dma_start3A_195 = tpu.memref_slice %arg9[%dma_start3A_194] : memref<10240xf32, #tpu.memory_space<vmem_shared>> -> memref<10240xf32, #tpu.memory_space<vmem_shared>>
        tpu.enqueue_indirect_dma source(%arg5 : memref<80xf32, #tpu.memory_space<vmem>>) target(%dma_start3A_195 : memref<10240xf32, #tpu.memory_space<vmem_shared>>) offsets(%dma_start3A_193 : memref<80xi32, #tpu.memory_space<vmem>>) semaphore(%arg11 : memref<!tpu.dma_semaphore, #tpu.memory_space<semaphore_mem>>) {add = true}
        %mul3A_196 = arith.constant 10 : i32
        %mul3A_197 = arith.muli %add3A_150, %mul3A_196 : i32
        %add3A_198 = arith.constant 5 : i32
        %add3A_199 = arith.addi %mul3A_197, %add3A_198 : i32
        %mul3A_200 = arith.constant 80 : i32
        %mul3A_201 = arith.muli %add3A_199, %mul3A_200 : i32
        %dma_start3A_202 = tpu.memref_slice %arg4[%mul3A_201] : memref<20000xi32, #tpu.memory_space<vmem>> -> memref<80xi32, #tpu.memory_space<vmem>>
        %dma_start3A_203 = arith.constant 0 : i32
        %dma_start3A_204 = tpu.memref_slice %arg9[%dma_start3A_203] : memref<10240xf32, #tpu.memory_space<vmem_shared>> -> memref<10240xf32, #tpu.memory_space<vmem_shared>>
        tpu.enqueue_indirect_dma source(%arg5 : memref<80xf32, #tpu.memory_space<vmem>>) target(%dma_start3A_204 : memref<10240xf32, #tpu.memory_space<vmem_shared>>) offsets(%dma_start3A_202 : memref<80xi32, #tpu.memory_space<vmem>>) semaphore(%arg11 : memref<!tpu.dma_semaphore, #tpu.memory_space<semaphore_mem>>) {add = true}
        %mul3A_205 = arith.constant 10 : i32
        %mul3A_206 = arith.muli %add3A_150, %mul3A_205 : i32
        %add3A_207 = arith.constant 6 : i32
        %add3A_208 = arith.addi %mul3A_206, %add3A_207 : i32
        %mul3A_209 = arith.constant 80 : i32
        %mul3A_210 = arith.muli %add3A_208, %mul3A_209 : i32
        %dma_start3A_211 = tpu.memref_slice %arg4[%mul3A_210] : memref<20000xi32, #tpu.memory_space<vmem>> -> memref<80xi32, #tpu.memory_space<vmem>>
        %dma_start3A_212 = arith.constant 0 : i32
        %dma_start3A_213 = tpu.memref_slice %arg9[%dma_start3A_212] : memref<10240xf32, #tpu.memory_space<vmem_shared>> -> memref<10240xf32, #tpu.memory_space<vmem_shared>>
        tpu.enqueue_indirect_dma source(%arg5 : memref<80xf32, #tpu.memory_space<vmem>>) target(%dma_start3A_213 : memref<10240xf32, #tpu.memory_space<vmem_shared>>) offsets(%dma_start3A_211 : memref<80xi32, #tpu.memory_space<vmem>>) semaphore(%arg11 : memref<!tpu.dma_semaphore, #tpu.memory_space<semaphore_mem>>) {add = true}
        %mul3A_214 = arith.constant 10 : i32
        %mul3A_215 = arith.muli %add3A_150, %mul3A_214 : i32
        %add3A_216 = arith.constant 7 : i32
        %add3A_217 = arith.addi %mul3A_215, %add3A_216 : i32
        %mul3A_218 = arith.constant 80 : i32
        %mul3A_219 = arith.muli %add3A_217, %mul3A_218 : i32
        %dma_start3A_220 = tpu.memref_slice %arg4[%mul3A_219] : memref<20000xi32, #tpu.memory_space<vmem>> -> memref<80xi32, #tpu.memory_space<vmem>>
        %dma_start3A_221 = arith.constant 0 : i32
        %dma_start3A_222 = tpu.memref_slice %arg9[%dma_start3A_221] : memref<10240xf32, #tpu.memory_space<vmem_shared>> -> memref<10240xf32, #tpu.memory_space<vmem_shared>>
        tpu.enqueue_indirect_dma source(%arg5 : memref<80xf32, #tpu.memory_space<vmem>>) target(%dma_start3A_222 : memref<10240xf32, #tpu.memory_space<vmem_shared>>) offsets(%dma_start3A_220 : memref<80xi32, #tpu.memory_space<vmem>>) semaphore(%arg11 : memref<!tpu.dma_semaphore, #tpu.memory_space<semaphore_mem>>) {add = true}
        %mul3A_223 = arith.constant 10 : i32
        %mul3A_224 = arith.muli %add3A_150, %mul3A_223 : i32
        %add3A_225 = arith.constant 8 : i32
        %add3A_226 = arith.addi %mul3A_224, %add3A_225 : i32
        %mul3A_227 = arith.constant 80 : i32
        %mul3A_228 = arith.muli %add3A_226, %mul3A_227 : i32
        %dma_start3A_229 = tpu.memref_slice %arg4[%mul3A_228] : memref<20000xi32, #tpu.memory_space<vmem>> -> memref<80xi32, #tpu.memory_space<vmem>>
        %dma_start3A_230 = arith.constant 0 : i32
        %dma_start3A_231 = tpu.memref_slice %arg9[%dma_start3A_230] : memref<10240xf32, #tpu.memory_space<vmem_shared>> -> memref<10240xf32, #tpu.memory_space<vmem_shared>>
        tpu.enqueue_indirect_dma source(%arg5 : memref<80xf32, #tpu.memory_space<vmem>>) target(%dma_start3A_231 : memref<10240xf32, #tpu.memory_space<vmem_shared>>) offsets(%dma_start3A_229 : memref<80xi32, #tpu.memory_space<vmem>>) semaphore(%arg11 : memref<!tpu.dma_semaphore, #tpu.memory_space<semaphore_mem>>) {add = true}
        %mul3A_232 = arith.constant 10 : i32
        %mul3A_233 = arith.muli %add3A_150, %mul3A_232 : i32
        %add3A_234 = arith.constant 9 : i32
        %add3A_235 = arith.addi %mul3A_233, %add3A_234 : i32
        %mul3A_236 = arith.constant 80 : i32
        %mul3A_237 = arith.muli %add3A_235, %mul3A_236 : i32
        %dma_start3A_238 = tpu.memref_slice %arg4[%mul3A_237] : memref<20000xi32, #tpu.memory_space<vmem>> -> memref<80xi32, #tpu.memory_space<vmem>>
        %dma_start3A_239 = arith.constant 0 : i32
        %dma_start3A_240 = tpu.memref_slice %arg9[%dma_start3A_239] : memref<10240xf32, #tpu.memory_space<vmem_shared>> -> memref<10240xf32, #tpu.memory_space<vmem_shared>>
        tpu.enqueue_indirect_dma source(%arg5 : memref<80xf32, #tpu.memory_space<vmem>>) target(%dma_start3A_240 : memref<10240xf32, #tpu.memory_space<vmem_shared>>) offsets(%dma_start3A_238 : memref<80xi32, #tpu.memory_space<vmem>>) semaphore(%arg11 : memref<!tpu.dma_semaphore, #tpu.memory_space<semaphore_mem>>) {add = true}
        %mul3A_241 = arith.constant 10 : i32
        %mul3A_242 = arith.muli %scan3A_113, %mul3A_241 : i32
        %add3A_243 = arith.constant 0 : i32
        %add3A_244 = arith.addi %mul3A_242, %add3A_243 : i32
        %mul3A_245 = arith.constant 80 : i32
        %mul3A_246 = arith.muli %add3A_244, %mul3A_245 : i32
        %dma_wait3A_247 = tpu.memref_slice %arg4[%mul3A_246] : memref<20000xi32, #tpu.memory_space<vmem>> -> memref<80xi32, #tpu.memory_space<vmem>>
        %dma_wait3A_248 = arith.constant 0 : i32
        %dma_wait3A_249 = tpu.memref_slice %arg9[%dma_wait3A_248] : memref<10240xf32, #tpu.memory_space<vmem_shared>> -> memref<10240xf32, #tpu.memory_space<vmem_shared>>
        tpu.wait_indirect_dma semaphore(%arg10 : memref<!tpu.dma_semaphore, #tpu.memory_space<semaphore_mem>>) src(%arg5 : memref<80xf32, #tpu.memory_space<vmem>>) dst(%dma_wait3A_249 : memref<10240xf32, #tpu.memory_space<vmem_shared>>)
        %mul3A_250 = arith.constant 10 : i32
        %mul3A_251 = arith.muli %scan3A_113, %mul3A_250 : i32
        %add3A_252 = arith.constant 1 : i32
        %add3A_253 = arith.addi %mul3A_251, %add3A_252 : i32
        %mul3A_254 = arith.constant 80 : i32
        %mul3A_255 = arith.muli %add3A_253, %mul3A_254 : i32
        %dma_wait3A_256 = tpu.memref_slice %arg4[%mul3A_255] : memref<20000xi32, #tpu.memory_space<vmem>> -> memref<80xi32, #tpu.memory_space<vmem>>
        %dma_wait3A_257 = arith.constant 0 : i32
        %dma_wait3A_258 = tpu.memref_slice %arg9[%dma_wait3A_257] : memref<10240xf32, #tpu.memory_space<vmem_shared>> -> memref<10240xf32, #tpu.memory_space<vmem_shared>>
        tpu.wait_indirect_dma semaphore(%arg10 : memref<!tpu.dma_semaphore, #tpu.memory_space<semaphore_mem>>) src(%arg5 : memref<80xf32, #tpu.memory_space<vmem>>) dst(%dma_wait3A_258 : memref<10240xf32, #tpu.memory_space<vmem_shared>>)
        %mul3A_259 = arith.constant 10 : i32
        %mul3A_260 = arith.muli %scan3A_113, %mul3A_259 : i32
        %add3A_261 = arith.constant 2 : i32
        %add3A_262 = arith.addi %mul3A_260, %add3A_261 : i32
        %mul3A_263 = arith.constant 80 : i32
        %mul3A_264 = arith.muli %add3A_262, %mul3A_263 : i32
        %dma_wait3A_265 = tpu.memref_slice %arg4[%mul3A_264] : memref<20000xi32, #tpu.memory_space<vmem>> -> memref<80xi32, #tpu.memory_space<vmem>>
        %dma_wait3A_266 = arith.constant 0 : i32
        %dma_wait3A_267 = tpu.memref_slice %arg9[%dma_wait3A_266] : memref<10240xf32, #tpu.memory_space<vmem_shared>> -> memref<10240xf32, #tpu.memory_space<vmem_shared>>
        tpu.wait_indirect_dma semaphore(%arg10 : memref<!tpu.dma_semaphore, #tpu.memory_space<semaphore_mem>>) src(%arg5 : memref<80xf32, #tpu.memory_space<vmem>>) dst(%dma_wait3A_267 : memref<10240xf32, #tpu.memory_space<vmem_shared>>)
        %mul3A_268 = arith.constant 10 : i32
        %mul3A_269 = arith.muli %scan3A_113, %mul3A_268 : i32
        %add3A_270 = arith.constant 3 : i32
        %add3A_271 = arith.addi %mul3A_269, %add3A_270 : i32
        %mul3A_272 = arith.constant 80 : i32
        %mul3A_273 = arith.muli %add3A_271, %mul3A_272 : i32
        %dma_wait3A_274 = tpu.memref_slice %arg4[%mul3A_273] : memref<20000xi32, #tpu.memory_space<vmem>> -> memref<80xi32, #tpu.memory_space<vmem>>
        %dma_wait3A_275 = arith.constant 0 : i32
        %dma_wait3A_276 = tpu.memref_slice %arg9[%dma_wait3A_275] : memref<10240xf32, #tpu.memory_space<vmem_shared>> -> memref<10240xf32, #tpu.memory_space<vmem_shared>>
        tpu.wait_indirect_dma semaphore(%arg10 : memref<!tpu.dma_semaphore, #tpu.memory_space<semaphore_mem>>) src(%arg5 : memref<80xf32, #tpu.memory_space<vmem>>) dst(%dma_wait3A_276 : memref<10240xf32, #tpu.memory_space<vmem_shared>>)
        %mul3A_277 = arith.constant 10 : i32
        %mul3A_278 = arith.muli %scan3A_113, %mul3A_277 : i32
        %add3A_279 = arith.constant 4 : i32
        %add3A_280 = arith.addi %mul3A_278, %add3A_279 : i32
        %mul3A_281 = arith.constant 80 : i32
        %mul3A_282 = arith.muli %add3A_280, %mul3A_281 : i32
        %dma_wait3A_283 = tpu.memref_slice %arg4[%mul3A_282] : memref<20000xi32, #tpu.memory_space<vmem>> -> memref<80xi32, #tpu.memory_space<vmem>>
        %dma_wait3A_284 = arith.constant 0 : i32
        %dma_wait3A_285 = tpu.memref_slice %arg9[%dma_wait3A_284] : memref<10240xf32, #tpu.memory_space<vmem_shared>> -> memref<10240xf32, #tpu.memory_space<vmem_shared>>
        tpu.wait_indirect_dma semaphore(%arg10 : memref<!tpu.dma_semaphore, #tpu.memory_space<semaphore_mem>>) src(%arg5 : memref<80xf32, #tpu.memory_space<vmem>>) dst(%dma_wait3A_285 : memref<10240xf32, #tpu.memory_space<vmem_shared>>)
        %mul3A_286 = arith.constant 10 : i32
        %mul3A_287 = arith.muli %scan3A_113, %mul3A_286 : i32
        %add3A_288 = arith.constant 5 : i32
        %add3A_289 = arith.addi %mul3A_287, %add3A_288 : i32
        %mul3A_290 = arith.constant 80 : i32
        %mul3A_291 = arith.muli %add3A_289, %mul3A_290 : i32
        %dma_wait3A_292 = tpu.memref_slice %arg4[%mul3A_291] : memref<20000xi32, #tpu.memory_space<vmem>> -> memref<80xi32, #tpu.memory_space<vmem>>
        %dma_wait3A_293 = arith.constant 0 : i32
        %dma_wait3A_294 = tpu.memref_slice %arg9[%dma_wait3A_293] : memref<10240xf32, #tpu.memory_space<vmem_shared>> -> memref<10240xf32, #tpu.memory_space<vmem_shared>>
        tpu.wait_indirect_dma semaphore(%arg10 : memref<!tpu.dma_semaphore, #tpu.memory_space<semaphore_mem>>) src(%arg5 : memref<80xf32, #tpu.memory_space<vmem>>) dst(%dma_wait3A_294 : memref<10240xf32, #tpu.memory_space<vmem_shared>>)
        %mul3A_295 = arith.constant 10 : i32
        %mul3A_296 = arith.muli %scan3A_113, %mul3A_295 : i32
        %add3A_297 = arith.constant 6 : i32
        %add3A_298 = arith.addi %mul3A_296, %add3A_297 : i32
        %mul3A_299 = arith.constant 80 : i32
        %mul3A_300 = arith.muli %add3A_298, %mul3A_299 : i32
        %dma_wait3A_301 = tpu.memref_slice %arg4[%mul3A_300] : memref<20000xi32, #tpu.memory_space<vmem>> -> memref<80xi32, #tpu.memory_space<vmem>>
        %dma_wait3A_302 = arith.constant 0 : i32
        %dma_wait3A_303 = tpu.memref_slice %arg9[%dma_wait3A_302] : memref<10240xf32, #tpu.memory_space<vmem_shared>> -> memref<10240xf32, #tpu.memory_space<vmem_shared>>
        tpu.wait_indirect_dma semaphore(%arg10 : memref<!tpu.dma_semaphore, #tpu.memory_space<semaphore_mem>>) src(%arg5 : memref<80xf32, #tpu.memory_space<vmem>>) dst(%dma_wait3A_303 : memref<10240xf32, #tpu.memory_space<vmem_shared>>)
        %mul3A_304 = arith.constant 10 : i32
        %mul3A_305 = arith.muli %scan3A_113, %mul3A_304 : i32
        %add3A_306 = arith.constant 7 : i32
        %add3A_307 = arith.addi %mul3A_305, %add3A_306 : i32
        %mul3A_308 = arith.constant 80 : i32
        %mul3A_309 = arith.muli %add3A_307, %mul3A_308 : i32
        %dma_wait3A_310 = tpu.memref_slice %arg4[%mul3A_309] : memref<20000xi32, #tpu.memory_space<vmem>> -> memref<80xi32, #tpu.memory_space<vmem>>
        %dma_wait3A_311 = arith.constant 0 : i32
        %dma_wait3A_312 = tpu.memref_slice %arg9[%dma_wait3A_311] : memref<10240xf32, #tpu.memory_space<vmem_shared>> -> memref<10240xf32, #tpu.memory_space<vmem_shared>>
        tpu.wait_indirect_dma semaphore(%arg10 : memref<!tpu.dma_semaphore, #tpu.memory_space<semaphore_mem>>) src(%arg5 : memref<80xf32, #tpu.memory_space<vmem>>) dst(%dma_wait3A_312 : memref<10240xf32, #tpu.memory_space<vmem_shared>>)
        %mul3A_313 = arith.constant 10 : i32
        %mul3A_314 = arith.muli %scan3A_113, %mul3A_313 : i32
        %add3A_315 = arith.constant 8 : i32
        %add3A_316 = arith.addi %mul3A_314, %add3A_315 : i32
        %mul3A_317 = arith.constant 80 : i32
        %mul3A_318 = arith.muli %add3A_316, %mul3A_317 : i32
        %dma_wait3A_319 = tpu.memref_slice %arg4[%mul3A_318] : memref<20000xi32, #tpu.memory_space<vmem>> -> memref<80xi32, #tpu.memory_space<vmem>>
        %dma_wait3A_320 = arith.constant 0 : i32
        %dma_wait3A_321 = tpu.memref_slice %arg9[%dma_wait3A_320] : memref<10240xf32, #tpu.memory_space<vmem_shared>> -> memref<10240xf32, #tpu.memory_space<vmem_shared>>
        tpu.wait_indirect_dma semaphore(%arg10 : memref<!tpu.dma_semaphore, #tpu.memory_space<semaphore_mem>>) src(%arg5 : memref<80xf32, #tpu.memory_space<vmem>>) dst(%dma_wait3A_321 : memref<10240xf32, #tpu.memory_space<vmem_shared>>)
        %mul3A_322 = arith.constant 10 : i32
        %mul3A_323 = arith.muli %scan3A_113, %mul3A_322 : i32
        %add3A_324 = arith.constant 9 : i32
        %add3A_325 = arith.addi %mul3A_323, %add3A_324 : i32
        %mul3A_326 = arith.constant 80 : i32
        %mul3A_327 = arith.muli %add3A_325, %mul3A_326 : i32
        %dma_wait3A_328 = tpu.memref_slice %arg4[%mul3A_327] : memref<20000xi32, #tpu.memory_space<vmem>> -> memref<80xi32, #tpu.memory_space<vmem>>
        %dma_wait3A_329 = arith.constant 0 : i32
        %dma_wait3A_330 = tpu.memref_slice %arg9[%dma_wait3A_329] : memref<10240xf32, #tpu.memory_space<vmem_shared>> -> memref<10240xf32, #tpu.memory_space<vmem_shared>>
        tpu.wait_indirect_dma semaphore(%arg10 : memref<!tpu.dma_semaphore, #tpu.memory_space<semaphore_mem>>) src(%arg5 : memref<80xf32, #tpu.memory_space<vmem>>) dst(%dma_wait3A_330 : memref<10240xf32, #tpu.memory_space<vmem_shared>>)
      } else {
      }
      %jit3A_127 = arith.constant 2 : i32
      %eq3A_128 = arith.constant 0 : i32
      %eq3A_129 = arith.cmpi eq, %jit3A_127, %eq3A_128 : i32
      %jit3A_130 = arith.constant 1 : i32
      %select_n3A_131 = arith.select %eq3A_129, %jit3A_130, %jit3A_127 : i32
      %rem3A_132 = arith.remsi %scan3A_113, %select_n3A_131 : i32
      %ne3A_133 = arith.constant 0 : i32
      %ne3A_134 = arith.cmpi ne, %rem3A_132, %ne3A_133 : i32
      %lt3A_135 = arith.constant 0 : i32
      %lt3A_136 = arith.cmpi slt, %rem3A_132, %lt3A_135 : i32
      %lt3A_137 = arith.constant 0 : i32
      %lt3A_138 = arith.cmpi slt, %select_n3A_131, %lt3A_137 : i32
      %ne3A_139 = arith.xori %lt3A_136, %lt3A_138 : i1
      %and3A_140 = arith.andi %ne3A_139, %ne3A_134 : i1
      %add3A_141 = arith.addi %rem3A_132, %select_n3A_131 : i32
      %select_n3A_142 = arith.select %and3A_140, %add3A_141, %rem3A_132 : i32
      %eq3A_143 = arith.constant 1 : i32
      %eq3A_144 = arith.cmpi eq, %select_n3A_142, %eq3A_143 : i32
      %convert_element_type3A_145 = arith.extui %eq3A_144 : i1 to i32
      %cond3A_146 = arith.constant 0 : i32
      %cond3A_147 = arith.cmpi ne, %convert_element_type3A_145, %cond3A_146 : i32
      scf.if %cond3A_147 {
        %add3A_149 = arith.constant 1 : i32
        %add3A_150 = arith.addi %scan3A_113, %add3A_149 : i32
        %mul3A_151 = arith.constant 10 : i32
        %mul3A_152 = arith.muli %add3A_150, %mul3A_151 : i32
        %add3A_153 = arith.constant 0 : i32
        %add3A_154 = arith.addi %mul3A_152, %add3A_153 : i32
        %mul3A_155 = arith.constant 80 : i32
        %mul3A_156 = arith.muli %add3A_154, %mul3A_155 : i32
        %dma_start3A_157 = tpu.memref_slice %arg4[%mul3A_156] : memref<20000xi32, #tpu.memory_space<vmem>> -> memref<80xi32, #tpu.memory_space<vmem>>
        %dma_start3A_158 = arith.constant 0 : i32
        %dma_start3A_159 = tpu.memref_slice %arg9[%dma_start3A_158] : memref<10240xf32, #tpu.memory_space<vmem_shared>> -> memref<10240xf32, #tpu.memory_space<vmem_shared>>
        tpu.enqueue_indirect_dma source(%arg5 : memref<80xf32, #tpu.memory_space<vmem>>) target(%dma_start3A_159 : memref<10240xf32, #tpu.memory_space<vmem_shared>>) offsets(%dma_start3A_157 : memref<80xi32, #tpu.memory_space<vmem>>) semaphore(%arg10 : memref<!tpu.dma_semaphore, #tpu.memory_space<semaphore_mem>>) {add = true}
        %mul3A_160 = arith.constant 10 : i32
        %mul3A_161 = arith.muli %add3A_150, %mul3A_160 : i32
        %add3A_162 = arith.constant 1 : i32
        %add3A_163 = arith.addi %mul3A_161, %add3A_162 : i32
        %mul3A_164 = arith.constant 80 : i32
        %mul3A_165 = arith.muli %add3A_163, %mul3A_164 : i32
        %dma_start3A_166 = tpu.memref_slice %arg4[%mul3A_165] : memref<20000xi32, #tpu.memory_space<vmem>> -> memref<80xi32, #tpu.memory_space<vmem>>
        %dma_start3A_167 = arith.constant 0 : i32
        %dma_start3A_168 = tpu.memref_slice %arg9[%dma_start3A_167] : memref<10240xf32, #tpu.memory_space<vmem_shared>> -> memref<10240xf32, #tpu.memory_space<vmem_shared>>
        tpu.enqueue_indirect_dma source(%arg5 : memref<80xf32, #tpu.memory_space<vmem>>) target(%dma_start3A_168 : memref<10240xf32, #tpu.memory_space<vmem_shared>>) offsets(%dma_start3A_166 : memref<80xi32, #tpu.memory_space<vmem>>) semaphore(%arg10 : memref<!tpu.dma_semaphore, #tpu.memory_space<semaphore_mem>>) {add = true}
        %mul3A_169 = arith.constant 10 : i32
        %mul3A_170 = arith.muli %add3A_150, %mul3A_169 : i32
        %add3A_171 = arith.constant 2 : i32
        %add3A_172 = arith.addi %mul3A_170, %add3A_171 : i32
        %mul3A_173 = arith.constant 80 : i32
        %mul3A_174 = arith.muli %add3A_172, %mul3A_173 : i32
        %dma_start3A_175 = tpu.memref_slice %arg4[%mul3A_174] : memref<20000xi32, #tpu.memory_space<vmem>> -> memref<80xi32, #tpu.memory_space<vmem>>
        %dma_start3A_176 = arith.constant 0 : i32
        %dma_start3A_177 = tpu.memref_slice %arg9[%dma_start3A_176] : memref<10240xf32, #tpu.memory_space<vmem_shared>> -> memref<10240xf32, #tpu.memory_space<vmem_shared>>
        tpu.enqueue_indirect_dma source(%arg5 : memref<80xf32, #tpu.memory_space<vmem>>) target(%dma_start3A_177 : memref<10240xf32, #tpu.memory_space<vmem_shared>>) offsets(%dma_start3A_175 : memref<80xi32, #tpu.memory_space<vmem>>) semaphore(%arg10 : memref<!tpu.dma_semaphore, #tpu.memory_space<semaphore_mem>>) {add = true}
        %mul3A_178 = arith.constant 10 : i32
        %mul3A_179 = arith.muli %add3A_150, %mul3A_178 : i32
        %add3A_180 = arith.constant 3 : i32
        %add3A_181 = arith.addi %mul3A_179, %add3A_180 : i32
        %mul3A_182 = arith.constant 80 : i32
        %mul3A_183 = arith.muli %add3A_181, %mul3A_182 : i32
        %dma_start3A_184 = tpu.memref_slice %arg4[%mul3A_183] : memref<20000xi32, #tpu.memory_space<vmem>> -> memref<80xi32, #tpu.memory_space<vmem>>
        %dma_start3A_185 = arith.constant 0 : i32
        %dma_start3A_186 = tpu.memref_slice %arg9[%dma_start3A_185] : memref<10240xf32, #tpu.memory_space<vmem_shared>> -> memref<10240xf32, #tpu.memory_space<vmem_shared>>
        tpu.enqueue_indirect_dma source(%arg5 : memref<80xf32, #tpu.memory_space<vmem>>) target(%dma_start3A_186 : memref<10240xf32, #tpu.memory_space<vmem_shared>>) offsets(%dma_start3A_184 : memref<80xi32, #tpu.memory_space<vmem>>) semaphore(%arg10 : memref<!tpu.dma_semaphore, #tpu.memory_space<semaphore_mem>>) {add = true}
        %mul3A_187 = arith.constant 10 : i32
        %mul3A_188 = arith.muli %add3A_150, %mul3A_187 : i32
        %add3A_189 = arith.constant 4 : i32
        %add3A_190 = arith.addi %mul3A_188, %add3A_189 : i32
        %mul3A_191 = arith.constant 80 : i32
        %mul3A_192 = arith.muli %add3A_190, %mul3A_191 : i32
        %dma_start3A_193 = tpu.memref_slice %arg4[%mul3A_192] : memref<20000xi32, #tpu.memory_space<vmem>> -> memref<80xi32, #tpu.memory_space<vmem>>
        %dma_start3A_194 = arith.constant 0 : i32
        %dma_start3A_195 = tpu.memref_slice %arg9[%dma_start3A_194] : memref<10240xf32, #tpu.memory_space<vmem_shared>> -> memref<10240xf32, #tpu.memory_space<vmem_shared>>
        tpu.enqueue_indirect_dma source(%arg5 : memref<80xf32, #tpu.memory_space<vmem>>) target(%dma_start3A_195 : memref<10240xf32, #tpu.memory_space<vmem_shared>>) offsets(%dma_start3A_193 : memref<80xi32, #tpu.memory_space<vmem>>) semaphore(%arg10 : memref<!tpu.dma_semaphore, #tpu.memory_space<semaphore_mem>>) {add = true}
        %mul3A_196 = arith.constant 10 : i32
        %mul3A_197 = arith.muli %add3A_150, %mul3A_196 : i32
        %add3A_198 = arith.constant 5 : i32
        %add3A_199 = arith.addi %mul3A_197, %add3A_198 : i32
        %mul3A_200 = arith.constant 80 : i32
        %mul3A_201 = arith.muli %add3A_199, %mul3A_200 : i32
        %dma_start3A_202 = tpu.memref_slice %arg4[%mul3A_201] : memref<20000xi32, #tpu.memory_space<vmem>> -> memref<80xi32, #tpu.memory_space<vmem>>
        %dma_start3A_203 = arith.constant 0 : i32
        %dma_start3A_204 = tpu.memref_slice %arg9[%dma_start3A_203] : memref<10240xf32, #tpu.memory_space<vmem_shared>> -> memref<10240xf32, #tpu.memory_space<vmem_shared>>
        tpu.enqueue_indirect_dma source(%arg5 : memref<80xf32, #tpu.memory_space<vmem>>) target(%dma_start3A_204 : memref<10240xf32, #tpu.memory_space<vmem_shared>>) offsets(%dma_start3A_202 : memref<80xi32, #tpu.memory_space<vmem>>) semaphore(%arg10 : memref<!tpu.dma_semaphore, #tpu.memory_space<semaphore_mem>>) {add = true}
        %mul3A_205 = arith.constant 10 : i32
        %mul3A_206 = arith.muli %add3A_150, %mul3A_205 : i32
        %add3A_207 = arith.constant 6 : i32
        %add3A_208 = arith.addi %mul3A_206, %add3A_207 : i32
        %mul3A_209 = arith.constant 80 : i32
        %mul3A_210 = arith.muli %add3A_208, %mul3A_209 : i32
        %dma_start3A_211 = tpu.memref_slice %arg4[%mul3A_210] : memref<20000xi32, #tpu.memory_space<vmem>> -> memref<80xi32, #tpu.memory_space<vmem>>
        %dma_start3A_212 = arith.constant 0 : i32
        %dma_start3A_213 = tpu.memref_slice %arg9[%dma_start3A_212] : memref<10240xf32, #tpu.memory_space<vmem_shared>> -> memref<10240xf32, #tpu.memory_space<vmem_shared>>
        tpu.enqueue_indirect_dma source(%arg5 : memref<80xf32, #tpu.memory_space<vmem>>) target(%dma_start3A_213 : memref<10240xf32, #tpu.memory_space<vmem_shared>>) offsets(%dma_start3A_211 : memref<80xi32, #tpu.memory_space<vmem>>) semaphore(%arg10 : memref<!tpu.dma_semaphore, #tpu.memory_space<semaphore_mem>>) {add = true}
        %mul3A_214 = arith.constant 10 : i32
        %mul3A_215 = arith.muli %add3A_150, %mul3A_214 : i32
        %add3A_216 = arith.constant 7 : i32
        %add3A_217 = arith.addi %mul3A_215, %add3A_216 : i32
        %mul3A_218 = arith.constant 80 : i32
        %mul3A_219 = arith.muli %add3A_217, %mul3A_218 : i32
        %dma_start3A_220 = tpu.memref_slice %arg4[%mul3A_219] : memref<20000xi32, #tpu.memory_space<vmem>> -> memref<80xi32, #tpu.memory_space<vmem>>
        %dma_start3A_221 = arith.constant 0 : i32
        %dma_start3A_222 = tpu.memref_slice %arg9[%dma_start3A_221] : memref<10240xf32, #tpu.memory_space<vmem_shared>> -> memref<10240xf32, #tpu.memory_space<vmem_shared>>
        tpu.enqueue_indirect_dma source(%arg5 : memref<80xf32, #tpu.memory_space<vmem>>) target(%dma_start3A_222 : memref<10240xf32, #tpu.memory_space<vmem_shared>>) offsets(%dma_start3A_220 : memref<80xi32, #tpu.memory_space<vmem>>) semaphore(%arg10 : memref<!tpu.dma_semaphore, #tpu.memory_space<semaphore_mem>>) {add = true}
        %mul3A_223 = arith.constant 10 : i32
        %mul3A_224 = arith.muli %add3A_150, %mul3A_223 : i32
        %add3A_225 = arith.constant 8 : i32
        %add3A_226 = arith.addi %mul3A_224, %add3A_225 : i32
        %mul3A_227 = arith.constant 80 : i32
        %mul3A_228 = arith.muli %add3A_226, %mul3A_227 : i32
        %dma_start3A_229 = tpu.memref_slice %arg4[%mul3A_228] : memref<20000xi32, #tpu.memory_space<vmem>> -> memref<80xi32, #tpu.memory_space<vmem>>
        %dma_start3A_230 = arith.constant 0 : i32
        %dma_start3A_231 = tpu.memref_slice %arg9[%dma_start3A_230] : memref<10240xf32, #tpu.memory_space<vmem_shared>> -> memref<10240xf32, #tpu.memory_space<vmem_shared>>
        tpu.enqueue_indirect_dma source(%arg5 : memref<80xf32, #tpu.memory_space<vmem>>) target(%dma_start3A_231 : memref<10240xf32, #tpu.memory_space<vmem_shared>>) offsets(%dma_start3A_229 : memref<80xi32, #tpu.memory_space<vmem>>) semaphore(%arg10 : memref<!tpu.dma_semaphore, #tpu.memory_space<semaphore_mem>>) {add = true}
        %mul3A_232 = arith.constant 10 : i32
        %mul3A_233 = arith.muli %add3A_150, %mul3A_232 : i32
        %add3A_234 = arith.constant 9 : i32
        %add3A_235 = arith.addi %mul3A_233, %add3A_234 : i32
        %mul3A_236 = arith.constant 80 : i32
        %mul3A_237 = arith.muli %add3A_235, %mul3A_236 : i32
        %dma_start3A_238 = tpu.memref_slice %arg4[%mul3A_237] : memref<20000xi32, #tpu.memory_space<vmem>> -> memref<80xi32, #tpu.memory_space<vmem>>
        %dma_start3A_239 = arith.constant 0 : i32
        %dma_start3A_240 = tpu.memref_slice %arg9[%dma_start3A_239] : memref<10240xf32, #tpu.memory_space<vmem_shared>> -> memref<10240xf32, #tpu.memory_space<vmem_shared>>
        tpu.enqueue_indirect_dma source(%arg5 : memref<80xf32, #tpu.memory_space<vmem>>) target(%dma_start3A_240 : memref<10240xf32, #tpu.memory_space<vmem_shared>>) offsets(%dma_start3A_238 : memref<80xi32, #tpu.memory_space<vmem>>) semaphore(%arg10 : memref<!tpu.dma_semaphore, #tpu.memory_space<semaphore_mem>>) {add = true}
        %mul3A_241 = arith.constant 10 : i32
        %mul3A_242 = arith.muli %scan3A_113, %mul3A_241 : i32
        %add3A_243 = arith.constant 0 : i32
        %add3A_244 = arith.addi %mul3A_242, %add3A_243 : i32
        %mul3A_245 = arith.constant 80 : i32
        %mul3A_246 = arith.muli %add3A_244, %mul3A_245 : i32
        %dma_wait3A_247 = tpu.memref_slice %arg4[%mul3A_246] : memref<20000xi32, #tpu.memory_space<vmem>> -> memref<80xi32, #tpu.memory_space<vmem>>
        %dma_wait3A_248 = arith.constant 0 : i32
        %dma_wait3A_249 = tpu.memref_slice %arg9[%dma_wait3A_248] : memref<10240xf32, #tpu.memory_space<vmem_shared>> -> memref<10240xf32, #tpu.memory_space<vmem_shared>>
        tpu.wait_indirect_dma semaphore(%arg11 : memref<!tpu.dma_semaphore, #tpu.memory_space<semaphore_mem>>) src(%arg5 : memref<80xf32, #tpu.memory_space<vmem>>) dst(%dma_wait3A_249 : memref<10240xf32, #tpu.memory_space<vmem_shared>>)
        %mul3A_250 = arith.constant 10 : i32
        %mul3A_251 = arith.muli %scan3A_113, %mul3A_250 : i32
        %add3A_252 = arith.constant 1 : i32
        %add3A_253 = arith.addi %mul3A_251, %add3A_252 : i32
        %mul3A_254 = arith.constant 80 : i32
        %mul3A_255 = arith.muli %add3A_253, %mul3A_254 : i32
        %dma_wait3A_256 = tpu.memref_slice %arg4[%mul3A_255] : memref<20000xi32, #tpu.memory_space<vmem>> -> memref<80xi32, #tpu.memory_space<vmem>>
        %dma_wait3A_257 = arith.constant 0 : i32
        %dma_wait3A_258 = tpu.memref_slice %arg9[%dma_wait3A_257] : memref<10240xf32, #tpu.memory_space<vmem_shared>> -> memref<10240xf32, #tpu.memory_space<vmem_shared>>
        tpu.wait_indirect_dma semaphore(%arg11 : memref<!tpu.dma_semaphore, #tpu.memory_space<semaphore_mem>>) src(%arg5 : memref<80xf32, #tpu.memory_space<vmem>>) dst(%dma_wait3A_258 : memref<10240xf32, #tpu.memory_space<vmem_shared>>)
        %mul3A_259 = arith.constant 10 : i32
        %mul3A_260 = arith.muli %scan3A_113, %mul3A_259 : i32
        %add3A_261 = arith.constant 2 : i32
        %add3A_262 = arith.addi %mul3A_260, %add3A_261 : i32
        %mul3A_263 = arith.constant 80 : i32
        %mul3A_264 = arith.muli %add3A_262, %mul3A_263 : i32
        %dma_wait3A_265 = tpu.memref_slice %arg4[%mul3A_264] : memref<20000xi32, #tpu.memory_space<vmem>> -> memref<80xi32, #tpu.memory_space<vmem>>
        %dma_wait3A_266 = arith.constant 0 : i32
        %dma_wait3A_267 = tpu.memref_slice %arg9[%dma_wait3A_266] : memref<10240xf32, #tpu.memory_space<vmem_shared>> -> memref<10240xf32, #tpu.memory_space<vmem_shared>>
        tpu.wait_indirect_dma semaphore(%arg11 : memref<!tpu.dma_semaphore, #tpu.memory_space<semaphore_mem>>) src(%arg5 : memref<80xf32, #tpu.memory_space<vmem>>) dst(%dma_wait3A_267 : memref<10240xf32, #tpu.memory_space<vmem_shared>>)
        %mul3A_268 = arith.constant 10 : i32
        %mul3A_269 = arith.muli %scan3A_113, %mul3A_268 : i32
        %add3A_270 = arith.constant 3 : i32
        %add3A_271 = arith.addi %mul3A_269, %add3A_270 : i32
        %mul3A_272 = arith.constant 80 : i32
        %mul3A_273 = arith.muli %add3A_271, %mul3A_272 : i32
        %dma_wait3A_274 = tpu.memref_slice %arg4[%mul3A_273] : memref<20000xi32, #tpu.memory_space<vmem>> -> memref<80xi32, #tpu.memory_space<vmem>>
        %dma_wait3A_275 = arith.constant 0 : i32
        %dma_wait3A_276 = tpu.memref_slice %arg9[%dma_wait3A_275] : memref<10240xf32, #tpu.memory_space<vmem_shared>> -> memref<10240xf32, #tpu.memory_space<vmem_shared>>
        tpu.wait_indirect_dma semaphore(%arg11 : memref<!tpu.dma_semaphore, #tpu.memory_space<semaphore_mem>>) src(%arg5 : memref<80xf32, #tpu.memory_space<vmem>>) dst(%dma_wait3A_276 : memref<10240xf32, #tpu.memory_space<vmem_shared>>)
        %mul3A_277 = arith.constant 10 : i32
        %mul3A_278 = arith.muli %scan3A_113, %mul3A_277 : i32
        %add3A_279 = arith.constant 4 : i32
        %add3A_280 = arith.addi %mul3A_278, %add3A_279 : i32
        %mul3A_281 = arith.constant 80 : i32
        %mul3A_282 = arith.muli %add3A_280, %mul3A_281 : i32
        %dma_wait3A_283 = tpu.memref_slice %arg4[%mul3A_282] : memref<20000xi32, #tpu.memory_space<vmem>> -> memref<80xi32, #tpu.memory_space<vmem>>
        %dma_wait3A_284 = arith.constant 0 : i32
        %dma_wait3A_285 = tpu.memref_slice %arg9[%dma_wait3A_284] : memref<10240xf32, #tpu.memory_space<vmem_shared>> -> memref<10240xf32, #tpu.memory_space<vmem_shared>>
        tpu.wait_indirect_dma semaphore(%arg11 : memref<!tpu.dma_semaphore, #tpu.memory_space<semaphore_mem>>) src(%arg5 : memref<80xf32, #tpu.memory_space<vmem>>) dst(%dma_wait3A_285 : memref<10240xf32, #tpu.memory_space<vmem_shared>>)
        %mul3A_286 = arith.constant 10 : i32
        %mul3A_287 = arith.muli %scan3A_113, %mul3A_286 : i32
        %add3A_288 = arith.constant 5 : i32
        %add3A_289 = arith.addi %mul3A_287, %add3A_288 : i32
        %mul3A_290 = arith.constant 80 : i32
        %mul3A_291 = arith.muli %add3A_289, %mul3A_290 : i32
        %dma_wait3A_292 = tpu.memref_slice %arg4[%mul3A_291] : memref<20000xi32, #tpu.memory_space<vmem>> -> memref<80xi32, #tpu.memory_space<vmem>>
        %dma_wait3A_293 = arith.constant 0 : i32
        %dma_wait3A_294 = tpu.memref_slice %arg9[%dma_wait3A_293] : memref<10240xf32, #tpu.memory_space<vmem_shared>> -> memref<10240xf32, #tpu.memory_space<vmem_shared>>
        tpu.wait_indirect_dma semaphore(%arg11 : memref<!tpu.dma_semaphore, #tpu.memory_space<semaphore_mem>>) src(%arg5 : memref<80xf32, #tpu.memory_space<vmem>>) dst(%dma_wait3A_294 : memref<10240xf32, #tpu.memory_space<vmem_shared>>)
        %mul3A_295 = arith.constant 10 : i32
        %mul3A_296 = arith.muli %scan3A_113, %mul3A_295 : i32
        %add3A_297 = arith.constant 6 : i32
        %add3A_298 = arith.addi %mul3A_296, %add3A_297 : i32
        %mul3A_299 = arith.constant 80 : i32
        %mul3A_300 = arith.muli %add3A_298, %mul3A_299 : i32
        %dma_wait3A_301 = tpu.memref_slice %arg4[%mul3A_300] : memref<20000xi32, #tpu.memory_space<vmem>> -> memref<80xi32, #tpu.memory_space<vmem>>
        %dma_wait3A_302 = arith.constant 0 : i32
        %dma_wait3A_303 = tpu.memref_slice %arg9[%dma_wait3A_302] : memref<10240xf32, #tpu.memory_space<vmem_shared>> -> memref<10240xf32, #tpu.memory_space<vmem_shared>>
        tpu.wait_indirect_dma semaphore(%arg11 : memref<!tpu.dma_semaphore, #tpu.memory_space<semaphore_mem>>) src(%arg5 : memref<80xf32, #tpu.memory_space<vmem>>) dst(%dma_wait3A_303 : memref<10240xf32, #tpu.memory_space<vmem_shared>>)
        %mul3A_304 = arith.constant 10 : i32
        %mul3A_305 = arith.muli %scan3A_113, %mul3A_304 : i32
        %add3A_306 = arith.constant 7 : i32
        %add3A_307 = arith.addi %mul3A_305, %add3A_306 : i32
        %mul3A_308 = arith.constant 80 : i32
        %mul3A_309 = arith.muli %add3A_307, %mul3A_308 : i32
        %dma_wait3A_310 = tpu.memref_slice %arg4[%mul3A_309] : memref<20000xi32, #tpu.memory_space<vmem>> -> memref<80xi32, #tpu.memory_space<vmem>>
        %dma_wait3A_311 = arith.constant 0 : i32
        %dma_wait3A_312 = tpu.memref_slice %arg9[%dma_wait3A_311] : memref<10240xf32, #tpu.memory_space<vmem_shared>> -> memref<10240xf32, #tpu.memory_space<vmem_shared>>
        tpu.wait_indirect_dma semaphore(%arg11 : memref<!tpu.dma_semaphore, #tpu.memory_space<semaphore_mem>>) src(%arg5 : memref<80xf32, #tpu.memory_space<vmem>>) dst(%dma_wait3A_312 : memref<10240xf32, #tpu.memory_space<vmem_shared>>)
        %mul3A_313 = arith.constant 10 : i32
        %mul3A_314 = arith.muli %scan3A_113, %mul3A_313 : i32
        %add3A_315 = arith.constant 8 : i32
        %add3A_316 = arith.addi %mul3A_314, %add3A_315 : i32
        %mul3A_317 = arith.constant 80 : i32
        %mul3A_318 = arith.muli %add3A_316, %mul3A_317 : i32
        %dma_wait3A_319 = tpu.memref_slice %arg4[%mul3A_318] : memref<20000xi32, #tpu.memory_space<vmem>> -> memref<80xi32, #tpu.memory_space<vmem>>
        %dma_wait3A_320 = arith.constant 0 : i32
        %dma_wait3A_321 = tpu.memref_slice %arg9[%dma_wait3A_320] : memref<10240xf32, #tpu.memory_space<vmem_shared>> -> memref<10240xf32, #tpu.memory_space<vmem_shared>>
        tpu.wait_indirect_dma semaphore(%arg11 : memref<!tpu.dma_semaphore, #tpu.memory_space<semaphore_mem>>) src(%arg5 : memref<80xf32, #tpu.memory_space<vmem>>) dst(%dma_wait3A_321 : memref<10240xf32, #tpu.memory_space<vmem_shared>>)
        %mul3A_322 = arith.constant 10 : i32
        %mul3A_323 = arith.muli %scan3A_113, %mul3A_322 : i32
        %add3A_324 = arith.constant 9 : i32
        %add3A_325 = arith.addi %mul3A_323, %add3A_324 : i32
        %mul3A_326 = arith.constant 80 : i32
        %mul3A_327 = arith.muli %add3A_325, %mul3A_326 : i32
        %dma_wait3A_328 = tpu.memref_slice %arg4[%mul3A_327] : memref<20000xi32, #tpu.memory_space<vmem>> -> memref<80xi32, #tpu.memory_space<vmem>>
        %dma_wait3A_329 = arith.constant 0 : i32
        %dma_wait3A_330 = tpu.memref_slice %arg9[%dma_wait3A_329] : memref<10240xf32, #tpu.memory_space<vmem_shared>> -> memref<10240xf32, #tpu.memory_space<vmem_shared>>
        tpu.wait_indirect_dma semaphore(%arg11 : memref<!tpu.dma_semaphore, #tpu.memory_space<semaphore_mem>>) src(%arg5 : memref<80xf32, #tpu.memory_space<vmem>>) dst(%dma_wait3A_330 : memref<10240xf32, #tpu.memory_space<vmem_shared>>)
      } else {
      }
      %scan3A_148 = arith.constant 0 : i32
      scf.yield %scan3A_148 : i32
    }
    %scan3A_63 = arith.constant 24 : i32
    %dma_wait3A = arith.constant 19200 : i32
    %dma_wait3A_64 = tpu.memref_slice %arg4[%dma_wait3A] : memref<20000xi32, #tpu.memory_space<vmem>> -> memref<80xi32, #tpu.memory_space<vmem>>
    %dma_wait3A_65 = arith.constant 0 : i32
    %dma_wait3A_66 = tpu.memref_slice %arg9[%dma_wait3A_65] : memref<10240xf32, #tpu.memory_space<vmem_shared>> -> memref<10240xf32, #tpu.memory_space<vmem_shared>>
    tpu.wait_indirect_dma semaphore(%arg10 : memref<!tpu.dma_semaphore, #tpu.memory_space<semaphore_mem>>) src(%arg5 : memref<80xf32, #tpu.memory_space<vmem>>) dst(%dma_wait3A_66 : memref<10240xf32, #tpu.memory_space<vmem_shared>>)
    %dma_wait3A_67 = arith.constant 19280 : i32
    %dma_wait3A_68 = tpu.memref_slice %arg4[%dma_wait3A_67] : memref<20000xi32, #tpu.memory_space<vmem>> -> memref<80xi32, #tpu.memory_space<vmem>>
    %dma_wait3A_69 = arith.constant 0 : i32
    %dma_wait3A_70 = tpu.memref_slice %arg9[%dma_wait3A_69] : memref<10240xf32, #tpu.memory_space<vmem_shared>> -> memref<10240xf32, #tpu.memory_space<vmem_shared>>
    tpu.wait_indirect_dma semaphore(%arg10 : memref<!tpu.dma_semaphore, #tpu.memory_space<semaphore_mem>>) src(%arg5 : memref<80xf32, #tpu.memory_space<vmem>>) dst(%dma_wait3A_70 : memref<10240xf32, #tpu.memory_space<vmem_shared>>)
    %dma_wait3A_71 = arith.constant 19360 : i32
    %dma_wait3A_72 = tpu.memref_slice %arg4[%dma_wait3A_71] : memref<20000xi32, #tpu.memory_space<vmem>> -> memref<80xi32, #tpu.memory_space<vmem>>
    %dma_wait3A_73 = arith.constant 0 : i32
    %dma_wait3A_74 = tpu.memref_slice %arg9[%dma_wait3A_73] : memref<10240xf32, #tpu.memory_space<vmem_shared>> -> memref<10240xf32, #tpu.memory_space<vmem_shared>>
    tpu.wait_indirect_dma semaphore(%arg10 : memref<!tpu.dma_semaphore, #tpu.memory_space<semaphore_mem>>) src(%arg5 : memref<80xf32, #tpu.memory_space<vmem>>) dst(%dma_wait3A_74 : memref<10240xf32, #tpu.memory_space<vmem_shared>>)
    %dma_wait3A_75 = arith.constant 19440 : i32
    %dma_wait3A_76 = tpu.memref_slice %arg4[%dma_wait3A_75] : memref<20000xi32, #tpu.memory_space<vmem>> -> memref<80xi32, #tpu.memory_space<vmem>>
    %dma_wait3A_77 = arith.constant 0 : i32
    %dma_wait3A_78 = tpu.memref_slice %arg9[%dma_wait3A_77] : memref<10240xf32, #tpu.memory_space<vmem_shared>> -> memref<10240xf32, #tpu.memory_space<vmem_shared>>
    tpu.wait_indirect_dma semaphore(%arg10 : memref<!tpu.dma_semaphore, #tpu.memory_space<semaphore_mem>>) src(%arg5 : memref<80xf32, #tpu.memory_space<vmem>>) dst(%dma_wait3A_78 : memref<10240xf32, #tpu.memory_space<vmem_shared>>)
    %dma_wait3A_79 = arith.constant 19520 : i32
    %dma_wait3A_80 = tpu.memref_slice %arg4[%dma_wait3A_79] : memref<20000xi32, #tpu.memory_space<vmem>> -> memref<80xi32, #tpu.memory_space<vmem>>
    %dma_wait3A_81 = arith.constant 0 : i32
    %dma_wait3A_82 = tpu.memref_slice %arg9[%dma_wait3A_81] : memref<10240xf32, #tpu.memory_space<vmem_shared>> -> memref<10240xf32, #tpu.memory_space<vmem_shared>>
    tpu.wait_indirect_dma semaphore(%arg10 : memref<!tpu.dma_semaphore, #tpu.memory_space<semaphore_mem>>) src(%arg5 : memref<80xf32, #tpu.memory_space<vmem>>) dst(%dma_wait3A_82 : memref<10240xf32, #tpu.memory_space<vmem_shared>>)
    %dma_wait3A_83 = arith.constant 19600 : i32
    %dma_wait3A_84 = tpu.memref_slice %arg4[%dma_wait3A_83] : memref<20000xi32, #tpu.memory_space<vmem>> -> memref<80xi32, #tpu.memory_space<vmem>>
    %dma_wait3A_85 = arith.constant 0 : i32
    %dma_wait3A_86 = tpu.memref_slice %arg9[%dma_wait3A_85] : memref<10240xf32, #tpu.memory_space<vmem_shared>> -> memref<10240xf32, #tpu.memory_space<vmem_shared>>
    tpu.wait_indirect_dma semaphore(%arg10 : memref<!tpu.dma_semaphore, #tpu.memory_space<semaphore_mem>>) src(%arg5 : memref<80xf32, #tpu.memory_space<vmem>>) dst(%dma_wait3A_86 : memref<10240xf32, #tpu.memory_space<vmem_shared>>)
    %dma_wait3A_87 = arith.constant 19680 : i32
    %dma_wait3A_88 = tpu.memref_slice %arg4[%dma_wait3A_87] : memref<20000xi32, #tpu.memory_space<vmem>> -> memref<80xi32, #tpu.memory_space<vmem>>
    %dma_wait3A_89 = arith.constant 0 : i32
    %dma_wait3A_90 = tpu.memref_slice %arg9[%dma_wait3A_89] : memref<10240xf32, #tpu.memory_space<vmem_shared>> -> memref<10240xf32, #tpu.memory_space<vmem_shared>>
    tpu.wait_indirect_dma semaphore(%arg10 : memref<!tpu.dma_semaphore, #tpu.memory_space<semaphore_mem>>) src(%arg5 : memref<80xf32, #tpu.memory_space<vmem>>) dst(%dma_wait3A_90 : memref<10240xf32, #tpu.memory_space<vmem_shared>>)
    %dma_wait3A_91 = arith.constant 19760 : i32
    %dma_wait3A_92 = tpu.memref_slice %arg4[%dma_wait3A_91] : memref<20000xi32, #tpu.memory_space<vmem>> -> memref<80xi32, #tpu.memory_space<vmem>>
    %dma_wait3A_93 = arith.constant 0 : i32
    %dma_wait3A_94 = tpu.memref_slice %arg9[%dma_wait3A_93] : memref<10240xf32, #tpu.memory_space<vmem_shared>> -> memref<10240xf32, #tpu.memory_space<vmem_shared>>
    tpu.wait_indirect_dma semaphore(%arg10 : memref<!tpu.dma_semaphore, #tpu.memory_space<semaphore_mem>>) src(%arg5 : memref<80xf32, #tpu.memory_space<vmem>>) dst(%dma_wait3A_94 : memref<10240xf32, #tpu.memory_space<vmem_shared>>)
    %dma_wait3A_95 = arith.constant 19840 : i32
    %dma_wait3A_96 = tpu.memref_slice %arg4[%dma_wait3A_95] : memref<20000xi32, #tpu.memory_space<vmem>> -> memref<80xi32, #tpu.memory_space<vmem>>
    %dma_wait3A_97 = arith.constant 0 : i32
    %dma_wait3A_98 = tpu.memref_slice %arg9[%dma_wait3A_97] : memref<10240xf32, #tpu.memory_space<vmem_shared>> -> memref<10240xf32, #tpu.memory_space<vmem_shared>>
    tpu.wait_indirect_dma semaphore(%arg10 : memref<!tpu.dma_semaphore, #tpu.memory_space<semaphore_mem>>) src(%arg5 : memref<80xf32, #tpu.memory_space<vmem>>) dst(%dma_wait3A_98 : memref<10240xf32, #tpu.memory_space<vmem_shared>>)
    %dma_wait3A_99 = arith.constant 19920 : i32
    %dma_wait3A_100 = tpu.memref_slice %arg4[%dma_wait3A_99] : memref<20000xi32, #tpu.memory_space<vmem>> -> memref<80xi32, #tpu.memory_space<vmem>>
    %dma_wait3A_101 = arith.constant 0 : i32
    %dma_wait3A_102 = tpu.memref_slice %arg9[%dma_wait3A_101] : memref<10240xf32, #tpu.memory_space<vmem_shared>> -> memref<10240xf32, #tpu.memory_space<vmem_shared>>
    tpu.wait_indirect_dma semaphore(%arg10 : memref<!tpu.dma_semaphore, #tpu.memory_space<semaphore_mem>>) src(%arg5 : memref<80xf32, #tpu.memory_space<vmem>>) dst(%dma_wait3A_102 : memref<10240xf32, #tpu.memory_space<vmem_shared>>)
    %barrier3A_103 = arith.constant 0 : index
    tpu.barrier barrier_id(%barrier3A_103)
    %mul3A_104 = arith.constant 320 : i32
    %mul3A_105 = arith.muli %add3A, %mul3A_104 : i32
    "tpu.region"() ({
      %run_scoped3A = tpu.sem_alloc : memref<!tpu.dma_semaphore, #tpu.memory_space<semaphore_mem>>
      %dma_start3A_113 = tpu.memref_slice %arg9[%mul3A_105] : memref<10240xf32, #tpu.memory_space<vmem_shared>> -> memref<320xf32, #tpu.memory_space<vmem_shared>>
      %dma_start3A_114 = tpu.memref_slice %arg9[%mul3A_105] : memref<10240xf32, #tpu.memory_space<vmem_shared>> -> memref<320xf32, #tpu.memory_space<vmem_shared>>
      tpu.enqueue_dma source(%dma_start3A_114 : memref<320xf32, #tpu.memory_space<vmem_shared>>) target(%arg7 : memref<320xf32, #tpu.memory_space<vmem>>) target_semaphore(%run_scoped3A : memref<!tpu.dma_semaphore, #tpu.memory_space<semaphore_mem>>)
      %dma_wait3A_115 = tpu.memref_slice %arg9[%mul3A_105] : memref<10240xf32, #tpu.memory_space<vmem_shared>> -> memref<320xf32, #tpu.memory_space<vmem_shared>>
      %dma_wait3A_116 = tpu.memref_slice %arg9[%mul3A_105] : memref<10240xf32, #tpu.memory_space<vmem_shared>> -> memref<320xf32, #tpu.memory_space<vmem_shared>>
      tpu.wait_dma2 semaphore(%run_scoped3A : memref<!tpu.dma_semaphore, #tpu.memory_space<semaphore_mem>>) src(%dma_wait3A_116 : memref<320xf32, #tpu.memory_space<vmem_shared>>) dst(%arg7 : memref<320xf32, #tpu.memory_space<vmem>>)
      tpu.yield
    }) : () -> ()
    %scan3A_106 = arith.constant 0 : i32
    %scan3A_107 = arith.constant 0 : i32
    %scan3A_108 = arith.constant 20 : i32
    %scan3A_109 = arith.addi %scan3A_107, %scan3A_108 : i32
    %scan3A_110 = arith.constant 1 : i32
    %scan3A_111 = scf.for %scan3A_113 = %scan3A_107 to %scan3A_109 step %scan3A_110 iter_args(%scan3A_114 = %scan3A_106) -> (i32)  : i32 {
      %mul3A_115 = arith.constant 16 : i32
      %mul3A_116 = arith.muli %scan3A_113, %mul3A_115 : i32
      %get3A = arith.index_cast %mul3A_116 : i32 to index
      %get3A_117 = tpu.vector_load %arg7[%get3A] {strides = array<i32>} : memref<320xf32, #tpu.memory_space<vmem>>, vector<16xf32>,
      %get3A_118 = vector.shape_cast %get3A_117 : vector<16xf32> to vector<16xf32>
      %add3A_119 = arith.constant 1.000000e+00 : f32
      %add3A_120 = vector.broadcast %add3A_119 : f32 to vector<16xf32>
      %add3A_121 = arith.addf %get3A_118, %add3A_120 : vector<16xf32>
      %bitcast_convert_type3A = tpu.bitcast %add3A_121 : vector<16xf32> -> vector<16xi32>
      %shift_right_arithmetic3A = arith.constant 1 : i32
      %shift_right_arithmetic3A_122 = vector.broadcast %shift_right_arithmetic3A : i32 to vector<16xi32>
      %shift_right_arithmetic3A_123 = arith.shrsi %bitcast_convert_type3A, %shift_right_arithmetic3A_122 : vector<16xi32>
      %sub3A = arith.constant 1597463007 : i32
      %sub3A_124 = vector.broadcast %sub3A : i32 to vector<16xi32>
      %sub3A_125 = arith.subi %sub3A_124, %shift_right_arithmetic3A_123 : vector<16xi32>
      %bitcast_convert_type3A_126 = tpu.bitcast %sub3A_125 : vector<16xi32> -> vector<16xf32>
      %mul3A_127 = arith.constant 5.000000e-01 : f32
      %mul3A_128 = vector.broadcast %mul3A_127 : f32 to vector<16xf32>
      %mul3A_129 = arith.mulf %mul3A_128, %add3A_121 : vector<16xf32>
      %mul3A_130 = arith.mulf %mul3A_129, %bitcast_convert_type3A_126 : vector<16xf32>
      %mul3A_131 = arith.mulf %mul3A_130, %bitcast_convert_type3A_126 : vector<16xf32>
      %sub3A_132 = arith.constant 1.500000e+00 : f32
      %sub3A_133 = vector.broadcast %sub3A_132 : f32 to vector<16xf32>
      %sub3A_134 = arith.subf %sub3A_133, %mul3A_131 : vector<16xf32>
      %mul3A_135 = arith.mulf %bitcast_convert_type3A_126, %sub3A_134 : vector<16xf32>
      %mul3A_136 = arith.constant 5.000000e-01 : f32
      %mul3A_137 = vector.broadcast %mul3A_136 : f32 to vector<16xf32>
      %mul3A_138 = arith.mulf %mul3A_137, %add3A_121 : vector<16xf32>
      %mul3A_139 = arith.mulf %mul3A_138, %mul3A_135 : vector<16xf32>
      %mul3A_140 = arith.mulf %mul3A_139, %mul3A_135 : vector<16xf32>
      %sub3A_141 = arith.constant 1.500000e+00 : f32
      %sub3A_142 = vector.broadcast %sub3A_141 : f32 to vector<16xf32>
      %sub3A_143 = arith.subf %sub3A_142, %mul3A_140 : vector<16xf32>
      %mul3A_144 = arith.mulf %mul3A_135, %sub3A_143 : vector<16xf32>
      %mul3A_145 = arith.constant 5.000000e-01 : f32
      %mul3A_146 = vector.broadcast %mul3A_145 : f32 to vector<16xf32>
      %mul3A_147 = arith.mulf %mul3A_146, %add3A_121 : vector<16xf32>
      %mul3A_148 = arith.mulf %mul3A_147, %mul3A_144 : vector<16xf32>
      %mul3A_149 = arith.mulf %mul3A_148, %mul3A_144 : vector<16xf32>
      %sub3A_150 = arith.constant 1.500000e+00 : f32
      %sub3A_151 = vector.broadcast %sub3A_150 : f32 to vector<16xf32>
      %sub3A_152 = arith.subf %sub3A_151, %mul3A_149 : vector<16xf32>
      %mul3A_153 = arith.mulf %mul3A_144, %sub3A_152 : vector<16xf32>
      %mul3A_154 = arith.constant 16 : i32
      %mul3A_155 = arith.muli %scan3A_113, %mul3A_154 : i32
      %swap3A = arith.index_cast %mul3A_155 : i32 to index
      %swap3A_156 = tpu.vector_load %arg8[%swap3A] {strides = array<i32>} : memref<320xf32, #tpu.memory_space<vmem>>, vector<16xf32>,
      %swap3A_157 = vector.shape_cast %swap3A_156 : vector<16xf32> to vector<16xf32>
      %swap3A_158 = vector.shape_cast %mul3A_153 : vector<16xf32> to vector<16xf32>
      tpu.vector_store %arg8[%swap3A], %swap3A_158 {strides = array<i32>} : memref<320xf32, #tpu.memory_space<vmem>>, vector<16xf32>,
      %scan3A_159 = arith.constant 0 : i32
      scf.yield %scan3A_159 : i32
    }
    %scan3A_112 = arith.constant 20 : i32
    "tpu.region"() ({
      %run_scoped3A = tpu.sem_alloc : memref<!tpu.dma_semaphore, #tpu.memory_space<semaphore_mem>>
      %dma_start3A_113 = tpu.memref_slice %arg3[%mul3A_105] : memref<10240xf32, #tpu.memory_space<hbm>> -> memref<320xf32, #tpu.memory_space<hbm>>
      %dma_start3A_114 = tpu.memref_slice %arg3[%mul3A_105] : memref<10240xf32, #tpu.memory_space<hbm>> -> memref<320xf32, #tpu.memory_space<hbm>>
      tpu.enqueue_dma source(%arg8 : memref<320xf32, #tpu.memory_space<vmem>>) target(%dma_start3A_114 : memref<320xf32, #tpu.memory_space<hbm>>) target_semaphore(%run_scoped3A : memref<!tpu.dma_semaphore, #tpu.memory_space<semaphore_mem>>)
      %dma_wait3A_115 = tpu.memref_slice %arg3[%mul3A_105] : memref<10240xf32, #tpu.memory_space<hbm>> -> memref<320xf32, #tpu.memory_space<hbm>>
      %dma_wait3A_116 = tpu.memref_slice %arg3[%mul3A_105] : memref<10240xf32, #tpu.memory_space<hbm>> -> memref<320xf32, #tpu.memory_space<hbm>>
      tpu.wait_dma2 semaphore(%run_scoped3A : memref<!tpu.dma_semaphore, #tpu.memory_space<semaphore_mem>>) src(%arg8 : memref<320xf32, #tpu.memory_space<vmem>>) dst(%dma_wait3A_116 : memref<320xf32, #tpu.memory_space<hbm>>)
      tpu.yield
    }) : () -> ()
    return
  }
}

#map = affine_map<(d0, d1) -> (0, 0)>
#map1 = affine_map<(d0, d1) -> (0)>
#map2 = affine_map<(d0, d1) -> (0, 0, 0)>
module attributes {stable_mosaic.version = 14 : i64} {
  func.func @_scatter_kernel(%arg0: i32, %arg1: i32, %arg2: memref<10000x128xf32, #tpu.memory_space<hbm>>, %arg3: memref<320000xi32, #tpu.memory_space<hbm>>, %arg4: memref<320000xi32, #tpu.memory_space<hbm>>, %arg5: memref<2x10240x128xf32, #tpu.memory_space<hbm>>, %arg6: memref<10000xi32, #tpu.memory_space<vmem>>, %arg7: memref<10000xi32, #tpu.memory_space<vmem>>, %arg8: memref<40x128xf32, #tpu.memory_space<vmem>>, %arg9: memref<40x128xf32, #tpu.memory_space<vmem>>, %arg10: memref<40x128xf32, #tpu.memory_space<vmem>>, %arg11: memref<40x128xf32, #tpu.memory_space<vmem>>, %arg12: memref<32x128xf32, #tpu.memory_space<vmem>>, %arg13: memref<10240x128xf32, #tpu.memory_space<vmem_shared>>, %arg14: memref<!tpu.dma_semaphore, #tpu.memory_space<semaphore_mem>>, %arg15: memref<!tpu.dma_semaphore, #tpu.memory_space<semaphore_mem>>, %arg16: memref<!tpu.dma_semaphore, #tpu.memory_space<semaphore_mem>>, %arg17: memref<!tpu.dma_semaphore, #tpu.memory_space<semaphore_mem>>, %arg18: memref<!tpu.dma_semaphore, #tpu.memory_space<semaphore_mem>>, %arg19: memref<!tpu.dma_semaphore, #tpu.memory_space<semaphore_mem>>, %arg20: memref<!tpu.dma_semaphore, #tpu.memory_space<semaphore_mem>>, %arg21: memref<!tpu.dma_semaphore, #tpu.memory_space<semaphore_mem>>) attributes {dimension_semantics = [#tpu.dimension_semantics<core_parallel>, #tpu.dimension_semantics<subcore_parallel>], iteration_bounds = array<i64: 2, 16>, scalar_prefetch = 0 : i64, scratch_operands = 16 : i64, tpu.core_type = #tpu.core_type<sc_vector_subcore>, window_params = [{transform_indices = #map}, {transform_indices = #map1}, {transform_indices = #map1}, {transform_indices = #map2}]} {
    %mul3A = arith.constant 16 : i32
    %mul3A_0 = arith.muli %arg0, %mul3A : i32
    %add3A = arith.addi %mul3A_0, %arg1 : i32
    %scan3A = arith.constant 0 : i32
    %scan3A_1 = arith.constant 0 : i32
    %scan3A_2 = arith.constant 32 : i32
    %scan3A_3 = arith.addi %scan3A_1, %scan3A_2 : i32
    %scan3A_4 = arith.constant 1 : i32
    %scan3A_5 = scf.for %scan3A_95 = %scan3A_1 to %scan3A_3 step %scan3A_4 iter_args(%scan3A_96 = %scan3A) -> (i32)  : i32 {
      %broadcast_in_dim3A = arith.constant 0.000000e+00 : f32
      %broadcast_in_dim3A_97 = vector.broadcast %broadcast_in_dim3A : f32 to vector<16xf32>
      %swap3A = arith.index_cast %scan3A_95 : i32 to index
      %swap3A_98 = arith.constant 0 : index
      %swap3A_99 = tpu.vector_load %arg12[%swap3A, %swap3A_98] {strides = array<i32>} : memref<32x128xf32, #tpu.memory_space<vmem>>, vector<1x16xf32>,
      %swap3A_100 = vector.shape_cast %swap3A_99 : vector<1x16xf32> to vector<16xf32>
      %swap3A_101 = vector.shape_cast %broadcast_in_dim3A_97 : vector<16xf32> to vector<1x16xf32>
      tpu.vector_store %arg12[%swap3A, %swap3A_98], %swap3A_101 {strides = array<i32>} : memref<32x128xf32, #tpu.memory_space<vmem>>, vector<1x16xf32>,
      %broadcast_in_dim3A_102 = arith.constant 0.000000e+00 : f32
      %broadcast_in_dim3A_103 = vector.broadcast %broadcast_in_dim3A_102 : f32 to vector<16xf32>
      %swap3A_104 = arith.index_cast %scan3A_95 : i32 to index
      %swap3A_105 = arith.constant 16 : index
      %swap3A_106 = tpu.vector_load %arg12[%swap3A_104, %swap3A_105] {strides = array<i32>} : memref<32x128xf32, #tpu.memory_space<vmem>>, vector<1x16xf32>,
      %swap3A_107 = vector.shape_cast %swap3A_106 : vector<1x16xf32> to vector<16xf32>
      %swap3A_108 = vector.shape_cast %broadcast_in_dim3A_103 : vector<16xf32> to vector<1x16xf32>
      tpu.vector_store %arg12[%swap3A_104, %swap3A_105], %swap3A_108 {strides = array<i32>} : memref<32x128xf32, #tpu.memory_space<vmem>>, vector<1x16xf32>,
      %broadcast_in_dim3A_109 = arith.constant 0.000000e+00 : f32
      %broadcast_in_dim3A_110 = vector.broadcast %broadcast_in_dim3A_109 : f32 to vector<16xf32>
      %swap3A_111 = arith.index_cast %scan3A_95 : i32 to index
      %swap3A_112 = arith.constant 32 : index
      %swap3A_113 = tpu.vector_load %arg12[%swap3A_111, %swap3A_112] {strides = array<i32>} : memref<32x128xf32, #tpu.memory_space<vmem>>, vector<1x16xf32>,
      %swap3A_114 = vector.shape_cast %swap3A_113 : vector<1x16xf32> to vector<16xf32>
      %swap3A_115 = vector.shape_cast %broadcast_in_dim3A_110 : vector<16xf32> to vector<1x16xf32>
      tpu.vector_store %arg12[%swap3A_111, %swap3A_112], %swap3A_115 {strides = array<i32>} : memref<32x128xf32, #tpu.memory_space<vmem>>, vector<1x16xf32>,
      %broadcast_in_dim3A_116 = arith.constant 0.000000e+00 : f32
      %broadcast_in_dim3A_117 = vector.broadcast %broadcast_in_dim3A_116 : f32 to vector<16xf32>
      %swap3A_118 = arith.index_cast %scan3A_95 : i32 to index
      %swap3A_119 = arith.constant 48 : index
      %swap3A_120 = tpu.vector_load %arg12[%swap3A_118, %swap3A_119] {strides = array<i32>} : memref<32x128xf32, #tpu.memory_space<vmem>>, vector<1x16xf32>,
      %swap3A_121 = vector.shape_cast %swap3A_120 : vector<1x16xf32> to vector<16xf32>
      %swap3A_122 = vector.shape_cast %broadcast_in_dim3A_117 : vector<16xf32> to vector<1x16xf32>
      tpu.vector_store %arg12[%swap3A_118, %swap3A_119], %swap3A_122 {strides = array<i32>} : memref<32x128xf32, #tpu.memory_space<vmem>>, vector<1x16xf32>,
      %broadcast_in_dim3A_123 = arith.constant 0.000000e+00 : f32
      %broadcast_in_dim3A_124 = vector.broadcast %broadcast_in_dim3A_123 : f32 to vector<16xf32>
      %swap3A_125 = arith.index_cast %scan3A_95 : i32 to index
      %swap3A_126 = arith.constant 64 : index
      %swap3A_127 = tpu.vector_load %arg12[%swap3A_125, %swap3A_126] {strides = array<i32>} : memref<32x128xf32, #tpu.memory_space<vmem>>, vector<1x16xf32>,
      %swap3A_128 = vector.shape_cast %swap3A_127 : vector<1x16xf32> to vector<16xf32>
      %swap3A_129 = vector.shape_cast %broadcast_in_dim3A_124 : vector<16xf32> to vector<1x16xf32>
      tpu.vector_store %arg12[%swap3A_125, %swap3A_126], %swap3A_129 {strides = array<i32>} : memref<32x128xf32, #tpu.memory_space<vmem>>, vector<1x16xf32>,
      %broadcast_in_dim3A_130 = arith.constant 0.000000e+00 : f32
      %broadcast_in_dim3A_131 = vector.broadcast %broadcast_in_dim3A_130 : f32 to vector<16xf32>
      %swap3A_132 = arith.index_cast %scan3A_95 : i32 to index
      %swap3A_133 = arith.constant 80 : index
      %swap3A_134 = tpu.vector_load %arg12[%swap3A_132, %swap3A_133] {strides = array<i32>} : memref<32x128xf32, #tpu.memory_space<vmem>>, vector<1x16xf32>,
      %swap3A_135 = vector.shape_cast %swap3A_134 : vector<1x16xf32> to vector<16xf32>
      %swap3A_136 = vector.shape_cast %broadcast_in_dim3A_131 : vector<16xf32> to vector<1x16xf32>
      tpu.vector_store %arg12[%swap3A_132, %swap3A_133], %swap3A_136 {strides = array<i32>} : memref<32x128xf32, #tpu.memory_space<vmem>>, vector<1x16xf32>,
      %broadcast_in_dim3A_137 = arith.constant 0.000000e+00 : f32
      %broadcast_in_dim3A_138 = vector.broadcast %broadcast_in_dim3A_137 : f32 to vector<16xf32>
      %swap3A_139 = arith.index_cast %scan3A_95 : i32 to index
      %swap3A_140 = arith.constant 96 : index
      %swap3A_141 = tpu.vector_load %arg12[%swap3A_139, %swap3A_140] {strides = array<i32>} : memref<32x128xf32, #tpu.memory_space<vmem>>, vector<1x16xf32>,
      %swap3A_142 = vector.shape_cast %swap3A_141 : vector<1x16xf32> to vector<16xf32>
      %swap3A_143 = vector.shape_cast %broadcast_in_dim3A_138 : vector<16xf32> to vector<1x16xf32>
      tpu.vector_store %arg12[%swap3A_139, %swap3A_140], %swap3A_143 {strides = array<i32>} : memref<32x128xf32, #tpu.memory_space<vmem>>, vector<1x16xf32>,
      %broadcast_in_dim3A_144 = arith.constant 0.000000e+00 : f32
      %broadcast_in_dim3A_145 = vector.broadcast %broadcast_in_dim3A_144 : f32 to vector<16xf32>
      %swap3A_146 = arith.index_cast %scan3A_95 : i32 to index
      %swap3A_147 = arith.constant 112 : index
      %swap3A_148 = tpu.vector_load %arg12[%swap3A_146, %swap3A_147] {strides = array<i32>} : memref<32x128xf32, #tpu.memory_space<vmem>>, vector<1x16xf32>,
      %swap3A_149 = vector.shape_cast %swap3A_148 : vector<1x16xf32> to vector<16xf32>
      %swap3A_150 = vector.shape_cast %broadcast_in_dim3A_145 : vector<16xf32> to vector<1x16xf32>
      tpu.vector_store %arg12[%swap3A_146, %swap3A_147], %swap3A_150 {strides = array<i32>} : memref<32x128xf32, #tpu.memory_space<vmem>>, vector<1x16xf32>,
      %scan3A_151 = arith.constant 0 : i32
      scf.yield %scan3A_151 : i32
    }
    %scan3A_6 = arith.constant 32 : i32
    %scan3A_7 = arith.constant 0 : i32
    %scan3A_8 = arith.constant 0 : i32
    %scan3A_9 = arith.constant 20 : i32
    %scan3A_10 = arith.addi %scan3A_8, %scan3A_9 : i32
    %scan3A_11 = arith.constant 1 : i32
    %scan3A_12 = scf.for %scan3A_95 = %scan3A_8 to %scan3A_10 step %scan3A_11 iter_args(%scan3A_96 = %scan3A_7) -> (i32)  : i32 {
      %mul3A_97 = arith.constant 640 : i32
      %mul3A_98 = arith.muli %arg1, %mul3A_97 : i32
      %mul3A_99 = arith.constant 32 : i32
      %mul3A_100 = arith.muli %scan3A_95, %mul3A_99 : i32
      %add3A_101 = arith.addi %mul3A_98, %mul3A_100 : i32
      %dma_start3A_102 = arith.constant 0 : i32
      %dma_start3A_103 = tpu.memref_slice %arg13[%add3A_101, %dma_start3A_102] : memref<10240x128xf32, #tpu.memory_space<vmem_shared>> -> memref<32x128xf32, #tpu.memory_space<vmem_shared>>
      %dma_start3A_104 = arith.constant 0 : i32
      %dma_start3A_105 = tpu.memref_slice %arg13[%add3A_101, %dma_start3A_104] : memref<10240x128xf32, #tpu.memory_space<vmem_shared>> -> memref<32x128xf32, #tpu.memory_space<vmem_shared>>
      tpu.enqueue_dma source(%arg12 : memref<32x128xf32, #tpu.memory_space<vmem>>) target(%dma_start3A_105 : memref<32x128xf32, #tpu.memory_space<vmem_shared>>) target_semaphore(%arg14 : memref<!tpu.dma_semaphore, #tpu.memory_space<semaphore_mem>>)
      %scan3A_106 = arith.constant 0 : i32
      scf.yield %scan3A_106 : i32
    }
    %scan3A_13 = arith.constant 20 : i32
    %mul3A_14 = arith.constant 10000 : i32
    %mul3A_15 = arith.muli %add3A, %mul3A_14 : i32
    "tpu.region"() ({
      %run_scoped3A = tpu.sem_alloc : memref<!tpu.dma_semaphore, #tpu.memory_space<semaphore_mem>>
      %dma_start3A_95 = tpu.memref_slice %arg3[%mul3A_15] : memref<320000xi32, #tpu.memory_space<hbm>> -> memref<10000xi32, #tpu.memory_space<hbm>>
      %dma_start3A_96 = tpu.memref_slice %arg3[%mul3A_15] : memref<320000xi32, #tpu.memory_space<hbm>> -> memref<10000xi32, #tpu.memory_space<hbm>>
      tpu.enqueue_dma source(%dma_start3A_96 : memref<10000xi32, #tpu.memory_space<hbm>>) target(%arg6 : memref<10000xi32, #tpu.memory_space<vmem>>) target_semaphore(%run_scoped3A : memref<!tpu.dma_semaphore, #tpu.memory_space<semaphore_mem>>)
      %dma_wait3A_97 = tpu.memref_slice %arg3[%mul3A_15] : memref<320000xi32, #tpu.memory_space<hbm>> -> memref<10000xi32, #tpu.memory_space<hbm>>
      %dma_wait3A_98 = tpu.memref_slice %arg3[%mul3A_15] : memref<320000xi32, #tpu.memory_space<hbm>> -> memref<10000xi32, #tpu.memory_space<hbm>>
      tpu.wait_dma2 semaphore(%run_scoped3A : memref<!tpu.dma_semaphore, #tpu.memory_space<semaphore_mem>>) src(%dma_wait3A_98 : memref<10000xi32, #tpu.memory_space<hbm>>) dst(%arg6 : memref<10000xi32, #tpu.memory_space<vmem>>)
      tpu.yield
    }) : () -> ()
    %mul3A_16 = arith.constant 10000 : i32
    %mul3A_17 = arith.muli %add3A, %mul3A_16 : i32
    "tpu.region"() ({
      %run_scoped3A = tpu.sem_alloc : memref<!tpu.dma_semaphore, #tpu.memory_space<semaphore_mem>>
      %dma_start3A_95 = tpu.memref_slice %arg4[%mul3A_17] : memref<320000xi32, #tpu.memory_space<hbm>> -> memref<10000xi32, #tpu.memory_space<hbm>>
      %dma_start3A_96 = tpu.memref_slice %arg4[%mul3A_17] : memref<320000xi32, #tpu.memory_space<hbm>> -> memref<10000xi32, #tpu.memory_space<hbm>>
      tpu.enqueue_dma source(%dma_start3A_96 : memref<10000xi32, #tpu.memory_space<hbm>>) target(%arg7 : memref<10000xi32, #tpu.memory_space<vmem>>) target_semaphore(%run_scoped3A : memref<!tpu.dma_semaphore, #tpu.memory_space<semaphore_mem>>)
      %dma_wait3A_97 = tpu.memref_slice %arg4[%mul3A_17] : memref<320000xi32, #tpu.memory_space<hbm>> -> memref<10000xi32, #tpu.memory_space<hbm>>
      %dma_wait3A_98 = tpu.memref_slice %arg4[%mul3A_17] : memref<320000xi32, #tpu.memory_space<hbm>> -> memref<10000xi32, #tpu.memory_space<hbm>>
      tpu.wait_dma2 semaphore(%run_scoped3A : memref<!tpu.dma_semaphore, #tpu.memory_space<semaphore_mem>>) src(%dma_wait3A_98 : memref<10000xi32, #tpu.memory_space<hbm>>) dst(%arg7 : memref<10000xi32, #tpu.memory_space<vmem>>)
      tpu.yield
    }) : () -> ()
    %dma_start3A = arith.constant 40 : i32
    %dma_start3A_18 = tpu.memref_slice %arg6[%dma_start3A] : memref<10000xi32, #tpu.memory_space<vmem>> -> memref<40xi32, #tpu.memory_space<vmem>>
    %dma_start3A_19 = arith.constant 0 : i32
    %dma_start3A_20 = arith.constant 0 : i32
    %dma_start3A_21 = tpu.memref_slice %arg2[%dma_start3A_19, %dma_start3A_20] : memref<10000x128xf32, #tpu.memory_space<hbm>> -> memref<10000x128xf32, #tpu.memory_space<hbm>>
    tpu.enqueue_indirect_dma source(%dma_start3A_21 : memref<10000x128xf32, #tpu.memory_space<hbm>>) target(%arg9 : memref<40x128xf32, #tpu.memory_space<vmem>>) offsets(%dma_start3A_18 : memref<40xi32, #tpu.memory_space<vmem>>) semaphore(%arg15 : memref<!tpu.dma_semaphore, #tpu.memory_space<semaphore_mem>>)
    %dma_start3A_22 = arith.constant 80 : i32
    %dma_start3A_23 = tpu.memref_slice %arg6[%dma_start3A_22] : memref<10000xi32, #tpu.memory_space<vmem>> -> memref<40xi32, #tpu.memory_space<vmem>>
    %dma_start3A_24 = arith.constant 0 : i32
    %dma_start3A_25 = arith.constant 0 : i32
    %dma_start3A_26 = tpu.memref_slice %arg2[%dma_start3A_24, %dma_start3A_25] : memref<10000x128xf32, #tpu.memory_space<hbm>> -> memref<10000x128xf32, #tpu.memory_space<hbm>>
    tpu.enqueue_indirect_dma source(%dma_start3A_26 : memref<10000x128xf32, #tpu.memory_space<hbm>>) target(%arg10 : memref<40x128xf32, #tpu.memory_space<vmem>>) offsets(%dma_start3A_23 : memref<40xi32, #tpu.memory_space<vmem>>) semaphore(%arg16 : memref<!tpu.dma_semaphore, #tpu.memory_space<semaphore_mem>>)
    %dma_start3A_27 = arith.constant 120 : i32
    %dma_start3A_28 = tpu.memref_slice %arg6[%dma_start3A_27] : memref<10000xi32, #tpu.memory_space<vmem>> -> memref<40xi32, #tpu.memory_space<vmem>>
    %dma_start3A_29 = arith.constant 0 : i32
    %dma_start3A_30 = arith.constant 0 : i32
    %dma_start3A_31 = tpu.memref_slice %arg2[%dma_start3A_29, %dma_start3A_30] : memref<10000x128xf32, #tpu.memory_space<hbm>> -> memref<10000x128xf32, #tpu.memory_space<hbm>>
    tpu.enqueue_indirect_dma source(%dma_start3A_31 : memref<10000x128xf32, #tpu.memory_space<hbm>>) target(%arg11 : memref<40x128xf32, #tpu.memory_space<vmem>>) offsets(%dma_start3A_28 : memref<40xi32, #tpu.memory_space<vmem>>) semaphore(%arg17 : memref<!tpu.dma_semaphore, #tpu.memory_space<semaphore_mem>>)
    %scan3A_32 = arith.constant 0 : i32
    %scan3A_33 = arith.constant 0 : i32
    %scan3A_34 = arith.constant 20 : i32
    %scan3A_35 = arith.addi %scan3A_33, %scan3A_34 : i32
    %scan3A_36 = arith.constant 1 : i32
    %scan3A_37 = scf.for %scan3A_95 = %scan3A_33 to %scan3A_35 step %scan3A_36 iter_args(%scan3A_96 = %scan3A_32) -> (i32)  : i32 {
      %mul3A_97 = arith.constant 640 : i32
      %mul3A_98 = arith.muli %arg1, %mul3A_97 : i32
      %mul3A_99 = arith.constant 32 : i32
      %mul3A_100 = arith.muli %scan3A_95, %mul3A_99 : i32
      %add3A_101 = arith.addi %mul3A_98, %mul3A_100 : i32
      %dma_wait3A_102 = arith.constant 0 : i32
      %dma_wait3A_103 = tpu.memref_slice %arg13[%add3A_101, %dma_wait3A_102] : memref<10240x128xf32, #tpu.memory_space<vmem_shared>> -> memref<32x128xf32, #tpu.memory_space<vmem_shared>>
      %dma_wait3A_104 = arith.constant 0 : i32
      %dma_wait3A_105 = tpu.memref_slice %arg13[%add3A_101, %dma_wait3A_104] : memref<10240x128xf32, #tpu.memory_space<vmem_shared>> -> memref<32x128xf32, #tpu.memory_space<vmem_shared>>
      tpu.wait_dma2 semaphore(%arg14 : memref<!tpu.dma_semaphore, #tpu.memory_space<semaphore_mem>>) src(%arg12 : memref<32x128xf32, #tpu.memory_space<vmem>>) dst(%dma_wait3A_105 : memref<32x128xf32, #tpu.memory_space<vmem_shared>>)
      %scan3A_106 = arith.constant 0 : i32
      scf.yield %scan3A_106 : i32
    }
    %scan3A_38 = arith.constant 20 : i32
    %dma_start3A_39 = arith.constant 0 : i32
    %dma_start3A_40 = tpu.memref_slice %arg6[%dma_start3A_39] : memref<10000xi32, #tpu.memory_space<vmem>> -> memref<40xi32, #tpu.memory_space<vmem>>
    %dma_start3A_41 = arith.constant 0 : i32
    %dma_start3A_42 = arith.constant 0 : i32
    %dma_start3A_43 = tpu.memref_slice %arg2[%dma_start3A_41, %dma_start3A_42] : memref<10000x128xf32, #tpu.memory_space<hbm>> -> memref<10000x128xf32, #tpu.memory_space<hbm>>
    tpu.enqueue_indirect_dma source(%dma_start3A_43 : memref<10000x128xf32, #tpu.memory_space<hbm>>) target(%arg8 : memref<40x128xf32, #tpu.memory_space<vmem>>) offsets(%dma_start3A_40 : memref<40xi32, #tpu.memory_space<vmem>>) semaphore(%arg14 : memref<!tpu.dma_semaphore, #tpu.memory_space<semaphore_mem>>)
    %barrier3A = arith.constant 0 : index
    tpu.barrier barrier_id(%barrier3A)
    %scan3A_44 = arith.constant 0 : i32
    %scan3A_45 = arith.constant 0 : i32
    %scan3A_46 = arith.constant 62 : i32
    %scan3A_47 = arith.addi %scan3A_45, %scan3A_46 : i32
    %scan3A_48 = arith.constant 1 : i32
    %scan3A_49 = scf.for %scan3A_95 = %scan3A_45 to %scan3A_47 step %scan3A_48 iter_args(%scan3A_96 = %scan3A_44) -> (i32)  : i32 {
      %mul3A_97 = arith.constant 4 : i32
      %mul3A_98 = arith.muli %mul3A_97, %scan3A_95 : i32
      %add3A_99 = arith.constant 0 : i32
      %add3A_100 = arith.addi %mul3A_98, %add3A_99 : i32
      %mul3A_101 = arith.constant 40 : i32
      %mul3A_102 = arith.muli %add3A_100, %mul3A_101 : i32
      %dma_wait3A_103 = tpu.memref_slice %arg6[%mul3A_102] : memref<10000xi32, #tpu.memory_space<vmem>> -> memref<40xi32, #tpu.memory_space<vmem>>
      %dma_wait3A_104 = arith.constant 0 : i32
      %dma_wait3A_105 = arith.constant 0 : i32
      %dma_wait3A_106 = tpu.memref_slice %arg2[%dma_wait3A_104, %dma_wait3A_105] : memref<10000x128xf32, #tpu.memory_space<hbm>> -> memref<10000x128xf32, #tpu.memory_space<hbm>>
      tpu.wait_indirect_dma semaphore(%arg14 : memref<!tpu.dma_semaphore, #tpu.memory_space<semaphore_mem>>) src(%dma_wait3A_106 : memref<10000x128xf32, #tpu.memory_space<hbm>>) dst(%arg8 : memref<40x128xf32, #tpu.memory_space<vmem>>)
      %mul3A_107 = arith.constant 40 : i32
      %mul3A_108 = arith.muli %add3A_100, %mul3A_107 : i32
      %dma_start3A_109 = tpu.memref_slice %arg7[%mul3A_108] : memref<10000xi32, #tpu.memory_space<vmem>> -> memref<40xi32, #tpu.memory_space<vmem>>
      %dma_start3A_110 = arith.constant 0 : i32
      %dma_start3A_111 = arith.constant 0 : i32
      %dma_start3A_112 = tpu.memref_slice %arg13[%dma_start3A_110, %dma_start3A_111] : memref<10240x128xf32, #tpu.memory_space<vmem_shared>> -> memref<10240x128xf32, #tpu.memory_space<vmem_shared>>
      tpu.enqueue_indirect_dma source(%arg8 : memref<40x128xf32, #tpu.memory_space<vmem>>) target(%dma_start3A_112 : memref<10240x128xf32, #tpu.memory_space<vmem_shared>>) offsets(%dma_start3A_109 : memref<40xi32, #tpu.memory_space<vmem>>) semaphore(%arg18 : memref<!tpu.dma_semaphore, #tpu.memory_space<semaphore_mem>>) {add = true}
      %mul3A_113 = arith.constant 4 : i32
      %mul3A_114 = arith.muli %mul3A_113, %scan3A_95 : i32
      %add3A_115 = arith.constant 1 : i32
      %add3A_116 = arith.addi %mul3A_114, %add3A_115 : i32
      %mul3A_117 = arith.constant 40 : i32
      %mul3A_118 = arith.muli %add3A_116, %mul3A_117 : i32
      %dma_wait3A_119 = tpu.memref_slice %arg6[%mul3A_118] : memref<10000xi32, #tpu.memory_space<vmem>> -> memref<40xi32, #tpu.memory_space<vmem>>
      %dma_wait3A_120 = arith.constant 0 : i32
      %dma_wait3A_121 = arith.constant 0 : i32
      %dma_wait3A_122 = tpu.memref_slice %arg2[%dma_wait3A_120, %dma_wait3A_121] : memref<10000x128xf32, #tpu.memory_space<hbm>> -> memref<10000x128xf32, #tpu.memory_space<hbm>>
      tpu.wait_indirect_dma semaphore(%arg15 : memref<!tpu.dma_semaphore, #tpu.memory_space<semaphore_mem>>) src(%dma_wait3A_122 : memref<10000x128xf32, #tpu.memory_space<hbm>>) dst(%arg9 : memref<40x128xf32, #tpu.memory_space<vmem>>)
      %mul3A_123 = arith.constant 40 : i32
      %mul3A_124 = arith.muli %add3A_116, %mul3A_123 : i32
      %dma_start3A_125 = tpu.memref_slice %arg7[%mul3A_124] : memref<10000xi32, #tpu.memory_space<vmem>> -> memref<40xi32, #tpu.memory_space<vmem>>
      %dma_start3A_126 = arith.constant 0 : i32
      %dma_start3A_127 = arith.constant 0 : i32
      %dma_start3A_128 = tpu.memref_slice %arg13[%dma_start3A_126, %dma_start3A_127] : memref<10240x128xf32, #tpu.memory_space<vmem_shared>> -> memref<10240x128xf32, #tpu.memory_space<vmem_shared>>
      tpu.enqueue_indirect_dma source(%arg9 : memref<40x128xf32, #tpu.memory_space<vmem>>) target(%dma_start3A_128 : memref<10240x128xf32, #tpu.memory_space<vmem_shared>>) offsets(%dma_start3A_125 : memref<40xi32, #tpu.memory_space<vmem>>) semaphore(%arg19 : memref<!tpu.dma_semaphore, #tpu.memory_space<semaphore_mem>>) {add = true}
      %mul3A_129 = arith.constant 4 : i32
      %mul3A_130 = arith.muli %mul3A_129, %scan3A_95 : i32
      %add3A_131 = arith.constant 2 : i32
      %add3A_132 = arith.addi %mul3A_130, %add3A_131 : i32
      %mul3A_133 = arith.constant 40 : i32
      %mul3A_134 = arith.muli %add3A_132, %mul3A_133 : i32
      %dma_wait3A_135 = tpu.memref_slice %arg6[%mul3A_134] : memref<10000xi32, #tpu.memory_space<vmem>> -> memref<40xi32, #tpu.memory_space<vmem>>
      %dma_wait3A_136 = arith.constant 0 : i32
      %dma_wait3A_137 = arith.constant 0 : i32
      %dma_wait3A_138 = tpu.memref_slice %arg2[%dma_wait3A_136, %dma_wait3A_137] : memref<10000x128xf32, #tpu.memory_space<hbm>> -> memref<10000x128xf32, #tpu.memory_space<hbm>>
      tpu.wait_indirect_dma semaphore(%arg16 : memref<!tpu.dma_semaphore, #tpu.memory_space<semaphore_mem>>) src(%dma_wait3A_138 : memref<10000x128xf32, #tpu.memory_space<hbm>>) dst(%arg10 : memref<40x128xf32, #tpu.memory_space<vmem>>)
      %mul3A_139 = arith.constant 40 : i32
      %mul3A_140 = arith.muli %add3A_132, %mul3A_139 : i32
      %dma_start3A_141 = tpu.memref_slice %arg7[%mul3A_140] : memref<10000xi32, #tpu.memory_space<vmem>> -> memref<40xi32, #tpu.memory_space<vmem>>
      %dma_start3A_142 = arith.constant 0 : i32
      %dma_start3A_143 = arith.constant 0 : i32
      %dma_start3A_144 = tpu.memref_slice %arg13[%dma_start3A_142, %dma_start3A_143] : memref<10240x128xf32, #tpu.memory_space<vmem_shared>> -> memref<10240x128xf32, #tpu.memory_space<vmem_shared>>
      tpu.enqueue_indirect_dma source(%arg10 : memref<40x128xf32, #tpu.memory_space<vmem>>) target(%dma_start3A_144 : memref<10240x128xf32, #tpu.memory_space<vmem_shared>>) offsets(%dma_start3A_141 : memref<40xi32, #tpu.memory_space<vmem>>) semaphore(%arg20 : memref<!tpu.dma_semaphore, #tpu.memory_space<semaphore_mem>>) {add = true}
      %mul3A_145 = arith.constant 4 : i32
      %mul3A_146 = arith.muli %mul3A_145, %scan3A_95 : i32
      %add3A_147 = arith.constant 3 : i32
      %add3A_148 = arith.addi %mul3A_146, %add3A_147 : i32
      %mul3A_149 = arith.constant 40 : i32
      %mul3A_150 = arith.muli %add3A_148, %mul3A_149 : i32
      %dma_wait3A_151 = tpu.memref_slice %arg6[%mul3A_150] : memref<10000xi32, #tpu.memory_space<vmem>> -> memref<40xi32, #tpu.memory_space<vmem>>
      %dma_wait3A_152 = arith.constant 0 : i32
      %dma_wait3A_153 = arith.constant 0 : i32
      %dma_wait3A_154 = tpu.memref_slice %arg2[%dma_wait3A_152, %dma_wait3A_153] : memref<10000x128xf32, #tpu.memory_space<hbm>> -> memref<10000x128xf32, #tpu.memory_space<hbm>>
      tpu.wait_indirect_dma semaphore(%arg17 : memref<!tpu.dma_semaphore, #tpu.memory_space<semaphore_mem>>) src(%dma_wait3A_154 : memref<10000x128xf32, #tpu.memory_space<hbm>>) dst(%arg11 : memref<40x128xf32, #tpu.memory_space<vmem>>)
      %mul3A_155 = arith.constant 40 : i32
      %mul3A_156 = arith.muli %add3A_148, %mul3A_155 : i32
      %dma_start3A_157 = tpu.memref_slice %arg7[%mul3A_156] : memref<10000xi32, #tpu.memory_space<vmem>> -> memref<40xi32, #tpu.memory_space<vmem>>
      %dma_start3A_158 = arith.constant 0 : i32
      %dma_start3A_159 = arith.constant 0 : i32
      %dma_start3A_160 = tpu.memref_slice %arg13[%dma_start3A_158, %dma_start3A_159] : memref<10240x128xf32, #tpu.memory_space<vmem_shared>> -> memref<10240x128xf32, #tpu.memory_space<vmem_shared>>
      tpu.enqueue_indirect_dma source(%arg11 : memref<40x128xf32, #tpu.memory_space<vmem>>) target(%dma_start3A_160 : memref<10240x128xf32, #tpu.memory_space<vmem_shared>>) offsets(%dma_start3A_157 : memref<40xi32, #tpu.memory_space<vmem>>) semaphore(%arg21 : memref<!tpu.dma_semaphore, #tpu.memory_space<semaphore_mem>>) {add = true}
      %mul3A_161 = arith.constant 4 : i32
      %mul3A_162 = arith.muli %mul3A_161, %scan3A_95 : i32
      %add3A_163 = arith.constant 0 : i32
      %add3A_164 = arith.addi %mul3A_162, %add3A_163 : i32
      %add3A_165 = arith.constant 4 : i32
      %add3A_166 = arith.addi %add3A_164, %add3A_165 : i32
      %lt3A = arith.constant 250 : i32
      %lt3A_167 = arith.cmpi slt, %add3A_166, %lt3A : i32
      %convert_element_type3A = arith.extui %lt3A_167 : i1 to i32
      %cond3A = arith.constant 0 : i32
      %cond3A_168 = arith.cmpi ne, %convert_element_type3A, %cond3A : i32
      scf.if %cond3A_168 {
        %mul3A_203 = arith.constant 40 : i32
        %mul3A_204 = arith.muli %add3A_164, %mul3A_203 : i32
        %dma_wait3A_205 = tpu.memref_slice %arg7[%mul3A_204] : memref<10000xi32, #tpu.memory_space<vmem>> -> memref<40xi32, #tpu.memory_space<vmem>>
        %dma_wait3A_206 = arith.constant 0 : i32
        %dma_wait3A_207 = arith.constant 0 : i32
        %dma_wait3A_208 = tpu.memref_slice %arg13[%dma_wait3A_206, %dma_wait3A_207] : memref<10240x128xf32, #tpu.memory_space<vmem_shared>> -> memref<10240x128xf32, #tpu.memory_space<vmem_shared>>
        tpu.wait_indirect_dma semaphore(%arg18 : memref<!tpu.dma_semaphore, #tpu.memory_space<semaphore_mem>>) src(%arg8 : memref<40x128xf32, #tpu.memory_space<vmem>>) dst(%dma_wait3A_208 : memref<10240x128xf32, #tpu.memory_space<vmem_shared>>)
        %mul3A_209 = arith.constant 40 : i32
        %mul3A_210 = arith.muli %add3A_166, %mul3A_209 : i32
        %dma_start3A_211 = tpu.memref_slice %arg6[%mul3A_210] : memref<10000xi32, #tpu.memory_space<vmem>> -> memref<40xi32, #tpu.memory_space<vmem>>
        %dma_start3A_212 = arith.constant 0 : i32
        %dma_start3A_213 = arith.constant 0 : i32
        %dma_start3A_214 = tpu.memref_slice %arg2[%dma_start3A_212, %dma_start3A_213] : memref<10000x128xf32, #tpu.memory_space<hbm>> -> memref<10000x128xf32, #tpu.memory_space<hbm>>
        tpu.enqueue_indirect_dma source(%dma_start3A_214 : memref<10000x128xf32, #tpu.memory_space<hbm>>) target(%arg8 : memref<40x128xf32, #tpu.memory_space<vmem>>) offsets(%dma_start3A_211 : memref<40xi32, #tpu.memory_space<vmem>>) semaphore(%arg14 : memref<!tpu.dma_semaphore, #tpu.memory_space<semaphore_mem>>)
      } else {
      }
      %mul3A_169 = arith.constant 4 : i32
      %mul3A_170 = arith.muli %mul3A_169, %scan3A_95 : i32
      %add3A_171 = arith.constant 1 : i32
      %add3A_172 = arith.addi %mul3A_170, %add3A_171 : i32
      %add3A_173 = arith.constant 4 : i32
      %add3A_174 = arith.addi %add3A_172, %add3A_173 : i32
      %lt3A_175 = arith.constant 250 : i32
      %lt3A_176 = arith.cmpi slt, %add3A_174, %lt3A_175 : i32
      %convert_element_type3A_177 = arith.extui %lt3A_176 : i1 to i32
      %cond3A_178 = arith.constant 0 : i32
      %cond3A_179 = arith.cmpi ne, %convert_element_type3A_177, %cond3A_178 : i32
      scf.if %cond3A_179 {
        %mul3A_203 = arith.constant 40 : i32
        %mul3A_204 = arith.muli %add3A_172, %mul3A_203 : i32
        %dma_wait3A_205 = tpu.memref_slice %arg7[%mul3A_204] : memref<10000xi32, #tpu.memory_space<vmem>> -> memref<40xi32, #tpu.memory_space<vmem>>
        %dma_wait3A_206 = arith.constant 0 : i32
        %dma_wait3A_207 = arith.constant 0 : i32
        %dma_wait3A_208 = tpu.memref_slice %arg13[%dma_wait3A_206, %dma_wait3A_207] : memref<10240x128xf32, #tpu.memory_space<vmem_shared>> -> memref<10240x128xf32, #tpu.memory_space<vmem_shared>>
        tpu.wait_indirect_dma semaphore(%arg19 : memref<!tpu.dma_semaphore, #tpu.memory_space<semaphore_mem>>) src(%arg9 : memref<40x128xf32, #tpu.memory_space<vmem>>) dst(%dma_wait3A_208 : memref<10240x128xf32, #tpu.memory_space<vmem_shared>>)
        %mul3A_209 = arith.constant 40 : i32
        %mul3A_210 = arith.muli %add3A_174, %mul3A_209 : i32
        %dma_start3A_211 = tpu.memref_slice %arg6[%mul3A_210] : memref<10000xi32, #tpu.memory_space<vmem>> -> memref<40xi32, #tpu.memory_space<vmem>>
        %dma_start3A_212 = arith.constant 0 : i32
        %dma_start3A_213 = arith.constant 0 : i32
        %dma_start3A_214 = tpu.memref_slice %arg2[%dma_start3A_212, %dma_start3A_213] : memref<10000x128xf32, #tpu.memory_space<hbm>> -> memref<10000x128xf32, #tpu.memory_space<hbm>>
        tpu.enqueue_indirect_dma source(%dma_start3A_214 : memref<10000x128xf32, #tpu.memory_space<hbm>>) target(%arg9 : memref<40x128xf32, #tpu.memory_space<vmem>>) offsets(%dma_start3A_211 : memref<40xi32, #tpu.memory_space<vmem>>) semaphore(%arg15 : memref<!tpu.dma_semaphore, #tpu.memory_space<semaphore_mem>>)
      } else {
      }
      %mul3A_180 = arith.constant 4 : i32
      %mul3A_181 = arith.muli %mul3A_180, %scan3A_95 : i32
      %add3A_182 = arith.constant 2 : i32
      %add3A_183 = arith.addi %mul3A_181, %add3A_182 : i32
      %add3A_184 = arith.constant 4 : i32
      %add3A_185 = arith.addi %add3A_183, %add3A_184 : i32
      %lt3A_186 = arith.constant 250 : i32
      %lt3A_187 = arith.cmpi slt, %add3A_185, %lt3A_186 : i32
      %convert_element_type3A_188 = arith.extui %lt3A_187 : i1 to i32
      %cond3A_189 = arith.constant 0 : i32
      %cond3A_190 = arith.cmpi ne, %convert_element_type3A_188, %cond3A_189 : i32
      scf.if %cond3A_190 {
        %mul3A_203 = arith.constant 40 : i32
        %mul3A_204 = arith.muli %add3A_183, %mul3A_203 : i32
        %dma_wait3A_205 = tpu.memref_slice %arg7[%mul3A_204] : memref<10000xi32, #tpu.memory_space<vmem>> -> memref<40xi32, #tpu.memory_space<vmem>>
        %dma_wait3A_206 = arith.constant 0 : i32
        %dma_wait3A_207 = arith.constant 0 : i32
        %dma_wait3A_208 = tpu.memref_slice %arg13[%dma_wait3A_206, %dma_wait3A_207] : memref<10240x128xf32, #tpu.memory_space<vmem_shared>> -> memref<10240x128xf32, #tpu.memory_space<vmem_shared>>
        tpu.wait_indirect_dma semaphore(%arg20 : memref<!tpu.dma_semaphore, #tpu.memory_space<semaphore_mem>>) src(%arg10 : memref<40x128xf32, #tpu.memory_space<vmem>>) dst(%dma_wait3A_208 : memref<10240x128xf32, #tpu.memory_space<vmem_shared>>)
        %mul3A_209 = arith.constant 40 : i32
        %mul3A_210 = arith.muli %add3A_185, %mul3A_209 : i32
        %dma_start3A_211 = tpu.memref_slice %arg6[%mul3A_210] : memref<10000xi32, #tpu.memory_space<vmem>> -> memref<40xi32, #tpu.memory_space<vmem>>
        %dma_start3A_212 = arith.constant 0 : i32
        %dma_start3A_213 = arith.constant 0 : i32
        %dma_start3A_214 = tpu.memref_slice %arg2[%dma_start3A_212, %dma_start3A_213] : memref<10000x128xf32, #tpu.memory_space<hbm>> -> memref<10000x128xf32, #tpu.memory_space<hbm>>
        tpu.enqueue_indirect_dma source(%dma_start3A_214 : memref<10000x128xf32, #tpu.memory_space<hbm>>) target(%arg10 : memref<40x128xf32, #tpu.memory_space<vmem>>) offsets(%dma_start3A_211 : memref<40xi32, #tpu.memory_space<vmem>>) semaphore(%arg16 : memref<!tpu.dma_semaphore, #tpu.memory_space<semaphore_mem>>)
      } else {
      }
      %mul3A_191 = arith.constant 4 : i32
      %mul3A_192 = arith.muli %mul3A_191, %scan3A_95 : i32
      %add3A_193 = arith.constant 3 : i32
      %add3A_194 = arith.addi %mul3A_192, %add3A_193 : i32
      %add3A_195 = arith.constant 4 : i32
      %add3A_196 = arith.addi %add3A_194, %add3A_195 : i32
      %lt3A_197 = arith.constant 250 : i32
      %lt3A_198 = arith.cmpi slt, %add3A_196, %lt3A_197 : i32
      %convert_element_type3A_199 = arith.extui %lt3A_198 : i1 to i32
      %cond3A_200 = arith.constant 0 : i32
      %cond3A_201 = arith.cmpi ne, %convert_element_type3A_199, %cond3A_200 : i32
      scf.if %cond3A_201 {
        %mul3A_203 = arith.constant 40 : i32
        %mul3A_204 = arith.muli %add3A_194, %mul3A_203 : i32
        %dma_wait3A_205 = tpu.memref_slice %arg7[%mul3A_204] : memref<10000xi32, #tpu.memory_space<vmem>> -> memref<40xi32, #tpu.memory_space<vmem>>
        %dma_wait3A_206 = arith.constant 0 : i32
        %dma_wait3A_207 = arith.constant 0 : i32
        %dma_wait3A_208 = tpu.memref_slice %arg13[%dma_wait3A_206, %dma_wait3A_207] : memref<10240x128xf32, #tpu.memory_space<vmem_shared>> -> memref<10240x128xf32, #tpu.memory_space<vmem_shared>>
        tpu.wait_indirect_dma semaphore(%arg21 : memref<!tpu.dma_semaphore, #tpu.memory_space<semaphore_mem>>) src(%arg11 : memref<40x128xf32, #tpu.memory_space<vmem>>) dst(%dma_wait3A_208 : memref<10240x128xf32, #tpu.memory_space<vmem_shared>>)
        %mul3A_209 = arith.constant 40 : i32
        %mul3A_210 = arith.muli %add3A_196, %mul3A_209 : i32
        %dma_start3A_211 = tpu.memref_slice %arg6[%mul3A_210] : memref<10000xi32, #tpu.memory_space<vmem>> -> memref<40xi32, #tpu.memory_space<vmem>>
        %dma_start3A_212 = arith.constant 0 : i32
        %dma_start3A_213 = arith.constant 0 : i32
        %dma_start3A_214 = tpu.memref_slice %arg2[%dma_start3A_212, %dma_start3A_213] : memref<10000x128xf32, #tpu.memory_space<hbm>> -> memref<10000x128xf32, #tpu.memory_space<hbm>>
        tpu.enqueue_indirect_dma source(%dma_start3A_214 : memref<10000x128xf32, #tpu.memory_space<hbm>>) target(%arg11 : memref<40x128xf32, #tpu.memory_space<vmem>>) offsets(%dma_start3A_211 : memref<40xi32, #tpu.memory_space<vmem>>) semaphore(%arg17 : memref<!tpu.dma_semaphore, #tpu.memory_space<semaphore_mem>>)
      } else {
      }
      %scan3A_202 = arith.constant 0 : i32
      scf.yield %scan3A_202 : i32
    }
    %scan3A_50 = arith.constant 62 : i32
    %dma_wait3A = arith.constant 9920 : i32
    %dma_wait3A_51 = tpu.memref_slice %arg6[%dma_wait3A] : memref<10000xi32, #tpu.memory_space<vmem>> -> memref<40xi32, #tpu.memory_space<vmem>>
    %dma_wait3A_52 = arith.constant 0 : i32
    %dma_wait3A_53 = arith.constant 0 : i32
    %dma_wait3A_54 = tpu.memref_slice %arg2[%dma_wait3A_52, %dma_wait3A_53] : memref<10000x128xf32, #tpu.memory_space<hbm>> -> memref<10000x128xf32, #tpu.memory_space<hbm>>
    tpu.wait_indirect_dma semaphore(%arg14 : memref<!tpu.dma_semaphore, #tpu.memory_space<semaphore_mem>>) src(%dma_wait3A_54 : memref<10000x128xf32, #tpu.memory_space<hbm>>) dst(%arg8 : memref<40x128xf32, #tpu.memory_space<vmem>>)
    %dma_start3A_55 = arith.constant 9920 : i32
    %dma_start3A_56 = tpu.memref_slice %arg7[%dma_start3A_55] : memref<10000xi32, #tpu.memory_space<vmem>> -> memref<40xi32, #tpu.memory_space<vmem>>
    %dma_start3A_57 = arith.constant 0 : i32
    %dma_start3A_58 = arith.constant 0 : i32
    %dma_start3A_59 = tpu.memref_slice %arg13[%dma_start3A_57, %dma_start3A_58] : memref<10240x128xf32, #tpu.memory_space<vmem_shared>> -> memref<10240x128xf32, #tpu.memory_space<vmem_shared>>
    tpu.enqueue_indirect_dma source(%arg8 : memref<40x128xf32, #tpu.memory_space<vmem>>) target(%dma_start3A_59 : memref<10240x128xf32, #tpu.memory_space<vmem_shared>>) offsets(%dma_start3A_56 : memref<40xi32, #tpu.memory_space<vmem>>) semaphore(%arg18 : memref<!tpu.dma_semaphore, #tpu.memory_space<semaphore_mem>>) {add = true}
    %dma_wait3A_60 = arith.constant 9960 : i32
    %dma_wait3A_61 = tpu.memref_slice %arg6[%dma_wait3A_60] : memref<10000xi32, #tpu.memory_space<vmem>> -> memref<40xi32, #tpu.memory_space<vmem>>
    %dma_wait3A_62 = arith.constant 0 : i32
    %dma_wait3A_63 = arith.constant 0 : i32
    %dma_wait3A_64 = tpu.memref_slice %arg2[%dma_wait3A_62, %dma_wait3A_63] : memref<10000x128xf32, #tpu.memory_space<hbm>> -> memref<10000x128xf32, #tpu.memory_space<hbm>>
    tpu.wait_indirect_dma semaphore(%arg15 : memref<!tpu.dma_semaphore, #tpu.memory_space<semaphore_mem>>) src(%dma_wait3A_64 : memref<10000x128xf32, #tpu.memory_space<hbm>>) dst(%arg9 : memref<40x128xf32, #tpu.memory_space<vmem>>)
    %dma_start3A_65 = arith.constant 9960 : i32
    %dma_start3A_66 = tpu.memref_slice %arg7[%dma_start3A_65] : memref<10000xi32, #tpu.memory_space<vmem>> -> memref<40xi32, #tpu.memory_space<vmem>>
    %dma_start3A_67 = arith.constant 0 : i32
    %dma_start3A_68 = arith.constant 0 : i32
    %dma_start3A_69 = tpu.memref_slice %arg13[%dma_start3A_67, %dma_start3A_68] : memref<10240x128xf32, #tpu.memory_space<vmem_shared>> -> memref<10240x128xf32, #tpu.memory_space<vmem_shared>>
    tpu.enqueue_indirect_dma source(%arg9 : memref<40x128xf32, #tpu.memory_space<vmem>>) target(%dma_start3A_69 : memref<10240x128xf32, #tpu.memory_space<vmem_shared>>) offsets(%dma_start3A_66 : memref<40xi32, #tpu.memory_space<vmem>>) semaphore(%arg19 : memref<!tpu.dma_semaphore, #tpu.memory_space<semaphore_mem>>) {add = true}
    %dma_wait3A_70 = arith.constant 9840 : i32
    %dma_wait3A_71 = tpu.memref_slice %arg7[%dma_wait3A_70] : memref<10000xi32, #tpu.memory_space<vmem>> -> memref<40xi32, #tpu.memory_space<vmem>>
    %dma_wait3A_72 = arith.constant 0 : i32
    %dma_wait3A_73 = arith.constant 0 : i32
    %dma_wait3A_74 = tpu.memref_slice %arg13[%dma_wait3A_72, %dma_wait3A_73] : memref<10240x128xf32, #tpu.memory_space<vmem_shared>> -> memref<10240x128xf32, #tpu.memory_space<vmem_shared>>
    tpu.wait_indirect_dma semaphore(%arg20 : memref<!tpu.dma_semaphore, #tpu.memory_space<semaphore_mem>>) src(%arg10 : memref<40x128xf32, #tpu.memory_space<vmem>>) dst(%dma_wait3A_74 : memref<10240x128xf32, #tpu.memory_space<vmem_shared>>)
    %dma_wait3A_75 = arith.constant 9880 : i32
    %dma_wait3A_76 = tpu.memref_slice %arg7[%dma_wait3A_75] : memref<10000xi32, #tpu.memory_space<vmem>> -> memref<40xi32, #tpu.memory_space<vmem>>
    %dma_wait3A_77 = arith.constant 0 : i32
    %dma_wait3A_78 = arith.constant 0 : i32
    %dma_wait3A_79 = tpu.memref_slice %arg13[%dma_wait3A_77, %dma_wait3A_78] : memref<10240x128xf32, #tpu.memory_space<vmem_shared>> -> memref<10240x128xf32, #tpu.memory_space<vmem_shared>>
    tpu.wait_indirect_dma semaphore(%arg21 : memref<!tpu.dma_semaphore, #tpu.memory_space<semaphore_mem>>) src(%arg11 : memref<40x128xf32, #tpu.memory_space<vmem>>) dst(%dma_wait3A_79 : memref<10240x128xf32, #tpu.memory_space<vmem_shared>>)
    %dma_wait3A_80 = arith.constant 9920 : i32
    %dma_wait3A_81 = tpu.memref_slice %arg7[%dma_wait3A_80] : memref<10000xi32, #tpu.memory_space<vmem>> -> memref<40xi32, #tpu.memory_space<vmem>>
    %dma_wait3A_82 = arith.constant 0 : i32
    %dma_wait3A_83 = arith.constant 0 : i32
    %dma_wait3A_84 = tpu.memref_slice %arg13[%dma_wait3A_82, %dma_wait3A_83] : memref<10240x128xf32, #tpu.memory_space<vmem_shared>> -> memref<10240x128xf32, #tpu.memory_space<vmem_shared>>
    tpu.wait_indirect_dma semaphore(%arg18 : memref<!tpu.dma_semaphore, #tpu.memory_space<semaphore_mem>>) src(%arg8 : memref<40x128xf32, #tpu.memory_space<vmem>>) dst(%dma_wait3A_84 : memref<10240x128xf32, #tpu.memory_space<vmem_shared>>)
    %dma_wait3A_85 = arith.constant 9960 : i32
    %dma_wait3A_86 = tpu.memref_slice %arg7[%dma_wait3A_85] : memref<10000xi32, #tpu.memory_space<vmem>> -> memref<40xi32, #tpu.memory_space<vmem>>
    %dma_wait3A_87 = arith.constant 0 : i32
    %dma_wait3A_88 = arith.constant 0 : i32
    %dma_wait3A_89 = tpu.memref_slice %arg13[%dma_wait3A_87, %dma_wait3A_88] : memref<10240x128xf32, #tpu.memory_space<vmem_shared>> -> memref<10240x128xf32, #tpu.memory_space<vmem_shared>>
    tpu.wait_indirect_dma semaphore(%arg19 : memref<!tpu.dma_semaphore, #tpu.memory_space<semaphore_mem>>) src(%arg9 : memref<40x128xf32, #tpu.memory_space<vmem>>) dst(%dma_wait3A_89 : memref<10240x128xf32, #tpu.memory_space<vmem_shared>>)
    %barrier3A_90 = arith.constant 0 : index
    tpu.barrier barrier_id(%barrier3A_90)
    %mul3A_91 = arith.constant 640 : i32
    %mul3A_92 = arith.muli %arg1, %mul3A_91 : i32
    %mul3A_93 = arith.constant 640 : i32
    %mul3A_94 = arith.muli %arg1, %mul3A_93 : i32
    "tpu.region"() ({
      %run_scoped3A = tpu.sem_alloc : memref<!tpu.dma_semaphore, #tpu.memory_space<semaphore_mem>>
      %dma_start3A_95 = arith.constant 0 : i32
      %dma_start3A_96 = tpu.memref_slice %arg5[%arg0, %mul3A_94, %dma_start3A_95] : memref<2x10240x128xf32, #tpu.memory_space<hbm>> -> memref<1x640x128xf32, #tpu.memory_space<hbm>>
      %dma_start3A_97 = tpu.memref_squeeze %dma_start3A_96 : memref<1x640x128xf32, #tpu.memory_space<hbm>> -> memref<640x128xf32, #tpu.memory_space<hbm>>
      %dma_start3A_98 = arith.constant 0 : i32
      %dma_start3A_99 = tpu.memref_slice %arg13[%mul3A_92, %dma_start3A_98] : memref<10240x128xf32, #tpu.memory_space<vmem_shared>> -> memref<640x128xf32, #tpu.memory_space<vmem_shared>>
      tpu.enqueue_dma source(%dma_start3A_99 : memref<640x128xf32, #tpu.memory_space<vmem_shared>>) target(%dma_start3A_97 : memref<640x128xf32, #tpu.memory_space<hbm>>) target_semaphore(%run_scoped3A : memref<!tpu.dma_semaphore, #tpu.memory_space<semaphore_mem>>)
      %dma_wait3A_100 = arith.constant 0 : i32
      %dma_wait3A_101 = tpu.memref_slice %arg5[%arg0, %mul3A_94, %dma_wait3A_100] : memref<2x10240x128xf32, #tpu.memory_space<hbm>> -> memref<1x640x128xf32, #tpu.memory_space<hbm>>
      %dma_wait3A_102 = tpu.memref_squeeze %dma_wait3A_101 : memref<1x640x128xf32, #tpu.memory_space<hbm>> -> memref<640x128xf32, #tpu.memory_space<hbm>>
      %dma_wait3A_103 = arith.constant 0 : i32
      %dma_wait3A_104 = tpu.memref_slice %arg13[%mul3A_92, %dma_wait3A_103] : memref<10240x128xf32, #tpu.memory_space<vmem_shared>> -> memref<640x128xf32, #tpu.memory_space<vmem_shared>>
      tpu.wait_dma2 semaphore(%run_scoped3A : memref<!tpu.dma_semaphore, #tpu.memory_space<semaphore_mem>>) src(%dma_wait3A_104 : memref<640x128xf32, #tpu.memory_space<vmem_shared>>) dst(%dma_wait3A_102 : memref<640x128xf32, #tpu.memory_space<hbm>>)
      tpu.yield
    }) : () -> ()
    return
  }
}

#map = affine_map<(d0, d1) -> (0, 0)>
#map1 = affine_map<(d0, d1) -> (0)>
#map2 = affine_map<(d0, d1) -> (0, 0, 0)>
module attributes {stable_mosaic.version = 14 : i64} {
  func.func @_scatter_kernel(%arg0: i32, %arg1: i32, %arg2: memref<10000x128xf32, #tpu.memory_space<hbm>>, %arg3: memref<320000xi32, #tpu.memory_space<hbm>>, %arg4: memref<320000xi32, #tpu.memory_space<hbm>>, %arg5: memref<2x10240x128xf32, #tpu.memory_space<hbm>>, %arg6: memref<10000xi32, #tpu.memory_space<vmem>>, %arg7: memref<10000xi32, #tpu.memory_space<vmem>>, %arg8: memref<40x128xf32, #tpu.memory_space<vmem>>, %arg9: memref<40x128xf32, #tpu.memory_space<vmem>>, %arg10: memref<40x128xf32, #tpu.memory_space<vmem>>, %arg11: memref<40x128xf32, #tpu.memory_space<vmem>>, %arg12: memref<32x128xf32, #tpu.memory_space<vmem>>, %arg13: memref<10240x128xf32, #tpu.memory_space<vmem_shared>>, %arg14: memref<!tpu.dma_semaphore, #tpu.memory_space<semaphore_mem>>, %arg15: memref<!tpu.dma_semaphore, #tpu.memory_space<semaphore_mem>>, %arg16: memref<!tpu.dma_semaphore, #tpu.memory_space<semaphore_mem>>, %arg17: memref<!tpu.dma_semaphore, #tpu.memory_space<semaphore_mem>>, %arg18: memref<!tpu.dma_semaphore, #tpu.memory_space<semaphore_mem>>, %arg19: memref<!tpu.dma_semaphore, #tpu.memory_space<semaphore_mem>>, %arg20: memref<!tpu.dma_semaphore, #tpu.memory_space<semaphore_mem>>, %arg21: memref<!tpu.dma_semaphore, #tpu.memory_space<semaphore_mem>>) attributes {dimension_semantics = [#tpu.dimension_semantics<core_parallel>, #tpu.dimension_semantics<subcore_parallel>], iteration_bounds = array<i64: 2, 16>, scalar_prefetch = 0 : i64, scratch_operands = 16 : i64, tpu.core_type = #tpu.core_type<sc_vector_subcore>, window_params = [{transform_indices = #map}, {transform_indices = #map1}, {transform_indices = #map1}, {transform_indices = #map2}]} {
    %mul3A = arith.constant 16 : i32
    %mul3A_0 = arith.muli %arg0, %mul3A : i32
    %add3A = arith.addi %mul3A_0, %arg1 : i32
    %scan3A = arith.constant 0 : i32
    %scan3A_1 = arith.constant 0 : i32
    %scan3A_2 = arith.constant 32 : i32
    %scan3A_3 = arith.addi %scan3A_1, %scan3A_2 : i32
    %scan3A_4 = arith.constant 1 : i32
    %scan3A_5 = scf.for %scan3A_95 = %scan3A_1 to %scan3A_3 step %scan3A_4 iter_args(%scan3A_96 = %scan3A) -> (i32)  : i32 {
      %broadcast_in_dim3A = arith.constant 0.000000e+00 : f32
      %broadcast_in_dim3A_97 = vector.broadcast %broadcast_in_dim3A : f32 to vector<16xf32>
      %swap3A = arith.index_cast %scan3A_95 : i32 to index
      %swap3A_98 = arith.constant 0 : index
      %swap3A_99 = tpu.vector_load %arg12[%swap3A, %swap3A_98] {strides = array<i32>} : memref<32x128xf32, #tpu.memory_space<vmem>>, vector<1x16xf32>,
      %swap3A_100 = vector.shape_cast %swap3A_99 : vector<1x16xf32> to vector<16xf32>
      %swap3A_101 = vector.shape_cast %broadcast_in_dim3A_97 : vector<16xf32> to vector<1x16xf32>
      tpu.vector_store %arg12[%swap3A, %swap3A_98], %swap3A_101 {strides = array<i32>} : memref<32x128xf32, #tpu.memory_space<vmem>>, vector<1x16xf32>,
      %broadcast_in_dim3A_102 = arith.constant 0.000000e+00 : f32
      %broadcast_in_dim3A_103 = vector.broadcast %broadcast_in_dim3A_102 : f32 to vector<16xf32>
      %swap3A_104 = arith.index_cast %scan3A_95 : i32 to index
      %swap3A_105 = arith.constant 16 : index
      %swap3A_106 = tpu.vector_load %arg12[%swap3A_104, %swap3A_105] {strides = array<i32>} : memref<32x128xf32, #tpu.memory_space<vmem>>, vector<1x16xf32>,
      %swap3A_107 = vector.shape_cast %swap3A_106 : vector<1x16xf32> to vector<16xf32>
      %swap3A_108 = vector.shape_cast %broadcast_in_dim3A_103 : vector<16xf32> to vector<1x16xf32>
      tpu.vector_store %arg12[%swap3A_104, %swap3A_105], %swap3A_108 {strides = array<i32>} : memref<32x128xf32, #tpu.memory_space<vmem>>, vector<1x16xf32>,
      %broadcast_in_dim3A_109 = arith.constant 0.000000e+00 : f32
      %broadcast_in_dim3A_110 = vector.broadcast %broadcast_in_dim3A_109 : f32 to vector<16xf32>
      %swap3A_111 = arith.index_cast %scan3A_95 : i32 to index
      %swap3A_112 = arith.constant 32 : index
      %swap3A_113 = tpu.vector_load %arg12[%swap3A_111, %swap3A_112] {strides = array<i32>} : memref<32x128xf32, #tpu.memory_space<vmem>>, vector<1x16xf32>,
      %swap3A_114 = vector.shape_cast %swap3A_113 : vector<1x16xf32> to vector<16xf32>
      %swap3A_115 = vector.shape_cast %broadcast_in_dim3A_110 : vector<16xf32> to vector<1x16xf32>
      tpu.vector_store %arg12[%swap3A_111, %swap3A_112], %swap3A_115 {strides = array<i32>} : memref<32x128xf32, #tpu.memory_space<vmem>>, vector<1x16xf32>,
      %broadcast_in_dim3A_116 = arith.constant 0.000000e+00 : f32
      %broadcast_in_dim3A_117 = vector.broadcast %broadcast_in_dim3A_116 : f32 to vector<16xf32>
      %swap3A_118 = arith.index_cast %scan3A_95 : i32 to index
      %swap3A_119 = arith.constant 48 : index
      %swap3A_120 = tpu.vector_load %arg12[%swap3A_118, %swap3A_119] {strides = array<i32>} : memref<32x128xf32, #tpu.memory_space<vmem>>, vector<1x16xf32>,
      %swap3A_121 = vector.shape_cast %swap3A_120 : vector<1x16xf32> to vector<16xf32>
      %swap3A_122 = vector.shape_cast %broadcast_in_dim3A_117 : vector<16xf32> to vector<1x16xf32>
      tpu.vector_store %arg12[%swap3A_118, %swap3A_119], %swap3A_122 {strides = array<i32>} : memref<32x128xf32, #tpu.memory_space<vmem>>, vector<1x16xf32>,
      %broadcast_in_dim3A_123 = arith.constant 0.000000e+00 : f32
      %broadcast_in_dim3A_124 = vector.broadcast %broadcast_in_dim3A_123 : f32 to vector<16xf32>
      %swap3A_125 = arith.index_cast %scan3A_95 : i32 to index
      %swap3A_126 = arith.constant 64 : index
      %swap3A_127 = tpu.vector_load %arg12[%swap3A_125, %swap3A_126] {strides = array<i32>} : memref<32x128xf32, #tpu.memory_space<vmem>>, vector<1x16xf32>,
      %swap3A_128 = vector.shape_cast %swap3A_127 : vector<1x16xf32> to vector<16xf32>
      %swap3A_129 = vector.shape_cast %broadcast_in_dim3A_124 : vector<16xf32> to vector<1x16xf32>
      tpu.vector_store %arg12[%swap3A_125, %swap3A_126], %swap3A_129 {strides = array<i32>} : memref<32x128xf32, #tpu.memory_space<vmem>>, vector<1x16xf32>,
      %broadcast_in_dim3A_130 = arith.constant 0.000000e+00 : f32
      %broadcast_in_dim3A_131 = vector.broadcast %broadcast_in_dim3A_130 : f32 to vector<16xf32>
      %swap3A_132 = arith.index_cast %scan3A_95 : i32 to index
      %swap3A_133 = arith.constant 80 : index
      %swap3A_134 = tpu.vector_load %arg12[%swap3A_132, %swap3A_133] {strides = array<i32>} : memref<32x128xf32, #tpu.memory_space<vmem>>, vector<1x16xf32>,
      %swap3A_135 = vector.shape_cast %swap3A_134 : vector<1x16xf32> to vector<16xf32>
      %swap3A_136 = vector.shape_cast %broadcast_in_dim3A_131 : vector<16xf32> to vector<1x16xf32>
      tpu.vector_store %arg12[%swap3A_132, %swap3A_133], %swap3A_136 {strides = array<i32>} : memref<32x128xf32, #tpu.memory_space<vmem>>, vector<1x16xf32>,
      %broadcast_in_dim3A_137 = arith.constant 0.000000e+00 : f32
      %broadcast_in_dim3A_138 = vector.broadcast %broadcast_in_dim3A_137 : f32 to vector<16xf32>
      %swap3A_139 = arith.index_cast %scan3A_95 : i32 to index
      %swap3A_140 = arith.constant 96 : index
      %swap3A_141 = tpu.vector_load %arg12[%swap3A_139, %swap3A_140] {strides = array<i32>} : memref<32x128xf32, #tpu.memory_space<vmem>>, vector<1x16xf32>,
      %swap3A_142 = vector.shape_cast %swap3A_141 : vector<1x16xf32> to vector<16xf32>
      %swap3A_143 = vector.shape_cast %broadcast_in_dim3A_138 : vector<16xf32> to vector<1x16xf32>
      tpu.vector_store %arg12[%swap3A_139, %swap3A_140], %swap3A_143 {strides = array<i32>} : memref<32x128xf32, #tpu.memory_space<vmem>>, vector<1x16xf32>,
      %broadcast_in_dim3A_144 = arith.constant 0.000000e+00 : f32
      %broadcast_in_dim3A_145 = vector.broadcast %broadcast_in_dim3A_144 : f32 to vector<16xf32>
      %swap3A_146 = arith.index_cast %scan3A_95 : i32 to index
      %swap3A_147 = arith.constant 112 : index
      %swap3A_148 = tpu.vector_load %arg12[%swap3A_146, %swap3A_147] {strides = array<i32>} : memref<32x128xf32, #tpu.memory_space<vmem>>, vector<1x16xf32>,
      %swap3A_149 = vector.shape_cast %swap3A_148 : vector<1x16xf32> to vector<16xf32>
      %swap3A_150 = vector.shape_cast %broadcast_in_dim3A_145 : vector<16xf32> to vector<1x16xf32>
      tpu.vector_store %arg12[%swap3A_146, %swap3A_147], %swap3A_150 {strides = array<i32>} : memref<32x128xf32, #tpu.memory_space<vmem>>, vector<1x16xf32>,
      %scan3A_151 = arith.constant 0 : i32
      scf.yield %scan3A_151 : i32
    }
    %scan3A_6 = arith.constant 32 : i32
    %scan3A_7 = arith.constant 0 : i32
    %scan3A_8 = arith.constant 0 : i32
    %scan3A_9 = arith.constant 20 : i32
    %scan3A_10 = arith.addi %scan3A_8, %scan3A_9 : i32
    %scan3A_11 = arith.constant 1 : i32
    %scan3A_12 = scf.for %scan3A_95 = %scan3A_8 to %scan3A_10 step %scan3A_11 iter_args(%scan3A_96 = %scan3A_7) -> (i32)  : i32 {
      %mul3A_97 = arith.constant 640 : i32
      %mul3A_98 = arith.muli %arg1, %mul3A_97 : i32
      %mul3A_99 = arith.constant 32 : i32
      %mul3A_100 = arith.muli %scan3A_95, %mul3A_99 : i32
      %add3A_101 = arith.addi %mul3A_98, %mul3A_100 : i32
      %dma_start3A_102 = arith.constant 0 : i32
      %dma_start3A_103 = tpu.memref_slice %arg13[%add3A_101, %dma_start3A_102] : memref<10240x128xf32, #tpu.memory_space<vmem_shared>> -> memref<32x128xf32, #tpu.memory_space<vmem_shared>>
      %dma_start3A_104 = arith.constant 0 : i32
      %dma_start3A_105 = tpu.memref_slice %arg13[%add3A_101, %dma_start3A_104] : memref<10240x128xf32, #tpu.memory_space<vmem_shared>> -> memref<32x128xf32, #tpu.memory_space<vmem_shared>>
      tpu.enqueue_dma source(%arg12 : memref<32x128xf32, #tpu.memory_space<vmem>>) target(%dma_start3A_105 : memref<32x128xf32, #tpu.memory_space<vmem_shared>>) target_semaphore(%arg14 : memref<!tpu.dma_semaphore, #tpu.memory_space<semaphore_mem>>)
      %scan3A_106 = arith.constant 0 : i32
      scf.yield %scan3A_106 : i32
    }
    %scan3A_13 = arith.constant 20 : i32
    %mul3A_14 = arith.constant 10000 : i32
    %mul3A_15 = arith.muli %add3A, %mul3A_14 : i32
    "tpu.region"() ({
      %run_scoped3A = tpu.sem_alloc : memref<!tpu.dma_semaphore, #tpu.memory_space<semaphore_mem>>
      %dma_start3A_95 = tpu.memref_slice %arg3[%mul3A_15] : memref<320000xi32, #tpu.memory_space<hbm>> -> memref<10000xi32, #tpu.memory_space<hbm>>
      %dma_start3A_96 = tpu.memref_slice %arg3[%mul3A_15] : memref<320000xi32, #tpu.memory_space<hbm>> -> memref<10000xi32, #tpu.memory_space<hbm>>
      tpu.enqueue_dma source(%dma_start3A_96 : memref<10000xi32, #tpu.memory_space<hbm>>) target(%arg6 : memref<10000xi32, #tpu.memory_space<vmem>>) target_semaphore(%run_scoped3A : memref<!tpu.dma_semaphore, #tpu.memory_space<semaphore_mem>>)
      %dma_wait3A_97 = tpu.memref_slice %arg3[%mul3A_15] : memref<320000xi32, #tpu.memory_space<hbm>> -> memref<10000xi32, #tpu.memory_space<hbm>>
      %dma_wait3A_98 = tpu.memref_slice %arg3[%mul3A_15] : memref<320000xi32, #tpu.memory_space<hbm>> -> memref<10000xi32, #tpu.memory_space<hbm>>
      tpu.wait_dma2 semaphore(%run_scoped3A : memref<!tpu.dma_semaphore, #tpu.memory_space<semaphore_mem>>) src(%dma_wait3A_98 : memref<10000xi32, #tpu.memory_space<hbm>>) dst(%arg6 : memref<10000xi32, #tpu.memory_space<vmem>>)
      tpu.yield
    }) : () -> ()
    %mul3A_16 = arith.constant 10000 : i32
    %mul3A_17 = arith.muli %add3A, %mul3A_16 : i32
    "tpu.region"() ({
      %run_scoped3A = tpu.sem_alloc : memref<!tpu.dma_semaphore, #tpu.memory_space<semaphore_mem>>
      %dma_start3A_95 = tpu.memref_slice %arg4[%mul3A_17] : memref<320000xi32, #tpu.memory_space<hbm>> -> memref<10000xi32, #tpu.memory_space<hbm>>
      %dma_start3A_96 = tpu.memref_slice %arg4[%mul3A_17] : memref<320000xi32, #tpu.memory_space<hbm>> -> memref<10000xi32, #tpu.memory_space<hbm>>
      tpu.enqueue_dma source(%dma_start3A_96 : memref<10000xi32, #tpu.memory_space<hbm>>) target(%arg7 : memref<10000xi32, #tpu.memory_space<vmem>>) target_semaphore(%run_scoped3A : memref<!tpu.dma_semaphore, #tpu.memory_space<semaphore_mem>>)
      %dma_wait3A_97 = tpu.memref_slice %arg4[%mul3A_17] : memref<320000xi32, #tpu.memory_space<hbm>> -> memref<10000xi32, #tpu.memory_space<hbm>>
      %dma_wait3A_98 = tpu.memref_slice %arg4[%mul3A_17] : memref<320000xi32, #tpu.memory_space<hbm>> -> memref<10000xi32, #tpu.memory_space<hbm>>
      tpu.wait_dma2 semaphore(%run_scoped3A : memref<!tpu.dma_semaphore, #tpu.memory_space<semaphore_mem>>) src(%dma_wait3A_98 : memref<10000xi32, #tpu.memory_space<hbm>>) dst(%arg7 : memref<10000xi32, #tpu.memory_space<vmem>>)
      tpu.yield
    }) : () -> ()
    %dma_start3A = arith.constant 40 : i32
    %dma_start3A_18 = tpu.memref_slice %arg6[%dma_start3A] : memref<10000xi32, #tpu.memory_space<vmem>> -> memref<40xi32, #tpu.memory_space<vmem>>
    %dma_start3A_19 = arith.constant 0 : i32
    %dma_start3A_20 = arith.constant 0 : i32
    %dma_start3A_21 = tpu.memref_slice %arg2[%dma_start3A_19, %dma_start3A_20] : memref<10000x128xf32, #tpu.memory_space<hbm>> -> memref<10000x128xf32, #tpu.memory_space<hbm>>
    tpu.enqueue_indirect_dma source(%dma_start3A_21 : memref<10000x128xf32, #tpu.memory_space<hbm>>) target(%arg9 : memref<40x128xf32, #tpu.memory_space<vmem>>) offsets(%dma_start3A_18 : memref<40xi32, #tpu.memory_space<vmem>>) semaphore(%arg15 : memref<!tpu.dma_semaphore, #tpu.memory_space<semaphore_mem>>)
    %dma_start3A_22 = arith.constant 80 : i32
    %dma_start3A_23 = tpu.memref_slice %arg6[%dma_start3A_22] : memref<10000xi32, #tpu.memory_space<vmem>> -> memref<40xi32, #tpu.memory_space<vmem>>
    %dma_start3A_24 = arith.constant 0 : i32
    %dma_start3A_25 = arith.constant 0 : i32
    %dma_start3A_26 = tpu.memref_slice %arg2[%dma_start3A_24, %dma_start3A_25] : memref<10000x128xf32, #tpu.memory_space<hbm>> -> memref<10000x128xf32, #tpu.memory_space<hbm>>
    tpu.enqueue_indirect_dma source(%dma_start3A_26 : memref<10000x128xf32, #tpu.memory_space<hbm>>) target(%arg10 : memref<40x128xf32, #tpu.memory_space<vmem>>) offsets(%dma_start3A_23 : memref<40xi32, #tpu.memory_space<vmem>>) semaphore(%arg16 : memref<!tpu.dma_semaphore, #tpu.memory_space<semaphore_mem>>)
    %dma_start3A_27 = arith.constant 120 : i32
    %dma_start3A_28 = tpu.memref_slice %arg6[%dma_start3A_27] : memref<10000xi32, #tpu.memory_space<vmem>> -> memref<40xi32, #tpu.memory_space<vmem>>
    %dma_start3A_29 = arith.constant 0 : i32
    %dma_start3A_30 = arith.constant 0 : i32
    %dma_start3A_31 = tpu.memref_slice %arg2[%dma_start3A_29, %dma_start3A_30] : memref<10000x128xf32, #tpu.memory_space<hbm>> -> memref<10000x128xf32, #tpu.memory_space<hbm>>
    tpu.enqueue_indirect_dma source(%dma_start3A_31 : memref<10000x128xf32, #tpu.memory_space<hbm>>) target(%arg11 : memref<40x128xf32, #tpu.memory_space<vmem>>) offsets(%dma_start3A_28 : memref<40xi32, #tpu.memory_space<vmem>>) semaphore(%arg17 : memref<!tpu.dma_semaphore, #tpu.memory_space<semaphore_mem>>)
    %scan3A_32 = arith.constant 0 : i32
    %scan3A_33 = arith.constant 0 : i32
    %scan3A_34 = arith.constant 20 : i32
    %scan3A_35 = arith.addi %scan3A_33, %scan3A_34 : i32
    %scan3A_36 = arith.constant 1 : i32
    %scan3A_37 = scf.for %scan3A_95 = %scan3A_33 to %scan3A_35 step %scan3A_36 iter_args(%scan3A_96 = %scan3A_32) -> (i32)  : i32 {
      %mul3A_97 = arith.constant 640 : i32
      %mul3A_98 = arith.muli %arg1, %mul3A_97 : i32
      %mul3A_99 = arith.constant 32 : i32
      %mul3A_100 = arith.muli %scan3A_95, %mul3A_99 : i32
      %add3A_101 = arith.addi %mul3A_98, %mul3A_100 : i32
      %dma_wait3A_102 = arith.constant 0 : i32
      %dma_wait3A_103 = tpu.memref_slice %arg13[%add3A_101, %dma_wait3A_102] : memref<10240x128xf32, #tpu.memory_space<vmem_shared>> -> memref<32x128xf32, #tpu.memory_space<vmem_shared>>
      %dma_wait3A_104 = arith.constant 0 : i32
      %dma_wait3A_105 = tpu.memref_slice %arg13[%add3A_101, %dma_wait3A_104] : memref<10240x128xf32, #tpu.memory_space<vmem_shared>> -> memref<32x128xf32, #tpu.memory_space<vmem_shared>>
      tpu.wait_dma2 semaphore(%arg14 : memref<!tpu.dma_semaphore, #tpu.memory_space<semaphore_mem>>) src(%arg12 : memref<32x128xf32, #tpu.memory_space<vmem>>) dst(%dma_wait3A_105 : memref<32x128xf32, #tpu.memory_space<vmem_shared>>)
      %scan3A_106 = arith.constant 0 : i32
      scf.yield %scan3A_106 : i32
    }
    %scan3A_38 = arith.constant 20 : i32
    %dma_start3A_39 = arith.constant 0 : i32
    %dma_start3A_40 = tpu.memref_slice %arg6[%dma_start3A_39] : memref<10000xi32, #tpu.memory_space<vmem>> -> memref<40xi32, #tpu.memory_space<vmem>>
    %dma_start3A_41 = arith.constant 0 : i32
    %dma_start3A_42 = arith.constant 0 : i32
    %dma_start3A_43 = tpu.memref_slice %arg2[%dma_start3A_41, %dma_start3A_42] : memref<10000x128xf32, #tpu.memory_space<hbm>> -> memref<10000x128xf32, #tpu.memory_space<hbm>>
    tpu.enqueue_indirect_dma source(%dma_start3A_43 : memref<10000x128xf32, #tpu.memory_space<hbm>>) target(%arg8 : memref<40x128xf32, #tpu.memory_space<vmem>>) offsets(%dma_start3A_40 : memref<40xi32, #tpu.memory_space<vmem>>) semaphore(%arg14 : memref<!tpu.dma_semaphore, #tpu.memory_space<semaphore_mem>>)
    %barrier3A = arith.constant 0 : index
    tpu.barrier barrier_id(%barrier3A)
    %scan3A_44 = arith.constant 0 : i32
    %scan3A_45 = arith.constant 0 : i32
    %scan3A_46 = arith.constant 62 : i32
    %scan3A_47 = arith.addi %scan3A_45, %scan3A_46 : i32
    %scan3A_48 = arith.constant 1 : i32
    %scan3A_49 = scf.for %scan3A_95 = %scan3A_45 to %scan3A_47 step %scan3A_48 iter_args(%scan3A_96 = %scan3A_44) -> (i32)  : i32 {
      %mul3A_97 = arith.constant 4 : i32
      %mul3A_98 = arith.muli %mul3A_97, %scan3A_95 : i32
      %add3A_99 = arith.constant 0 : i32
      %add3A_100 = arith.addi %mul3A_98, %add3A_99 : i32
      %mul3A_101 = arith.constant 40 : i32
      %mul3A_102 = arith.muli %add3A_100, %mul3A_101 : i32
      %dma_wait3A_103 = tpu.memref_slice %arg6[%mul3A_102] : memref<10000xi32, #tpu.memory_space<vmem>> -> memref<40xi32, #tpu.memory_space<vmem>>
      %dma_wait3A_104 = arith.constant 0 : i32
      %dma_wait3A_105 = arith.constant 0 : i32
      %dma_wait3A_106 = tpu.memref_slice %arg2[%dma_wait3A_104, %dma_wait3A_105] : memref<10000x128xf32, #tpu.memory_space<hbm>> -> memref<10000x128xf32, #tpu.memory_space<hbm>>
      tpu.wait_indirect_dma semaphore(%arg14 : memref<!tpu.dma_semaphore, #tpu.memory_space<semaphore_mem>>) src(%dma_wait3A_106 : memref<10000x128xf32, #tpu.memory_space<hbm>>) dst(%arg8 : memref<40x128xf32, #tpu.memory_space<vmem>>)
      %mul3A_107 = arith.constant 40 : i32
      %mul3A_108 = arith.muli %add3A_100, %mul3A_107 : i32
      %dma_start3A_109 = tpu.memref_slice %arg7[%mul3A_108] : memref<10000xi32, #tpu.memory_space<vmem>> -> memref<40xi32, #tpu.memory_space<vmem>>
      %dma_start3A_110 = arith.constant 0 : i32
      %dma_start3A_111 = arith.constant 0 : i32
      %dma_start3A_112 = tpu.memref_slice %arg13[%dma_start3A_110, %dma_start3A_111] : memref<10240x128xf32, #tpu.memory_space<vmem_shared>> -> memref<10240x128xf32, #tpu.memory_space<vmem_shared>>
      tpu.enqueue_indirect_dma source(%arg8 : memref<40x128xf32, #tpu.memory_space<vmem>>) target(%dma_start3A_112 : memref<10240x128xf32, #tpu.memory_space<vmem_shared>>) offsets(%dma_start3A_109 : memref<40xi32, #tpu.memory_space<vmem>>) semaphore(%arg18 : memref<!tpu.dma_semaphore, #tpu.memory_space<semaphore_mem>>) {add = true}
      %mul3A_113 = arith.constant 4 : i32
      %mul3A_114 = arith.muli %mul3A_113, %scan3A_95 : i32
      %add3A_115 = arith.constant 1 : i32
      %add3A_116 = arith.addi %mul3A_114, %add3A_115 : i32
      %mul3A_117 = arith.constant 40 : i32
      %mul3A_118 = arith.muli %add3A_116, %mul3A_117 : i32
      %dma_wait3A_119 = tpu.memref_slice %arg6[%mul3A_118] : memref<10000xi32, #tpu.memory_space<vmem>> -> memref<40xi32, #tpu.memory_space<vmem>>
      %dma_wait3A_120 = arith.constant 0 : i32
      %dma_wait3A_121 = arith.constant 0 : i32
      %dma_wait3A_122 = tpu.memref_slice %arg2[%dma_wait3A_120, %dma_wait3A_121] : memref<10000x128xf32, #tpu.memory_space<hbm>> -> memref<10000x128xf32, #tpu.memory_space<hbm>>
      tpu.wait_indirect_dma semaphore(%arg15 : memref<!tpu.dma_semaphore, #tpu.memory_space<semaphore_mem>>) src(%dma_wait3A_122 : memref<10000x128xf32, #tpu.memory_space<hbm>>) dst(%arg9 : memref<40x128xf32, #tpu.memory_space<vmem>>)
      %mul3A_123 = arith.constant 40 : i32
      %mul3A_124 = arith.muli %add3A_116, %mul3A_123 : i32
      %dma_start3A_125 = tpu.memref_slice %arg7[%mul3A_124] : memref<10000xi32, #tpu.memory_space<vmem>> -> memref<40xi32, #tpu.memory_space<vmem>>
      %dma_start3A_126 = arith.constant 0 : i32
      %dma_start3A_127 = arith.constant 0 : i32
      %dma_start3A_128 = tpu.memref_slice %arg13[%dma_start3A_126, %dma_start3A_127] : memref<10240x128xf32, #tpu.memory_space<vmem_shared>> -> memref<10240x128xf32, #tpu.memory_space<vmem_shared>>
      tpu.enqueue_indirect_dma source(%arg9 : memref<40x128xf32, #tpu.memory_space<vmem>>) target(%dma_start3A_128 : memref<10240x128xf32, #tpu.memory_space<vmem_shared>>) offsets(%dma_start3A_125 : memref<40xi32, #tpu.memory_space<vmem>>) semaphore(%arg19 : memref<!tpu.dma_semaphore, #tpu.memory_space<semaphore_mem>>) {add = true}
      %mul3A_129 = arith.constant 4 : i32
      %mul3A_130 = arith.muli %mul3A_129, %scan3A_95 : i32
      %add3A_131 = arith.constant 2 : i32
      %add3A_132 = arith.addi %mul3A_130, %add3A_131 : i32
      %mul3A_133 = arith.constant 40 : i32
      %mul3A_134 = arith.muli %add3A_132, %mul3A_133 : i32
      %dma_wait3A_135 = tpu.memref_slice %arg6[%mul3A_134] : memref<10000xi32, #tpu.memory_space<vmem>> -> memref<40xi32, #tpu.memory_space<vmem>>
      %dma_wait3A_136 = arith.constant 0 : i32
      %dma_wait3A_137 = arith.constant 0 : i32
      %dma_wait3A_138 = tpu.memref_slice %arg2[%dma_wait3A_136, %dma_wait3A_137] : memref<10000x128xf32, #tpu.memory_space<hbm>> -> memref<10000x128xf32, #tpu.memory_space<hbm>>
      tpu.wait_indirect_dma semaphore(%arg16 : memref<!tpu.dma_semaphore, #tpu.memory_space<semaphore_mem>>) src(%dma_wait3A_138 : memref<10000x128xf32, #tpu.memory_space<hbm>>) dst(%arg10 : memref<40x128xf32, #tpu.memory_space<vmem>>)
      %mul3A_139 = arith.constant 40 : i32
      %mul3A_140 = arith.muli %add3A_132, %mul3A_139 : i32
      %dma_start3A_141 = tpu.memref_slice %arg7[%mul3A_140] : memref<10000xi32, #tpu.memory_space<vmem>> -> memref<40xi32, #tpu.memory_space<vmem>>
      %dma_start3A_142 = arith.constant 0 : i32
      %dma_start3A_143 = arith.constant 0 : i32
      %dma_start3A_144 = tpu.memref_slice %arg13[%dma_start3A_142, %dma_start3A_143] : memref<10240x128xf32, #tpu.memory_space<vmem_shared>> -> memref<10240x128xf32, #tpu.memory_space<vmem_shared>>
      tpu.enqueue_indirect_dma source(%arg10 : memref<40x128xf32, #tpu.memory_space<vmem>>) target(%dma_start3A_144 : memref<10240x128xf32, #tpu.memory_space<vmem_shared>>) offsets(%dma_start3A_141 : memref<40xi32, #tpu.memory_space<vmem>>) semaphore(%arg20 : memref<!tpu.dma_semaphore, #tpu.memory_space<semaphore_mem>>) {add = true}
      %mul3A_145 = arith.constant 4 : i32
      %mul3A_146 = arith.muli %mul3A_145, %scan3A_95 : i32
      %add3A_147 = arith.constant 3 : i32
      %add3A_148 = arith.addi %mul3A_146, %add3A_147 : i32
      %mul3A_149 = arith.constant 40 : i32
      %mul3A_150 = arith.muli %add3A_148, %mul3A_149 : i32
      %dma_wait3A_151 = tpu.memref_slice %arg6[%mul3A_150] : memref<10000xi32, #tpu.memory_space<vmem>> -> memref<40xi32, #tpu.memory_space<vmem>>
      %dma_wait3A_152 = arith.constant 0 : i32
      %dma_wait3A_153 = arith.constant 0 : i32
      %dma_wait3A_154 = tpu.memref_slice %arg2[%dma_wait3A_152, %dma_wait3A_153] : memref<10000x128xf32, #tpu.memory_space<hbm>> -> memref<10000x128xf32, #tpu.memory_space<hbm>>
      tpu.wait_indirect_dma semaphore(%arg17 : memref<!tpu.dma_semaphore, #tpu.memory_space<semaphore_mem>>) src(%dma_wait3A_154 : memref<10000x128xf32, #tpu.memory_space<hbm>>) dst(%arg11 : memref<40x128xf32, #tpu.memory_space<vmem>>)
      %mul3A_155 = arith.constant 40 : i32
      %mul3A_156 = arith.muli %add3A_148, %mul3A_155 : i32
      %dma_start3A_157 = tpu.memref_slice %arg7[%mul3A_156] : memref<10000xi32, #tpu.memory_space<vmem>> -> memref<40xi32, #tpu.memory_space<vmem>>
      %dma_start3A_158 = arith.constant 0 : i32
      %dma_start3A_159 = arith.constant 0 : i32
      %dma_start3A_160 = tpu.memref_slice %arg13[%dma_start3A_158, %dma_start3A_159] : memref<10240x128xf32, #tpu.memory_space<vmem_shared>> -> memref<10240x128xf32, #tpu.memory_space<vmem_shared>>
      tpu.enqueue_indirect_dma source(%arg11 : memref<40x128xf32, #tpu.memory_space<vmem>>) target(%dma_start3A_160 : memref<10240x128xf32, #tpu.memory_space<vmem_shared>>) offsets(%dma_start3A_157 : memref<40xi32, #tpu.memory_space<vmem>>) semaphore(%arg21 : memref<!tpu.dma_semaphore, #tpu.memory_space<semaphore_mem>>) {add = true}
      %mul3A_161 = arith.constant 4 : i32
      %mul3A_162 = arith.muli %mul3A_161, %scan3A_95 : i32
      %add3A_163 = arith.constant 0 : i32
      %add3A_164 = arith.addi %mul3A_162, %add3A_163 : i32
      %add3A_165 = arith.constant 4 : i32
      %add3A_166 = arith.addi %add3A_164, %add3A_165 : i32
      %lt3A = arith.constant 250 : i32
      %lt3A_167 = arith.cmpi slt, %add3A_166, %lt3A : i32
      %convert_element_type3A = arith.extui %lt3A_167 : i1 to i32
      %cond3A = arith.constant 0 : i32
      %cond3A_168 = arith.cmpi ne, %convert_element_type3A, %cond3A : i32
      scf.if %cond3A_168 {
        %mul3A_203 = arith.constant 40 : i32
        %mul3A_204 = arith.muli %add3A_164, %mul3A_203 : i32
        %dma_wait3A_205 = tpu.memref_slice %arg7[%mul3A_204] : memref<10000xi32, #tpu.memory_space<vmem>> -> memref<40xi32, #tpu.memory_space<vmem>>
        %dma_wait3A_206 = arith.constant 0 : i32
        %dma_wait3A_207 = arith.constant 0 : i32
        %dma_wait3A_208 = tpu.memref_slice %arg13[%dma_wait3A_206, %dma_wait3A_207] : memref<10240x128xf32, #tpu.memory_space<vmem_shared>> -> memref<10240x128xf32, #tpu.memory_space<vmem_shared>>
        tpu.wait_indirect_dma semaphore(%arg18 : memref<!tpu.dma_semaphore, #tpu.memory_space<semaphore_mem>>) src(%arg8 : memref<40x128xf32, #tpu.memory_space<vmem>>) dst(%dma_wait3A_208 : memref<10240x128xf32, #tpu.memory_space<vmem_shared>>)
        %mul3A_209 = arith.constant 40 : i32
        %mul3A_210 = arith.muli %add3A_166, %mul3A_209 : i32
        %dma_start3A_211 = tpu.memref_slice %arg6[%mul3A_210] : memref<10000xi32, #tpu.memory_space<vmem>> -> memref<40xi32, #tpu.memory_space<vmem>>
        %dma_start3A_212 = arith.constant 0 : i32
        %dma_start3A_213 = arith.constant 0 : i32
        %dma_start3A_214 = tpu.memref_slice %arg2[%dma_start3A_212, %dma_start3A_213] : memref<10000x128xf32, #tpu.memory_space<hbm>> -> memref<10000x128xf32, #tpu.memory_space<hbm>>
        tpu.enqueue_indirect_dma source(%dma_start3A_214 : memref<10000x128xf32, #tpu.memory_space<hbm>>) target(%arg8 : memref<40x128xf32, #tpu.memory_space<vmem>>) offsets(%dma_start3A_211 : memref<40xi32, #tpu.memory_space<vmem>>) semaphore(%arg14 : memref<!tpu.dma_semaphore, #tpu.memory_space<semaphore_mem>>)
      } else {
      }
      %mul3A_169 = arith.constant 4 : i32
      %mul3A_170 = arith.muli %mul3A_169, %scan3A_95 : i32
      %add3A_171 = arith.constant 1 : i32
      %add3A_172 = arith.addi %mul3A_170, %add3A_171 : i32
      %add3A_173 = arith.constant 4 : i32
      %add3A_174 = arith.addi %add3A_172, %add3A_173 : i32
      %lt3A_175 = arith.constant 250 : i32
      %lt3A_176 = arith.cmpi slt, %add3A_174, %lt3A_175 : i32
      %convert_element_type3A_177 = arith.extui %lt3A_176 : i1 to i32
      %cond3A_178 = arith.constant 0 : i32
      %cond3A_179 = arith.cmpi ne, %convert_element_type3A_177, %cond3A_178 : i32
      scf.if %cond3A_179 {
        %mul3A_203 = arith.constant 40 : i32
        %mul3A_204 = arith.muli %add3A_172, %mul3A_203 : i32
        %dma_wait3A_205 = tpu.memref_slice %arg7[%mul3A_204] : memref<10000xi32, #tpu.memory_space<vmem>> -> memref<40xi32, #tpu.memory_space<vmem>>
        %dma_wait3A_206 = arith.constant 0 : i32
        %dma_wait3A_207 = arith.constant 0 : i32
        %dma_wait3A_208 = tpu.memref_slice %arg13[%dma_wait3A_206, %dma_wait3A_207] : memref<10240x128xf32, #tpu.memory_space<vmem_shared>> -> memref<10240x128xf32, #tpu.memory_space<vmem_shared>>
        tpu.wait_indirect_dma semaphore(%arg19 : memref<!tpu.dma_semaphore, #tpu.memory_space<semaphore_mem>>) src(%arg9 : memref<40x128xf32, #tpu.memory_space<vmem>>) dst(%dma_wait3A_208 : memref<10240x128xf32, #tpu.memory_space<vmem_shared>>)
        %mul3A_209 = arith.constant 40 : i32
        %mul3A_210 = arith.muli %add3A_174, %mul3A_209 : i32
        %dma_start3A_211 = tpu.memref_slice %arg6[%mul3A_210] : memref<10000xi32, #tpu.memory_space<vmem>> -> memref<40xi32, #tpu.memory_space<vmem>>
        %dma_start3A_212 = arith.constant 0 : i32
        %dma_start3A_213 = arith.constant 0 : i32
        %dma_start3A_214 = tpu.memref_slice %arg2[%dma_start3A_212, %dma_start3A_213] : memref<10000x128xf32, #tpu.memory_space<hbm>> -> memref<10000x128xf32, #tpu.memory_space<hbm>>
        tpu.enqueue_indirect_dma source(%dma_start3A_214 : memref<10000x128xf32, #tpu.memory_space<hbm>>) target(%arg9 : memref<40x128xf32, #tpu.memory_space<vmem>>) offsets(%dma_start3A_211 : memref<40xi32, #tpu.memory_space<vmem>>) semaphore(%arg15 : memref<!tpu.dma_semaphore, #tpu.memory_space<semaphore_mem>>)
      } else {
      }
      %mul3A_180 = arith.constant 4 : i32
      %mul3A_181 = arith.muli %mul3A_180, %scan3A_95 : i32
      %add3A_182 = arith.constant 2 : i32
      %add3A_183 = arith.addi %mul3A_181, %add3A_182 : i32
      %add3A_184 = arith.constant 4 : i32
      %add3A_185 = arith.addi %add3A_183, %add3A_184 : i32
      %lt3A_186 = arith.constant 250 : i32
      %lt3A_187 = arith.cmpi slt, %add3A_185, %lt3A_186 : i32
      %convert_element_type3A_188 = arith.extui %lt3A_187 : i1 to i32
      %cond3A_189 = arith.constant 0 : i32
      %cond3A_190 = arith.cmpi ne, %convert_element_type3A_188, %cond3A_189 : i32
      scf.if %cond3A_190 {
        %mul3A_203 = arith.constant 40 : i32
        %mul3A_204 = arith.muli %add3A_183, %mul3A_203 : i32
        %dma_wait3A_205 = tpu.memref_slice %arg7[%mul3A_204] : memref<10000xi32, #tpu.memory_space<vmem>> -> memref<40xi32, #tpu.memory_space<vmem>>
        %dma_wait3A_206 = arith.constant 0 : i32
        %dma_wait3A_207 = arith.constant 0 : i32
        %dma_wait3A_208 = tpu.memref_slice %arg13[%dma_wait3A_206, %dma_wait3A_207] : memref<10240x128xf32, #tpu.memory_space<vmem_shared>> -> memref<10240x128xf32, #tpu.memory_space<vmem_shared>>
        tpu.wait_indirect_dma semaphore(%arg20 : memref<!tpu.dma_semaphore, #tpu.memory_space<semaphore_mem>>) src(%arg10 : memref<40x128xf32, #tpu.memory_space<vmem>>) dst(%dma_wait3A_208 : memref<10240x128xf32, #tpu.memory_space<vmem_shared>>)
        %mul3A_209 = arith.constant 40 : i32
        %mul3A_210 = arith.muli %add3A_185, %mul3A_209 : i32
        %dma_start3A_211 = tpu.memref_slice %arg6[%mul3A_210] : memref<10000xi32, #tpu.memory_space<vmem>> -> memref<40xi32, #tpu.memory_space<vmem>>
        %dma_start3A_212 = arith.constant 0 : i32
        %dma_start3A_213 = arith.constant 0 : i32
        %dma_start3A_214 = tpu.memref_slice %arg2[%dma_start3A_212, %dma_start3A_213] : memref<10000x128xf32, #tpu.memory_space<hbm>> -> memref<10000x128xf32, #tpu.memory_space<hbm>>
        tpu.enqueue_indirect_dma source(%dma_start3A_214 : memref<10000x128xf32, #tpu.memory_space<hbm>>) target(%arg10 : memref<40x128xf32, #tpu.memory_space<vmem>>) offsets(%dma_start3A_211 : memref<40xi32, #tpu.memory_space<vmem>>) semaphore(%arg16 : memref<!tpu.dma_semaphore, #tpu.memory_space<semaphore_mem>>)
      } else {
      }
      %mul3A_191 = arith.constant 4 : i32
      %mul3A_192 = arith.muli %mul3A_191, %scan3A_95 : i32
      %add3A_193 = arith.constant 3 : i32
      %add3A_194 = arith.addi %mul3A_192, %add3A_193 : i32
      %add3A_195 = arith.constant 4 : i32
      %add3A_196 = arith.addi %add3A_194, %add3A_195 : i32
      %lt3A_197 = arith.constant 250 : i32
      %lt3A_198 = arith.cmpi slt, %add3A_196, %lt3A_197 : i32
      %convert_element_type3A_199 = arith.extui %lt3A_198 : i1 to i32
      %cond3A_200 = arith.constant 0 : i32
      %cond3A_201 = arith.cmpi ne, %convert_element_type3A_199, %cond3A_200 : i32
      scf.if %cond3A_201 {
        %mul3A_203 = arith.constant 40 : i32
        %mul3A_204 = arith.muli %add3A_194, %mul3A_203 : i32
        %dma_wait3A_205 = tpu.memref_slice %arg7[%mul3A_204] : memref<10000xi32, #tpu.memory_space<vmem>> -> memref<40xi32, #tpu.memory_space<vmem>>
        %dma_wait3A_206 = arith.constant 0 : i32
        %dma_wait3A_207 = arith.constant 0 : i32
        %dma_wait3A_208 = tpu.memref_slice %arg13[%dma_wait3A_206, %dma_wait3A_207] : memref<10240x128xf32, #tpu.memory_space<vmem_shared>> -> memref<10240x128xf32, #tpu.memory_space<vmem_shared>>
        tpu.wait_indirect_dma semaphore(%arg21 : memref<!tpu.dma_semaphore, #tpu.memory_space<semaphore_mem>>) src(%arg11 : memref<40x128xf32, #tpu.memory_space<vmem>>) dst(%dma_wait3A_208 : memref<10240x128xf32, #tpu.memory_space<vmem_shared>>)
        %mul3A_209 = arith.constant 40 : i32
        %mul3A_210 = arith.muli %add3A_196, %mul3A_209 : i32
        %dma_start3A_211 = tpu.memref_slice %arg6[%mul3A_210] : memref<10000xi32, #tpu.memory_space<vmem>> -> memref<40xi32, #tpu.memory_space<vmem>>
        %dma_start3A_212 = arith.constant 0 : i32
        %dma_start3A_213 = arith.constant 0 : i32
        %dma_start3A_214 = tpu.memref_slice %arg2[%dma_start3A_212, %dma_start3A_213] : memref<10000x128xf32, #tpu.memory_space<hbm>> -> memref<10000x128xf32, #tpu.memory_space<hbm>>
        tpu.enqueue_indirect_dma source(%dma_start3A_214 : memref<10000x128xf32, #tpu.memory_space<hbm>>) target(%arg11 : memref<40x128xf32, #tpu.memory_space<vmem>>) offsets(%dma_start3A_211 : memref<40xi32, #tpu.memory_space<vmem>>) semaphore(%arg17 : memref<!tpu.dma_semaphore, #tpu.memory_space<semaphore_mem>>)
      } else {
      }
      %scan3A_202 = arith.constant 0 : i32
      scf.yield %scan3A_202 : i32
    }
    %scan3A_50 = arith.constant 62 : i32
    %dma_wait3A = arith.constant 9920 : i32
    %dma_wait3A_51 = tpu.memref_slice %arg6[%dma_wait3A] : memref<10000xi32, #tpu.memory_space<vmem>> -> memref<40xi32, #tpu.memory_space<vmem>>
    %dma_wait3A_52 = arith.constant 0 : i32
    %dma_wait3A_53 = arith.constant 0 : i32
    %dma_wait3A_54 = tpu.memref_slice %arg2[%dma_wait3A_52, %dma_wait3A_53] : memref<10000x128xf32, #tpu.memory_space<hbm>> -> memref<10000x128xf32, #tpu.memory_space<hbm>>
    tpu.wait_indirect_dma semaphore(%arg14 : memref<!tpu.dma_semaphore, #tpu.memory_space<semaphore_mem>>) src(%dma_wait3A_54 : memref<10000x128xf32, #tpu.memory_space<hbm>>) dst(%arg8 : memref<40x128xf32, #tpu.memory_space<vmem>>)
    %dma_start3A_55 = arith.constant 9920 : i32
    %dma_start3A_56 = tpu.memref_slice %arg7[%dma_start3A_55] : memref<10000xi32, #tpu.memory_space<vmem>> -> memref<40xi32, #tpu.memory_space<vmem>>
    %dma_start3A_57 = arith.constant 0 : i32
    %dma_start3A_58 = arith.constant 0 : i32
    %dma_start3A_59 = tpu.memref_slice %arg13[%dma_start3A_57, %dma_start3A_58] : memref<10240x128xf32, #tpu.memory_space<vmem_shared>> -> memref<10240x128xf32, #tpu.memory_space<vmem_shared>>
    tpu.enqueue_indirect_dma source(%arg8 : memref<40x128xf32, #tpu.memory_space<vmem>>) target(%dma_start3A_59 : memref<10240x128xf32, #tpu.memory_space<vmem_shared>>) offsets(%dma_start3A_56 : memref<40xi32, #tpu.memory_space<vmem>>) semaphore(%arg18 : memref<!tpu.dma_semaphore, #tpu.memory_space<semaphore_mem>>) {add = true}
    %dma_wait3A_60 = arith.constant 9960 : i32
    %dma_wait3A_61 = tpu.memref_slice %arg6[%dma_wait3A_60] : memref<10000xi32, #tpu.memory_space<vmem>> -> memref<40xi32, #tpu.memory_space<vmem>>
    %dma_wait3A_62 = arith.constant 0 : i32
    %dma_wait3A_63 = arith.constant 0 : i32
    %dma_wait3A_64 = tpu.memref_slice %arg2[%dma_wait3A_62, %dma_wait3A_63] : memref<10000x128xf32, #tpu.memory_space<hbm>> -> memref<10000x128xf32, #tpu.memory_space<hbm>>
    tpu.wait_indirect_dma semaphore(%arg15 : memref<!tpu.dma_semaphore, #tpu.memory_space<semaphore_mem>>) src(%dma_wait3A_64 : memref<10000x128xf32, #tpu.memory_space<hbm>>) dst(%arg9 : memref<40x128xf32, #tpu.memory_space<vmem>>)
    %dma_start3A_65 = arith.constant 9960 : i32
    %dma_start3A_66 = tpu.memref_slice %arg7[%dma_start3A_65] : memref<10000xi32, #tpu.memory_space<vmem>> -> memref<40xi32, #tpu.memory_space<vmem>>
    %dma_start3A_67 = arith.constant 0 : i32
    %dma_start3A_68 = arith.constant 0 : i32
    %dma_start3A_69 = tpu.memref_slice %arg13[%dma_start3A_67, %dma_start3A_68] : memref<10240x128xf32, #tpu.memory_space<vmem_shared>> -> memref<10240x128xf32, #tpu.memory_space<vmem_shared>>
    tpu.enqueue_indirect_dma source(%arg9 : memref<40x128xf32, #tpu.memory_space<vmem>>) target(%dma_start3A_69 : memref<10240x128xf32, #tpu.memory_space<vmem_shared>>) offsets(%dma_start3A_66 : memref<40xi32, #tpu.memory_space<vmem>>) semaphore(%arg19 : memref<!tpu.dma_semaphore, #tpu.memory_space<semaphore_mem>>) {add = true}
    %dma_wait3A_70 = arith.constant 9840 : i32
    %dma_wait3A_71 = tpu.memref_slice %arg7[%dma_wait3A_70] : memref<10000xi32, #tpu.memory_space<vmem>> -> memref<40xi32, #tpu.memory_space<vmem>>
    %dma_wait3A_72 = arith.constant 0 : i32
    %dma_wait3A_73 = arith.constant 0 : i32
    %dma_wait3A_74 = tpu.memref_slice %arg13[%dma_wait3A_72, %dma_wait3A_73] : memref<10240x128xf32, #tpu.memory_space<vmem_shared>> -> memref<10240x128xf32, #tpu.memory_space<vmem_shared>>
    tpu.wait_indirect_dma semaphore(%arg20 : memref<!tpu.dma_semaphore, #tpu.memory_space<semaphore_mem>>) src(%arg10 : memref<40x128xf32, #tpu.memory_space<vmem>>) dst(%dma_wait3A_74 : memref<10240x128xf32, #tpu.memory_space<vmem_shared>>)
    %dma_wait3A_75 = arith.constant 9880 : i32
    %dma_wait3A_76 = tpu.memref_slice %arg7[%dma_wait3A_75] : memref<10000xi32, #tpu.memory_space<vmem>> -> memref<40xi32, #tpu.memory_space<vmem>>
    %dma_wait3A_77 = arith.constant 0 : i32
    %dma_wait3A_78 = arith.constant 0 : i32
    %dma_wait3A_79 = tpu.memref_slice %arg13[%dma_wait3A_77, %dma_wait3A_78] : memref<10240x128xf32, #tpu.memory_space<vmem_shared>> -> memref<10240x128xf32, #tpu.memory_space<vmem_shared>>
    tpu.wait_indirect_dma semaphore(%arg21 : memref<!tpu.dma_semaphore, #tpu.memory_space<semaphore_mem>>) src(%arg11 : memref<40x128xf32, #tpu.memory_space<vmem>>) dst(%dma_wait3A_79 : memref<10240x128xf32, #tpu.memory_space<vmem_shared>>)
    %dma_wait3A_80 = arith.constant 9920 : i32
    %dma_wait3A_81 = tpu.memref_slice %arg7[%dma_wait3A_80] : memref<10000xi32, #tpu.memory_space<vmem>> -> memref<40xi32, #tpu.memory_space<vmem>>
    %dma_wait3A_82 = arith.constant 0 : i32
    %dma_wait3A_83 = arith.constant 0 : i32
    %dma_wait3A_84 = tpu.memref_slice %arg13[%dma_wait3A_82, %dma_wait3A_83] : memref<10240x128xf32, #tpu.memory_space<vmem_shared>> -> memref<10240x128xf32, #tpu.memory_space<vmem_shared>>
    tpu.wait_indirect_dma semaphore(%arg18 : memref<!tpu.dma_semaphore, #tpu.memory_space<semaphore_mem>>) src(%arg8 : memref<40x128xf32, #tpu.memory_space<vmem>>) dst(%dma_wait3A_84 : memref<10240x128xf32, #tpu.memory_space<vmem_shared>>)
    %dma_wait3A_85 = arith.constant 9960 : i32
    %dma_wait3A_86 = tpu.memref_slice %arg7[%dma_wait3A_85] : memref<10000xi32, #tpu.memory_space<vmem>> -> memref<40xi32, #tpu.memory_space<vmem>>
    %dma_wait3A_87 = arith.constant 0 : i32
    %dma_wait3A_88 = arith.constant 0 : i32
    %dma_wait3A_89 = tpu.memref_slice %arg13[%dma_wait3A_87, %dma_wait3A_88] : memref<10240x128xf32, #tpu.memory_space<vmem_shared>> -> memref<10240x128xf32, #tpu.memory_space<vmem_shared>>
    tpu.wait_indirect_dma semaphore(%arg19 : memref<!tpu.dma_semaphore, #tpu.memory_space<semaphore_mem>>) src(%arg9 : memref<40x128xf32, #tpu.memory_space<vmem>>) dst(%dma_wait3A_89 : memref<10240x128xf32, #tpu.memory_space<vmem_shared>>)
    %barrier3A_90 = arith.constant 0 : index
    tpu.barrier barrier_id(%barrier3A_90)
    %mul3A_91 = arith.constant 640 : i32
    %mul3A_92 = arith.muli %arg1, %mul3A_91 : i32
    %mul3A_93 = arith.constant 640 : i32
    %mul3A_94 = arith.muli %arg1, %mul3A_93 : i32
    "tpu.region"() ({
      %run_scoped3A = tpu.sem_alloc : memref<!tpu.dma_semaphore, #tpu.memory_space<semaphore_mem>>
      %dma_start3A_95 = arith.constant 0 : i32
      %dma_start3A_96 = tpu.memref_slice %arg5[%arg0, %mul3A_94, %dma_start3A_95] : memref<2x10240x128xf32, #tpu.memory_space<hbm>> -> memref<1x640x128xf32, #tpu.memory_space<hbm>>
      %dma_start3A_97 = tpu.memref_squeeze %dma_start3A_96 : memref<1x640x128xf32, #tpu.memory_space<hbm>> -> memref<640x128xf32, #tpu.memory_space<hbm>>
      %dma_start3A_98 = arith.constant 0 : i32
      %dma_start3A_99 = tpu.memref_slice %arg13[%mul3A_92, %dma_start3A_98] : memref<10240x128xf32, #tpu.memory_space<vmem_shared>> -> memref<640x128xf32, #tpu.memory_space<vmem_shared>>
      tpu.enqueue_dma source(%dma_start3A_99 : memref<640x128xf32, #tpu.memory_space<vmem_shared>>) target(%dma_start3A_97 : memref<640x128xf32, #tpu.memory_space<hbm>>) target_semaphore(%run_scoped3A : memref<!tpu.dma_semaphore, #tpu.memory_space<semaphore_mem>>)
      %dma_wait3A_100 = arith.constant 0 : i32
      %dma_wait3A_101 = tpu.memref_slice %arg5[%arg0, %mul3A_94, %dma_wait3A_100] : memref<2x10240x128xf32, #tpu.memory_space<hbm>> -> memref<1x640x128xf32, #tpu.memory_space<hbm>>
      %dma_wait3A_102 = tpu.memref_squeeze %dma_wait3A_101 : memref<1x640x128xf32, #tpu.memory_space<hbm>> -> memref<640x128xf32, #tpu.memory_space<hbm>>
      %dma_wait3A_103 = arith.constant 0 : i32
      %dma_wait3A_104 = tpu.memref_slice %arg13[%mul3A_92, %dma_wait3A_103] : memref<10240x128xf32, #tpu.memory_space<vmem_shared>> -> memref<640x128xf32, #tpu.memory_space<vmem_shared>>
      tpu.wait_dma2 semaphore(%run_scoped3A : memref<!tpu.dma_semaphore, #tpu.memory_space<semaphore_mem>>) src(%dma_wait3A_104 : memref<640x128xf32, #tpu.memory_space<vmem_shared>>) dst(%dma_wait3A_102 : memref<640x128xf32, #tpu.memory_space<hbm>>)
      tpu.yield
    }) : () -> ()
    return
  }
}

module attributes {stable_mosaic.version = 14 : i64} {
  func.func @_scale_body(%arg0: i32, %arg1: memref<2000x128xf32, #tpu.memory_space<vmem>>, %arg2: memref<2000x1xf32, #tpu.memory_space<vmem>>, %arg3: memref<2000x128xf32, #tpu.memory_space<vmem>>) attributes {dimension_semantics = [#tpu.dimension_semantics<arbitrary>], iteration_bounds = array<i64: 5>, scalar_prefetch = 0 : i64, scratch_operands = 0 : i64, tpu.core_type = #tpu.core_type<tc>, window_params = [{transform_indices = @transform_0, window_bounds = array<i64: 2000, 128>}, {transform_indices = @transform_1, window_bounds = array<i64: 2000, 1>}, {transform_indices = @transform_2, window_bounds = array<i64: 2000, 128>}]} {
    %get3A = arith.constant 0 : index
    %get3A_0 = arith.constant 0 : index
    %get3A_1 = vector.load %arg1[%get3A, %get3A_0] : memref<2000x128xf32, #tpu.memory_space<vmem>>, vector<2000x128xf32>
    %get3A_2 = arith.constant 0 : index
    %get3A_3 = arith.constant 0 : index
    %get3A_4 = vector.load %arg2[%get3A_2, %get3A_3] : memref<2000x1xf32, #tpu.memory_space<vmem>>, vector<2000x1xf32>
    %mul3A = vector.broadcast %get3A_4 : vector<2000x1xf32> to vector<2000x128xf32>
    %mul3A_5 = arith.mulf %get3A_1, %mul3A : vector<2000x128xf32>
    %swap3A = arith.constant 0 : index
    %swap3A_6 = arith.constant 0 : index
    %swap3A_7 = vector.load %arg3[%swap3A, %swap3A_6] : memref<2000x128xf32, #tpu.memory_space<vmem>>, vector<2000x128xf32>
    tpu.vector_store %arg3[%swap3A, %swap3A_6], %mul3A_5 {strides = array<i32>} : memref<2000x128xf32, #tpu.memory_space<vmem>>, vector<2000x128xf32>,
    return
  }
  func.func @transform_0(%arg0: i32) -> (i32, i32) {
    %c0_i32 = arith.constant 0 : i32
    %c0_i32_0 = arith.constant 0 : i32
    return %arg0, %c0_i32 : i32, i32
  }
  func.func @transform_1(%arg0: i32) -> (i32, i32) {
    %c0_i32 = arith.constant 0 : i32
    %c0_i32_0 = arith.constant 0 : i32
    return %arg0, %c0_i32 : i32, i32
  }
  func.func @transform_2(%arg0: i32) -> (i32, i32) {
    %c0_i32 = arith.constant 0 : i32
    %c0_i32_0 = arith.constant 0 : i32
    return %arg0, %c0_i32 : i32, i32
  }
}

module attributes {stable_mosaic.version = 14 : i64} {
  func.func @_mm_body(%arg0: i32, %arg1: memref<2000x128xf32, #tpu.memory_space<vmem>>, %arg2: memref<128x128xf32, #tpu.memory_space<vmem>>, %arg3: memref<2000x128xf32, #tpu.memory_space<vmem>>) attributes {dimension_semantics = [#tpu.dimension_semantics<arbitrary>], iteration_bounds = array<i64: 5>, scalar_prefetch = 0 : i64, scratch_operands = 0 : i64, tpu.core_type = #tpu.core_type<tc>, window_params = [{transform_indices = @transform_0, window_bounds = array<i64: 2000, 128>}, {pipeline_mode = #tpu.pipeline_mode<synchronous>, transform_indices = @transform_1, window_bounds = array<i64: 128, 128>}, {transform_indices = @transform_2, window_bounds = array<i64: 2000, 128>}]} {
    %get3A = arith.constant 0 : index
    %get3A_0 = arith.constant 0 : index
    %get3A_1 = vector.load %arg1[%get3A, %get3A_0] : memref<2000x128xf32, #tpu.memory_space<vmem>>, vector<2000x128xf32>
    %get3A_2 = arith.constant 0 : index
    %get3A_3 = arith.constant 0 : index
    %get3A_4 = vector.load %arg2[%get3A_2, %get3A_3] : memref<128x128xf32, #tpu.memory_space<vmem>>, vector<128x128xf32>
    %dot_general3A = arith.constant dense<0.000000e+00> : vector<2000x128xf32>
    %dot_general3A_5 = tpu.matmul %get3A_1, %get3A_4, %dot_general3A {dimension_numbers = #tpu.dot_dimension_numbers<[1], [0], [0], [1], [0, 0, 1, 1], [], []>, transpose_lhs_hint = false} : vector<2000x128xf32>, vector<128x128xf32>, vector<2000x128xf32> -> vector<2000x128xf32>
    %swap3A = arith.constant 0 : index
    %swap3A_6 = arith.constant 0 : index
    %swap3A_7 = vector.load %arg3[%swap3A, %swap3A_6] : memref<2000x128xf32, #tpu.memory_space<vmem>>, vector<2000x128xf32>
    tpu.vector_store %arg3[%swap3A, %swap3A_6], %dot_general3A_5 {strides = array<i32>} : memref<2000x128xf32, #tpu.memory_space<vmem>>, vector<2000x128xf32>,
    return
  }
  func.func @transform_0(%arg0: i32) -> (i32, i32) {
    %c0_i32 = arith.constant 0 : i32
    %c0_i32_0 = arith.constant 0 : i32
    return %arg0, %c0_i32 : i32, i32
  }
  func.func @transform_1(%arg0: i32) -> (i32, i32) {
    %c0_i32 = arith.constant 0 : i32
    %c0_i32_0 = arith.constant 0 : i32
    %c0_i32_1 = arith.constant 0 : i32
    return %c0_i32, %c0_i32_0 : i32, i32
  }
  func.func @transform_2(%arg0: i32) -> (i32, i32) {
    %c0_i32 = arith.constant 0 : i32
    %c0_i32_0 = arith.constant 0 : i32
    return %arg0, %c0_i32 : i32, i32
  }
}

module attributes {stable_mosaic.version = 14 : i64} {
  func.func @_tc2_body(%arg0: i32, %arg1: memref<2x2000x128xf32, #tpu.memory_space<vmem>>, %arg2: memref<2000x128xf32, #tpu.memory_space<vmem>>, %arg3: memref<2000x1xf32, #tpu.memory_space<vmem>>, %arg4: memref<1x128xf32, #tpu.memory_space<vmem>>, %arg5: memref<128x128xf32, #tpu.memory_space<vmem>>, %arg6: memref<2000x128xf32, #tpu.memory_space<vmem>>) attributes {dimension_semantics = [#tpu.dimension_semantics<arbitrary>], iteration_bounds = array<i64: 5>, scalar_prefetch = 0 : i64, scratch_operands = 0 : i64, tpu.core_type = #tpu.core_type<tc>, window_params = [{transform_indices = @transform_0, window_bounds = array<i64: 2, 2000, 128>}, {transform_indices = @transform_1, window_bounds = array<i64: 2000, 128>}, {transform_indices = @transform_2, window_bounds = array<i64: 2000, 1>}, {pipeline_mode = #tpu.pipeline_mode<synchronous>, transform_indices = @transform_3, window_bounds = array<i64: 1, 128>}, {pipeline_mode = #tpu.pipeline_mode<synchronous>, transform_indices = @transform_4, window_bounds = array<i64: 128, 128>}, {transform_indices = @transform_5, window_bounds = array<i64: 2000, 128>}]} {
    %get3A = arith.constant 0 : index
    %get3A_0 = arith.constant 0 : index
    %get3A_1 = arith.constant 0 : index
    %get3A_2 = vector.load %arg1[%get3A, %get3A_0, %get3A_1] : memref<2x2000x128xf32, #tpu.memory_space<vmem>>, vector<1x2000x128xf32>
    %get3A_3 = vector.shape_cast %get3A_2 : vector<1x2000x128xf32> to vector<2000x128xf32>
    %get3A_4 = arith.constant 1 : index
    %get3A_5 = arith.constant 0 : index
    %get3A_6 = arith.constant 0 : index
    %get3A_7 = vector.load %arg1[%get3A_4, %get3A_5, %get3A_6] : memref<2x2000x128xf32, #tpu.memory_space<vmem>>, vector<1x2000x128xf32>
    %get3A_8 = vector.shape_cast %get3A_7 : vector<1x2000x128xf32> to vector<2000x128xf32>
    %add3A = arith.addf %get3A_3, %get3A_8 : vector<2000x128xf32>
    %get3A_9 = arith.constant 0 : index
    %get3A_10 = arith.constant 0 : index
    %get3A_11 = vector.load %arg2[%get3A_9, %get3A_10] : memref<2000x128xf32, #tpu.memory_space<vmem>>, vector<2000x128xf32>
    %add3A_12 = arith.addf %add3A, %get3A_11 : vector<2000x128xf32>
    %get3A_13 = arith.constant 0 : index
    %get3A_14 = arith.constant 0 : index
    %get3A_15 = vector.load %arg3[%get3A_13, %get3A_14] : memref<2000x1xf32, #tpu.memory_space<vmem>>, vector<2000x1xf32>
    %mul3A = vector.broadcast %get3A_15 : vector<2000x1xf32> to vector<2000x128xf32>
    %mul3A_16 = arith.mulf %add3A_12, %mul3A : vector<2000x128xf32>
    %get3A_17 = arith.constant 0 : index
    %get3A_18 = arith.constant 0 : index
    %get3A_19 = vector.load %arg4[%get3A_17, %get3A_18] : memref<1x128xf32, #tpu.memory_space<vmem>>, vector<1x128xf32>
    %add3A_20 = vector.broadcast %get3A_19 : vector<1x128xf32> to vector<2000x128xf32>
    %add3A_21 = arith.addf %mul3A_16, %add3A_20 : vector<2000x128xf32>
    %max3A = arith.constant 0.000000e+00 : f32
    %max3A_22 = vector.broadcast %max3A : f32 to vector<2000x128xf32>
    %max3A_23 = arith.maximumf %add3A_21, %max3A_22 : vector<2000x128xf32>
    %get3A_24 = arith.constant 0 : index
    %get3A_25 = arith.constant 0 : index
    %get3A_26 = vector.load %arg5[%get3A_24, %get3A_25] : memref<128x128xf32, #tpu.memory_space<vmem>>, vector<128x128xf32>
    %dot_general3A = arith.constant dense<0.000000e+00> : vector<2000x128xf32>
    %dot_general3A_27 = tpu.matmul %max3A_23, %get3A_26, %dot_general3A {dimension_numbers = #tpu.dot_dimension_numbers<[1], [0], [0], [1], [0, 0, 1, 1], [], []>, transpose_lhs_hint = false} : vector<2000x128xf32>, vector<128x128xf32>, vector<2000x128xf32> -> vector<2000x128xf32>
    %get3A_28 = arith.constant 0 : index
    %get3A_29 = arith.constant 0 : index
    %get3A_30 = vector.load %arg3[%get3A_28, %get3A_29] : memref<2000x1xf32, #tpu.memory_space<vmem>>, vector<2000x1xf32>
    %mul3A_31 = vector.broadcast %get3A_30 : vector<2000x1xf32> to vector<2000x128xf32>
    %mul3A_32 = arith.mulf %dot_general3A_27, %mul3A_31 : vector<2000x128xf32>
    %swap3A = arith.constant 0 : index
    %swap3A_33 = arith.constant 0 : index
    %swap3A_34 = vector.load %arg6[%swap3A, %swap3A_33] : memref<2000x128xf32, #tpu.memory_space<vmem>>, vector<2000x128xf32>
    tpu.vector_store %arg6[%swap3A, %swap3A_33], %mul3A_32 {strides = array<i32>} : memref<2000x128xf32, #tpu.memory_space<vmem>>, vector<2000x128xf32>,
    return
  }
  func.func @transform_0(%arg0: i32) -> (i32, i32, i32) {
    %c0_i32 = arith.constant 0 : i32
    %c0_i32_0 = arith.constant 0 : i32
    %c0_i32_1 = arith.constant 0 : i32
    return %c0_i32, %arg0, %c0_i32_0 : i32, i32, i32
  }
  func.func @transform_1(%arg0: i32) -> (i32, i32) {
    %c0_i32 = arith.constant 0 : i32
    %c0_i32_0 = arith.constant 0 : i32
    return %arg0, %c0_i32 : i32, i32
  }
  func.func @transform_2(%arg0: i32) -> (i32, i32) {
    %c0_i32 = arith.constant 0 : i32
    %c0_i32_0 = arith.constant 0 : i32
    return %arg0, %c0_i32 : i32, i32
  }
  func.func @transform_3(%arg0: i32) -> (i32, i32) {
    %c0_i32 = arith.constant 0 : i32
    %c0_i32_0 = arith.constant 0 : i32
    %c0_i32_1 = arith.constant 0 : i32
    return %c0_i32, %c0_i32_0 : i32, i32
  }
  func.func @transform_4(%arg0: i32) -> (i32, i32) {
    %c0_i32 = arith.constant 0 : i32
    %c0_i32_0 = arith.constant 0 : i32
    %c0_i32_1 = arith.constant 0 : i32
    return %c0_i32, %c0_i32_0 : i32, i32
  }
  func.func @transform_5(%arg0: i32) -> (i32, i32) {
    %c0_i32 = arith.constant 0 : i32
    %c0_i32_0 = arith.constant 0 : i32
    return %arg0, %c0_i32 : i32, i32
  }
}

module attributes {stable_mosaic.version = 14 : i64} {
  func.func @_tc3_body(%arg0: i32, %arg1: memref<2x2000x128xf32, #tpu.memory_space<vmem>>, %arg2: memref<2000x128xf32, #tpu.memory_space<vmem>>, %arg3: memref<2000x1xf32, #tpu.memory_space<vmem>>, %arg4: memref<1x128xf32, #tpu.memory_space<vmem>>, %arg5: memref<2000x128xf32, #tpu.memory_space<vmem>>) attributes {dimension_semantics = [#tpu.dimension_semantics<arbitrary>], iteration_bounds = array<i64: 5>, scalar_prefetch = 0 : i64, scratch_operands = 0 : i64, tpu.core_type = #tpu.core_type<tc>, window_params = [{transform_indices = @transform_0, window_bounds = array<i64: 2, 2000, 128>}, {transform_indices = @transform_1, window_bounds = array<i64: 2000, 128>}, {transform_indices = @transform_2, window_bounds = array<i64: 2000, 1>}, {pipeline_mode = #tpu.pipeline_mode<synchronous>, transform_indices = @transform_3, window_bounds = array<i64: 1, 128>}, {transform_indices = @transform_4, window_bounds = array<i64: 2000, 128>}]} {
    %get3A = arith.constant 0 : index
    %get3A_0 = arith.constant 0 : index
    %get3A_1 = arith.constant 0 : index
    %get3A_2 = vector.load %arg1[%get3A, %get3A_0, %get3A_1] : memref<2x2000x128xf32, #tpu.memory_space<vmem>>, vector<1x2000x128xf32>
    %get3A_3 = vector.shape_cast %get3A_2 : vector<1x2000x128xf32> to vector<2000x128xf32>
    %get3A_4 = arith.constant 1 : index
    %get3A_5 = arith.constant 0 : index
    %get3A_6 = arith.constant 0 : index
    %get3A_7 = vector.load %arg1[%get3A_4, %get3A_5, %get3A_6] : memref<2x2000x128xf32, #tpu.memory_space<vmem>>, vector<1x2000x128xf32>
    %get3A_8 = vector.shape_cast %get3A_7 : vector<1x2000x128xf32> to vector<2000x128xf32>
    %add3A = arith.addf %get3A_3, %get3A_8 : vector<2000x128xf32>
    %get3A_9 = arith.constant 0 : index
    %get3A_10 = arith.constant 0 : index
    %get3A_11 = vector.load %arg2[%get3A_9, %get3A_10] : memref<2000x128xf32, #tpu.memory_space<vmem>>, vector<2000x128xf32>
    %add3A_12 = arith.addf %add3A, %get3A_11 : vector<2000x128xf32>
    %get3A_13 = arith.constant 0 : index
    %get3A_14 = arith.constant 0 : index
    %get3A_15 = vector.load %arg3[%get3A_13, %get3A_14] : memref<2000x1xf32, #tpu.memory_space<vmem>>, vector<2000x1xf32>
    %mul3A = vector.broadcast %get3A_15 : vector<2000x1xf32> to vector<2000x128xf32>
    %mul3A_16 = arith.mulf %add3A_12, %mul3A : vector<2000x128xf32>
    %get3A_17 = arith.constant 0 : index
    %get3A_18 = arith.constant 0 : index
    %get3A_19 = vector.load %arg4[%get3A_17, %get3A_18] : memref<1x128xf32, #tpu.memory_space<vmem>>, vector<1x128xf32>
    %add3A_20 = vector.broadcast %get3A_19 : vector<1x128xf32> to vector<2000x128xf32>
    %add3A_21 = arith.addf %mul3A_16, %add3A_20 : vector<2000x128xf32>
    %swap3A = arith.constant 0 : index
    %swap3A_22 = arith.constant 0 : index
    %swap3A_23 = vector.load %arg5[%swap3A, %swap3A_22] : memref<2000x128xf32, #tpu.memory_space<vmem>>, vector<2000x128xf32>
    tpu.vector_store %arg5[%swap3A, %swap3A_22], %add3A_21 {strides = array<i32>} : memref<2000x128xf32, #tpu.memory_space<vmem>>, vector<2000x128xf32>,
    return
  }
  func.func @transform_0(%arg0: i32) -> (i32, i32, i32) {
    %c0_i32 = arith.constant 0 : i32
    %c0_i32_0 = arith.constant 0 : i32
    %c0_i32_1 = arith.constant 0 : i32
    return %c0_i32, %arg0, %c0_i32_0 : i32, i32, i32
  }
  func.func @transform_1(%arg0: i32) -> (i32, i32) {
    %c0_i32 = arith.constant 0 : i32
    %c0_i32_0 = arith.constant 0 : i32
    return %arg0, %c0_i32 : i32, i32
  }
  func.func @transform_2(%arg0: i32) -> (i32, i32) {
    %c0_i32 = arith.constant 0 : i32
    %c0_i32_0 = arith.constant 0 : i32
    return %arg0, %c0_i32 : i32, i32
  }
  func.func @transform_3(%arg0: i32) -> (i32, i32) {
    %c0_i32 = arith.constant 0 : i32
    %c0_i32_0 = arith.constant 0 : i32
    %c0_i32_1 = arith.constant 0 : i32
    return %c0_i32, %c0_i32_0 : i32, i32
  }
  func.func @transform_4(%arg0: i32) -> (i32, i32) {
    %c0_i32 = arith.constant 0 : i32
    %c0_i32_0 = arith.constant 0 : i32
    return %arg0, %c0_i32 : i32, i32
  }
}

</mosaic_0001>

<sc_bundles>
// kernel: kernel.12.cloned.1.call-start
scs
__scs_entry_jumppad:
0x0: {  	(pc) =	sbr.rel $0x88, $3  }
0x1: {  	(tag) =	ssettag $0x0;
	lr =	simm.s32 $0x1  }
0x2: {  	[smem:$0x3F9B] =	sst lr;
	_ =	strace $0xD0000000  }
0x3: {  	_ = 	snop  }
0x4: {  	_ = 	snop  }
0x5: {  	_ = 	snop  }
0x6: {  	_ = 	snop  }
0x7: {  	_ = 	snop  }
__scs_overlays_trampoline_lowered:
0x8: {  	[smem:$0x3FAA] =	sst s0  }
0x9: {  	[smem:$0x3FAB] =	sst s1  }
0xa: {  	[smem:$0x3FAC] =	sst s2  }
0xb: {  	[smem:$0x3FAD] =	sst s3  }
0xc: {  	[smem:$0x3FAE] =	sst s4  }
0xd: {  	[smem:$0x3FAF] =	sst s5  }
0xe: {  	[smem:$0x3FB0] =	sst s6  }
0xf: {  	[smem:$0x3FB1] =	sst s7  }
0x10: {  	[smem:$0x3FB2] =	sst s8  }
0x11: {  	[smem:$0x3FB3] =	sst s9;
	s0 =	simm.s32 @!p0 $0x0  }
0x12: {  	s1 =	sld [smem:$0x3F99];
	s0 =	simm.s32 @p0 $0x1  }
0x13: {  	[smem:$0x3FB4] =	sst s0;
	s0 =	simm.s32 @!p1 $0x0  }
0x14: {  	s2 =	sld [smem:$0x3F98];
	s0 =	simm.s32 @p1 $0x1  }
0x15: {  	[smem:$0x3FB5] =	sst s0;
	s0 =	simm.s32 @!p2 $0x0  }
0x16: {  	s3 =	sld [smem:$0x3FDB];
	s0 =	simm.s32 @p2 $0x1  }
0x17: {  	s4 =	simm.s32 $0x1BF5;
	[smem:$0x3FB7] =	sst s0  }
0x18: {  	s0 =	sld [smem:$0x3F9A];
	_ =	swait.ge [sflag:s4], $0x0  }
0x19: {  	s7 =	sld [smem:$0x3F9B]  }
0x1a: {  	s8 =	sadd.s32 $0xFFFFE003, lr  }
0x1b: {  	s9 =	sadd.s32 $0xFFFFFEF7, lr;
	s5 =	simm.s32 $0xFFFFFFFF;
	p2 =	slt.u32 s8, $0xFFFFF086  }
0x1c: {  	p1 =	slt.u32 s9, $0xF7A;
	s5 =	simm.s32 @!p2 $0x0  }
0x1d: {  	s5 =	simm.s32 @p1 $0x1;
	p0 =	seq.s32 s7, s2  }
0x1e: {  	s7 =	smul.u32 @!p0 $0xF7A, s2;
	p2 =	seq.s32 @!p0 s5, $0x0  }
0x1f: {  	s9 =	smul.u32 $0xF7A, s1;
	s8 =	simm.s32 @!p0 $0x1BF5;
	p2 =	por !p2, p0  }
0x20: {  	[sflag:s8] =	ssyncset.s32 @!p0 $0xFFFFF086;
	s6 =	sadd.s32 @!p0 s3, s7;
	s7 =	simm.s32 @!p0 $0x108  }
0x21: {  	s3 =	sadd.s32 s3, s9;
	s6 =	sadd.s32 @!p0 $0x88, s6;
	s7 =	simm.s32 @p2 $0x1082  }
0x22: {  	[simem:s7], [sflag:s8] =	dma.local @!p0 [hbm:s6], $0xF7A  }
0x23: {  	s9 =	sor.u32 $0xD0000000, s2;
	s6 =	simm.s32 $0x108;
	_ =	swait.ge @!p0 [sflag:s8], $0x0  }
0x24: {  	s3 =	sadd.s32 $0x88, s3;
	s6 =	simm.s32 @!p1 $0x1082;
	[sflag:s4] =	ssyncset.s32 $0xFFFFF086  }
0x25: {  	[simem:s6], [sflag:s4] =	dma.local [hbm:s3], $0xF7A  }
0x26: {  	[smem:$0x3F9B] =	sst s1;
	(tag) =	ssettag s2;
	_ =	strace s9  }
0x27: {  	s1 =	sld [smem:$0x3FAB]  }
0x28: {  	s2 =	sld [smem:$0x3FAC]  }
0x29: {  	s4 =	sld [smem:$0x3FAE]  }
0x2a: {  	p0 =	seq.s32 s5, $0x0;
	s5 =	sld [smem:$0x3FAF]  }
0x2b: {  	s6 =	sld [smem:$0x3FB0]  }
0x2c: {  	s7 =	sld [smem:$0x3FB1]  }
0x2d: {  	s3 =	simm.s32 $0x108;
	s8 =	sld [smem:$0x3FB2]  }
0x2e: {  	s3 =	simm.s32 @!p0 $0x1082;
	s9 =	sld [smem:$0x3FB3]  }
0x2f: {  	lr =	sadd.s32 s0, s3;
	s0 =	sld [smem:$0x3FAA]  }
0x30: {  	s3 =	sld [smem:$0x3FAD]  }
0x31: {  	[smem:$0x3FB6] =	sst s10  }
0x32: {  	s10 =	sld [smem:$0x3FB4];
	_ =	sdelay $0x3  }
0x33: {  	p0 =	seq.s32 s10, $0x1;
	s10 =	sld [smem:$0x3FB6];
	_ =	sdelay $0x3  }
0x34: {  	[smem:$0x3FB6] =	sst s10  }
0x35: {  	s10 =	sld [smem:$0x3FB5];
	_ =	sdelay $0x3  }
0x36: {  	p1 =	seq.s32 s10, $0x1;
	s10 =	sld [smem:$0x3FB6];
	_ =	sdelay $0x3  }
0x37: {  	[smem:$0x3FB6] =	sst s10  }
0x38: {  	s10 =	sld [smem:$0x3FB7]  }
0x39: {  	_ = 	snop;
	(pc) =	sbr.ind lr, $3  }
0x3a: {  	_ = 	snop  }
0x3b: {  	_ = 	snop  }
0x3c: {  	p2 =	seq.s32 s10, $0x1;
	s10 =	sld [smem:$0x3FB6]  }
0x3d: {  	_ =	shalt  }
0x3e: {  	_ =	shalt  }
0x3f: {  	_ =	shalt  }
0x40: {  	_ =	shalt  }
0x41: {  	_ =	shalt  }
0x42: {  	_ =	shalt  }
0x43: {  	_ =	shalt  }
0x44: {  	_ =	shalt  }
0x45: {  	_ =	shalt  }
0x46: {  	_ =	shalt  }
0x47: {  	_ =	shalt  }
0x48: {  	_ =	shalt  }
0x49: {  	_ =	shalt  }
0x4a: {  	_ =	shalt  }
0x4b: {  	_ =	shalt  }
0x4c: {  	_ =	shalt  }
0x4d: {  	_ =	shalt  }
0x4e: {  	_ =	shalt  }
0x4f: {  	_ =	shalt  }
0x50: {  	_ =	shalt  }
0x51: {  	_ =	shalt  }
0x52: {  	_ =	shalt  }
0x53: {  	_ =	shalt  }
0x54: {  	_ =	shalt  }
0x55: {  	_ =	shalt  }
0x56: {  	_ =	shalt  }
0x57: {  	_ =	shalt  }
0x58: {  	_ =	shalt  }
0x59: {  	_ =	shalt  }
0x5a: {  	_ =	shalt  }
0x5b: {  	_ =	shalt  }
0x5c: {  	_ =	shalt  }
0x5d: {  	_ =	shalt  }
0x5e: {  	_ =	shalt  }
0x5f: {  	_ =	shalt  }
0x60: {  	_ =	shalt  }
0x61: {  	_ =	shalt  }
0x62: {  	_ =	shalt  }
0x63: {  	_ =	shalt  }
0x64: {  	_ =	shalt  }
0x65: {  	_ =	shalt  }
0x66: {  	_ =	shalt  }
0x67: {  	_ =	shalt  }
0x68: {  	_ =	shalt  }
0x69: {  	_ =	shalt  }
0x6a: {  	_ =	shalt  }
0x6b: {  	_ =	shalt  }
0x6c: {  	_ =	shalt  }
0x6d: {  	_ =	shalt  }
0x6e: {  	_ =	shalt  }
0x6f: {  	_ =	shalt  }
0x70: {  	_ =	shalt  }
0x71: {  	_ =	shalt  }
0x72: {  	_ =	shalt  }
0x73: {  	_ =	shalt  }
0x74: {  	_ =	shalt  }
0x75: {  	_ =	shalt  }
0x76: {  	_ =	shalt  }
0x77: {  	_ =	shalt  }
0x78: {  	_ =	shalt  }
0x79: {  	_ =	shalt  }
0x7a: {  	_ =	shalt  }
0x7b: {  	_ =	shalt  }
0x7c: {  	_ =	shalt  }
0x7d: {  	_ =	shalt  }
0x7e: {  	_ =	shalt  }
0x7f: {  	_ =	shalt  }
0x80: {  	_ =	shalt  }
0x81: {  	_ =	shalt  }
0x82: {  	_ =	shalt  }
0x83: {  	_ =	shalt  }
0x84: {  	_ =	shalt  }
0x85: {  	_ =	shalt  }
0x86: {  	_ =	shalt  }
0x87: {  	_ =	shalt  }
.Lfunc_end0:
.L_simem_size_0:
called_computation.1_lowered:
.L_overlay_start_0:
0x88: {  	s2 =	sld [smem:$0x3FD9]  }
0x89: {  	s3 =	sld [smem:$0x3FFE];
	_ =	sdelay $0x1  }
0x8a: {  	s1 =	srdreg.scid  }
0x8b: {  	s0 =	sand.u32 $0x1, s1  }
0x8c: {  	s17 =	sshll.u32 s0, $0xA;
	s2 =	sadd.s32 s3, s2  }
0x8d: {  	s2 =	sadd.s32 s2, s17  }
0x8e: {  	[smem:$0x3FC2] =	sst s2  }
0x8f: {  	_ = 	snop  }
0x90: {  	s2 =	sld [smem:$0x3FD0];
	(tm) =	ssettm $0x1  }
0x91: {  	s18 =	sld [smem:$0x3FFB];
	_ =	sdelay $0x3  }
0x92: {  	_ =	strace s18  }
0x93: {  	s3 =	sld [smem:$0x3FFC];
	_ =	sdelay $0x3  }
0x94: {  	_ =	strace s3  }
0x95: {  	s3 =	sld [smem:$0x3FFD];
	_ =	sdelay $0x3  }
0x96: {  	_ =	strace s3  }
0x97: {  	_ =	strace $0x8FFFFFFF  }
0x98: {  	s19 =	sld [smem:$0x3FDB];
	_ =	sdelay $0x1  }
0x99: {  	s4 =	simm.s32 $_scs_section_size  }
0x9a: {  	s5 =	simm.s32 $_size__tile_overlayer_lowered;
	s6 =	simm.s32 $_tile_overlayer_lowered  }
0x9b: {  	s22 =	simm.s32 $0x1BFF;
	s21 =	sshll.u32 s6, $0x1;
	s3 =	sadd.s32 s4, s19  }
0x9c: {  	s7 =	simm.s32 $0x0;
	s20 =	sshll.u32 s5, $0x1;
	s5 =	sadd.s32 s21, s3  }
0x9d: {  	[timem:s7], [sflag:s22] =	dma.local [hbm:s5], s20  }
0x9e: {  	_ =	swait.ge [sflag:s22], s20  }
0x9f: {  	s4 =	ssub.s32 $0x0, s20;
	[sflag:s22] =	ssyncset.done $0x0  }
0xa0: {  	[sflag:s22] =	ssyncadd.s32 s4;
	_ =	sdelay $0x1  }
0xa1: {  	s23 =	simm.s32 $0x1B8B  }
0xa2: {  	_ =	swait.ge [sflag:s23], $0x1  }
0xa3: {  	[sflag:s23] =	ssyncset.done $0x0  }
0xa4: {  	s25 =	simm.s32 $0x1B8E;
	s24 =	sld [smem:$0x3FFE];
	[sflag:s23] =	ssyncadd.s32 $0xFFFFFFFF  }
0xa5: {  	s26 =	simm.s32 $execute0_lowered;
	[smem:$0x3FD2] =	sst s25  }
0xa6: {  	s5 =	sshll.u32 s26, $0x1;
	_ =	strace $0x80000049;
	[dreg:$0x1] =	wrdreg $0xFFFFFFFF  }
0xa7: {  	s28 =	simm.s32 $_size_execute0_lowered;
	s3 =	sadd.s32 s3, s5;
	[dreg:$0x0] =	wrdreg $0x0  }
0xa8: {  	s5 =	sshll.u32 s28, $0x1;
	[dreg:$0x2] =	wrdreg s3  }
0xa9: {  	[dreg:$0x3] =	wrdreg s5  }
0xaa: {  	[dreg:$0x4] =	wrdreg $0xC0  }
0xab: {  	_ =	task [dreg:s7], $0x5FFFF  }
0xac: {  	[dreg:$0x1] =	wrdreg $0xFFFFFFFF  }
0xad: {  	[dreg:$0x0] =	wrdreg $0x60  }
0xae: {  	[dreg:$0x2] =	wrdreg s2  }
0xaf: {  	[dreg:$0x3] =	wrdreg s24  }
0xb0: {  	[dreg:$0x4] =	wrdreg $0xAE200  }
0xb1: {  	[dreg:$0x5] =	wrdreg $0x9  }
0xb2: {  	_ =	task.clear_ibuf [dreg:s7], $0x6FFFF;
	_ =	strace $0x90000049  }
0xb3: {  	s29 =	simm.s32 $0x9;
	_ =	strace $0x8000004B  }
0xb4: {  	_ =	swait.ge [sflag:s29], $0x1  }
0xb5: {  	[sflag:s29] =	ssyncadd.s32 $0xFFFFFFFF  }
0xb6: {  	_ =	strace $0x9000004B  }
0xb7: {  	_ =	sfence  }
0xb8: {  	s30 =	sld [smem:$0x0];
	_ =	sdelay $0x2  }
0xb9: {  	s31 =	sshll.u32 s1, $0xD;
	s1 =	sshrl.u32 s1, $0x2  }
0xba: {  	s3 =	sand.u32 $0x4000, s31;
	s1 =	sadd.s32 s1, s30  }
0xbb: {  	s0 =	sor.u32 s3, s0;
	s1 =	sshll.u32 s1, $0x11  }
0xbc: {  	s0 =	sor.u32 s1, s0  }
0xbd: {  	s0 =	sadd.s32 $0x8F2B, s0  }
0xbe: {  	[sflag:s0] =	ssyncadd.remote.s32 $0x1  }
0xbf: {  	_ =	sfence.sel $0xFFFF  }
0xc0: {  	[dreg:$0x0] =	wrdreg $0xFFFFFFFF;
	(pc) =	sbr.abs _section_cstart, $3  }
0xc1: {  	[dreg:$0x1] =	wrdreg $0xFFFFFFFF  }
0xc2: {  	_ =	task.clear_ibuf [dreg:s7], $0x2FFFF;
	_ =	strace $0x9FFFFFFF  }
0xc3: {  	(tm) =	ssettm $0x7FFFFFFF  }
tec
execute0_lowered:
.L_overlay_start_1:
0x0: {  	(tag) =	ssettag $0x1  }
0x1: {  	s0 =	srdreg.scid;
	s1 =	rddreg [dreg:$0x0]  }
0x2: {  	s8 =	stileid.u32;
	s5 =	rddreg [dreg:$0x1]  }
0x3: {  	s3 =	rddreg [dreg:$0x2];
	s4 =	simm.s32 $0x0;
	s0 =	sand.u32 $0x1, s0  }
0x4: {  	[smem:$0x7FF] =	sst s4;
	s7 =	smul.u32 $0x14000, s8;
	s2 =	sshll.u32 s0, $0x4  }
0x5: {  	s6 =	smul.u32 $0x140000, s0;
	s0 =	ssub.s32 $0x2, s0;
	s2 =	sor.u32 s8, s2  }
0x6: {  	_ =	strace $0x8000004A;
	s9 =	sshrl.u32 s0, $0x1;
	s2 =	smul.u32 $0x4E2, s2  }
0x7: {  	s8 =	smul.u32 $0x50000, s8;
	s6 =	sadd.s32 s7, s6;
	s0 =	ssub.s32 s0, s9  }
0x8: {  	s6 =	sshrl.u32 s6, $0x3;
	s0 =	smax.u32 s0, $0x1;
	s2 =	sadd.s32 s2, s5  }
0x9: {  	s8 =	sshrl.u32 s8, $0x2;
	[dreg:$0x7] =	wrdreg s0;
	s13 =	sadd.s32 $0x1800, s2  }
0xa: {  	s6 =	sadd.s32 s6, s5;
	s2 =	sadd.s32 $0xB600, s2;
	[dreg:$0x4] =	wrdreg s13  }
0xb: {  	s5 =	sadd.s32 s8, s3;
	s14 =	sadd.s32 $0x15400, s6;
	[dreg:$0x5] =	wrdreg s2  }
0xc: {  	s31 =	simm.s32 $0x9E20;
	s16 =	sadd.s32 $0x1000, s5;
	[dreg:$0x6] =	wrdreg s14  }
0xd: {  	s10 =	simm.s32 $0x4E20;
	s17 =	sadd.s32 $0x2000, s5;
	[dreg:$0x8] =	wrdreg s16  }
0xe: {  	s11 =	simm.s32 $0x2;
	s18 =	sadd.s32 $0x3000, s5;
	[dreg:$0x9] =	wrdreg s17  }
0xf: {  	s12 =	simm.s32 $0x3;
	s19 =	sadd.s32 $0x4000, s5;
	[dreg:$0xa] =	wrdreg s18  }
0x10: {  	s15 =	sadd.s32 s7, s3;
	s20 =	sadd.s32 $0x5000, s5;
	[dreg:$0xb] =	wrdreg s19  }
0x11: {  	s7 =	simm.s32 $0x7620;
	s21 =	sadd.s32 $0x6000, s5;
	[dreg:$0xc] =	wrdreg s20  }
0x12: {  	s9 =	simm.s32 $0x1;
	s22 =	sadd.s32 $0x7000, s5;
	[dreg:$0xd] =	wrdreg s21  }
0x13: {  	s0 =	simm.s32 $0x28;
	s23 =	sadd.s32 $0x8000, s5;
	[dreg:$0xe] =	wrdreg s22  }
0x14: {  	s8 =	simm.s32 $0x8A20;
	s24 =	sadd.s32 $0x9000, s5;
	[dreg:$0xf] =	wrdreg s23  }
0x15: {  	s25 =	sadd.s32 $0xA000, s5;
	s26 =	sadd.s32 $0xB000, s5;
	[dreg:$0x10] =	wrdreg s24  }
0x16: {  	s28 =	sadd.s32 $0x11000, s5;
	s29 =	sadd.s32 $0x12000, s5;
	[dreg:$0x11] =	wrdreg s25  }
0x17: {  	s30 =	sadd.s32 $0x13000, s5;
	s6 =	simm.s32 $0x6220;
	[dreg:$0x12] =	wrdreg s26  }
0x18: {  	s21 =	sadd.s32 $0xC000, s5;
	s22 =	sadd.s32 $0xD000, s5;
	s23 =	sadd.s32 $0xE000, s5  }
0x19: {  	s24 =	sadd.s32 $0xF000, s5;
	s25 =	sshrl.u32 s15, $0x3;
	s26 =	sadd.s32 $0x10000, s5  }
0x1a: {  	s2 =	simm.s32 $0x9;
	s13 =	simm.s32 $0x4;
	s14 =	simm.s32 $0x5  }
0x1b: {  	v0 =	vimm.f32 $0.0e+00;
	s15 =	simm.s32 $0x6;
	s16 =	simm.s32 $0x7;
	s17 =	simm.s32 $0x8  }
.LBB2_1:
0x1c: {  	s18 =	simm.s32 $0x0;
	s19 =	simm.s32 $0x200  }
.LBB2_2:
0x1d: {  	p0 =	sne.s32 s19, $0x3E00;
	[tilespmem:s18+$0x9E90] =	vst v0  }
0x1e: {  	[tilespmem:s18+$0x9E20] =	vst v0  }
0x1f: {  	[tilespmem:s18+$0x9E30] =	vst v0  }
.Ltmp0:
0x20: {  	[tilespmem:s18+$0x9E40] =	vst v0;
	(pc) =	sbr.rel @p0 .LBB2_2-.Ltmp0, $4  }
0x21: {  	[tilespmem:s18+$0x9E50] =	vst v0  }
0x22: {  	[tilespmem:s18+$0x9E60] =	vst v0  }
0x23: {  	[tilespmem:s18+$0x9E70] =	vst v0  }
0x24: {  	[tilespmem:s18+$0x9E80] =	vst v0;
	s18 =	sshra.s32 s19, $0x2;
	s19 =	sadd.s32 $0x200, s19  }
0x25: {  	[tilespmem:s18+$0x9E90] =	vst v0  }
0x26: {  	[tilespmem:s18+$0x9E20] =	vst v0  }
0x27: {  	[tilespmem:s18+$0x9E30] =	vst v0  }
0x28: {  	[tilespmem:s18+$0x9E40] =	vst v0  }
0x29: {  	[tilespmem:s18+$0x9E50] =	vst v0  }
0x2a: {  	[tilespmem:s18+$0x9E60] =	vst v0  }
0x2b: {  	[tilespmem:s18+$0x9E70] =	vst v0  }
0x2c: {  	[tilespmem:s18+$0x9E80] =	vst v0  }
0x2d: {  	[spmem:s5] =	stream.linear.scatter [tilespmem:s31], [sflag:$0x1], $0x1000, $0x38;
	[tilespmem:$0x1EE20] =	vst v63  }
0x2e: {  	s19 =	rddreg [dreg:$0x8]  }
0x2f: {  	[spmem:s19] =	stream.linear.scatter [tilespmem:s31], [sflag:$0x1], $0x1000, $0x38;
	[tilespmem:$0x1EE20] =	vst v63  }
0x30: {  	s20 =	rddreg [dreg:$0x9]  }
0x31: {  	[spmem:s20] =	stream.linear.scatter [tilespmem:s31], [sflag:$0x1], $0x1000, $0x38;
	[tilespmem:$0x1EE20] =	vst v63  }
0x32: {  	s19 =	rddreg [dreg:$0xa]  }
0x33: {  	[spmem:s19] =	stream.linear.scatter [tilespmem:s31], [sflag:$0x1], $0x1000, $0x38;
	[tilespmem:$0x1EE20] =	vst v63  }
0x34: {  	s20 =	rddreg [dreg:$0xb]  }
0x35: {  	[spmem:s20] =	stream.linear.scatter [tilespmem:s31], [sflag:$0x1], $0x1000, $0x38;
	[tilespmem:$0x1EE20] =	vst v63  }
0x36: {  	s19 =	rddreg [dreg:$0xc]  }
0x37: {  	[spmem:s19] =	stream.linear.scatter [tilespmem:s31], [sflag:$0x1], $0x1000, $0x38;
	[tilespmem:$0x1EE20] =	vst v63  }
0x38: {  	s20 =	rddreg [dreg:$0xd]  }
0x39: {  	[spmem:s20] =	stream.linear.scatter [tilespmem:s31], [sflag:$0x1], $0x1000, $0x38;
	[tilespmem:$0x1EE20] =	vst v63  }
0x3a: {  	s19 =	rddreg [dreg:$0xe]  }
0x3b: {  	[spmem:s19] =	stream.linear.scatter [tilespmem:s31], [sflag:$0x1], $0x1000, $0x38;
	[tilespmem:$0x1EE20] =	vst v63  }
0x3c: {  	s20 =	rddreg [dreg:$0xf]  }
0x3d: {  	[spmem:s20] =	stream.linear.scatter [tilespmem:s31], [sflag:$0x1], $0x1000, $0x38;
	[tilespmem:$0x1EE20] =	vst v63  }
0x3e: {  	s19 =	rddreg [dreg:$0x10]  }
0x3f: {  	[spmem:s19] =	stream.linear.scatter [tilespmem:s31], [sflag:$0x1], $0x1000, $0x38;
	[tilespmem:$0x1EE20] =	vst v63  }
0x40: {  	s20 =	rddreg [dreg:$0x11]  }
0x41: {  	[spmem:s20] =	stream.linear.scatter [tilespmem:s31], [sflag:$0x1], $0x1000, $0x38;
	[tilespmem:$0x1EE20] =	vst v63  }
0x42: {  	s19 =	rddreg [dreg:$0x12]  }
0x43: {  	[spmem:s19] =	stream.linear.scatter [tilespmem:s31], [sflag:$0x1], $0x1000, $0x38;
	[tilespmem:$0x1EE20] =	vst v63  }
0x44: {  	_ = 	snop  }
0x45: {  	[spmem:s21] =	stream.linear.scatter [tilespmem:s31], [sflag:$0x1], $0x1000, $0x38;
	[tilespmem:$0x1EE20] =	vst v63  }
0x46: {  	_ = 	snop  }
0x47: {  	[spmem:s22] =	stream.linear.scatter [tilespmem:s31], [sflag:$0x1], $0x1000, $0x38;
	[tilespmem:$0x1EE20] =	vst v63  }
0x48: {  	_ = 	snop  }
0x49: {  	[spmem:s23] =	stream.linear.scatter [tilespmem:s31], [sflag:$0x1], $0x1000, $0x38;
	[tilespmem:$0x1EE20] =	vst v63  }
0x4a: {  	_ = 	snop  }
0x4b: {  	[spmem:s24] =	stream.linear.scatter [tilespmem:s31], [sflag:$0x1], $0x1000, $0x38;
	[tilespmem:$0x1EE20] =	vst v63  }
0x4c: {  	_ = 	snop  }
0x4d: {  	[spmem:s26] =	stream.linear.scatter [tilespmem:s31], [sflag:$0x1], $0x1000, $0x38;
	[tilespmem:$0x1EE20] =	vst v63  }
0x4e: {  	_ = 	snop  }
0x4f: {  	[spmem:s28] =	stream.linear.scatter [tilespmem:s31], [sflag:$0x1], $0x1000, $0x38;
	[tilespmem:$0x1EE20] =	vst v63  }
0x50: {  	_ = 	snop  }
0x51: {  	[spmem:s29] =	stream.linear.scatter [tilespmem:s31], [sflag:$0x1], $0x1000, $0x38;
	[tilespmem:$0x1EE20] =	vst v63  }
0x52: {  	_ = 	snop  }
0x53: {  	[spmem:s30] =	stream.linear.scatter [tilespmem:s31], [sflag:$0x1], $0x1000, $0x38;
	[tilespmem:$0x1EE20] =	vst v63  }
0x54: {  	s18 =	simm.s32 $0x0;
	s19 =	rddreg [dreg:$0x4]  }
0x55: {  	[tilespmem:s18], [sflag:$0x9] =	stream.linear.gather [hbm4b:s19+s18], $0x2710, $0x38;
	[tilespmem:$0x1EE20] =	vst v63  }
0x56: {  	_ =	swait.ge [sflag:s2], $0x2710  }
0x57: {  	[sflag:s2] =	ssyncset.done $0x0  }
0x58: {  	s20 =	simm.s32 $0x2710;
	s19 =	rddreg [dreg:$0x5];
	[sflag:s2] =	ssyncadd.s32 $0xFFFFD8F0  }
0x59: {  	[tilespmem:s20], [sflag:$0x9] =	stream.linear.gather [hbm4b:s19+s18], $0x2710, $0x38;
	[tilespmem:$0x1EE20] =	vst v63  }
0x5a: {  	_ =	swait.ge [sflag:s2], $0x2710  }
0x5b: {  	[sflag:s2] =	ssyncset.done $0x0  }
0x5c: {  	[sflag:s2] =	ssyncadd.s32 $0xFFFFD8F0  }
0x5d: {  	[tilespmem:s6], [sflag:$0x2] =	stream.indirect.gather [hbm4b:s1+s0], $0x80, s0, s0, $0xb8;
	[tilespmem:$0x1EE20] =	vst v63  }
0x5e: {  	s20 =	simm.s32 $0x50  }
0x5f: {  	[tilespmem:s7], [sflag:$0x3] =	stream.indirect.gather [hbm4b:s1+s0], $0x80, s20, s0, $0xb8;
	[tilespmem:$0x1EE20] =	vst v63  }
0x60: {  	s20 =	simm.s32 $0x78  }
0x61: {  	[tilespmem:s8], [sflag:$0x4] =	stream.indirect.gather [hbm4b:s1+s0], $0x80, s20, s0, $0xb8;
	[tilespmem:$0x1EE20] =	vst v63  }
0x62: {  	_ =	swait.ge [sflag:s9], $0x1000  }
0x63: {  	[sflag:s9] =	ssyncset.done $0x0  }
0x64: {  	[sflag:s9] =	ssyncadd.s32 $0xFFFFF000  }
0x65: {  	_ =	swait.ge [sflag:s9], $0x1000  }
0x66: {  	[sflag:s9] =	ssyncset.done $0x0  }
0x67: {  	[sflag:s9] =	ssyncadd.s32 $0xFFFFF000  }
0x68: {  	_ =	swait.ge [sflag:s9], $0x1000  }
0x69: {  	[sflag:s9] =	ssyncset.done $0x0  }
0x6a: {  	[sflag:s9] =	ssyncadd.s32 $0xFFFFF000  }
0x6b: {  	_ =	swait.ge [sflag:s9], $0x1000  }
0x6c: {  	[sflag:s9] =	ssyncset.done $0x0  }
0x6d: {  	[sflag:s9] =	ssyncadd.s32 $0xFFFFF000  }
0x6e: {  	_ =	swait.ge [sflag:s9], $0x1000  }
0x6f: {  	[sflag:s9] =	ssyncset.done $0x0  }
0x70: {  	[sflag:s9] =	ssyncadd.s32 $0xFFFFF000  }
0x71: {  	_ =	swait.ge [sflag:s9], $0x1000  }
0x72: {  	[sflag:s9] =	ssyncset.done $0x0  }
0x73: {  	[sflag:s9] =	ssyncadd.s32 $0xFFFFF000  }
0x74: {  	_ =	swait.ge [sflag:s9], $0x1000  }
0x75: {  	[sflag:s9] =	ssyncset.done $0x0  }
0x76: {  	[sflag:s9] =	ssyncadd.s32 $0xFFFFF000  }
0x77: {  	_ =	swait.ge [sflag:s9], $0x1000  }
0x78: {  	[sflag:s9] =	ssyncset.done $0x0  }
0x79: {  	[sflag:s9] =	ssyncadd.s32 $0xFFFFF000  }
0x7a: {  	_ =	swait.ge [sflag:s9], $0x1000  }
0x7b: {  	[sflag:s9] =	ssyncset.done $0x0  }
0x7c: {  	[sflag:s9] =	ssyncadd.s32 $0xFFFFF000  }
0x7d: {  	_ =	swait.ge [sflag:s9], $0x1000  }
0x7e: {  	[sflag:s9] =	ssyncset.done $0x0  }
0x7f: {  	[sflag:s9] =	ssyncadd.s32 $0xFFFFF000  }
0x80: {  	_ =	swait.ge [sflag:s9], $0x1000  }
0x81: {  	[sflag:s9] =	ssyncset.done $0x0  }
0x82: {  	[sflag:s9] =	ssyncadd.s32 $0xFFFFF000  }
0x83: {  	_ =	swait.ge [sflag:s9], $0x1000  }
0x84: {  	[sflag:s9] =	ssyncset.done $0x0  }
0x85: {  	[sflag:s9] =	ssyncadd.s32 $0xFFFFF000  }
0x86: {  	_ =	swait.ge [sflag:s9], $0x1000  }
0x87: {  	[sflag:s9] =	ssyncset.done $0x0  }
0x88: {  	[sflag:s9] =	ssyncadd.s32 $0xFFFFF000  }
0x89: {  	_ =	swait.ge [sflag:s9], $0x1000  }
0x8a: {  	[sflag:s9] =	ssyncset.done $0x0  }
0x8b: {  	[sflag:s9] =	ssyncadd.s32 $0xFFFFF000  }
0x8c: {  	_ =	swait.ge [sflag:s9], $0x1000  }
0x8d: {  	[sflag:s9] =	ssyncset.done $0x0  }
0x8e: {  	[sflag:s9] =	ssyncadd.s32 $0xFFFFF000  }
0x8f: {  	_ =	swait.ge [sflag:s9], $0x1000  }
0x90: {  	[sflag:s9] =	ssyncset.done $0x0  }
0x91: {  	[sflag:s9] =	ssyncadd.s32 $0xFFFFF000  }
0x92: {  	_ =	swait.ge [sflag:s9], $0x1000  }
0x93: {  	[sflag:s9] =	ssyncset.done $0x0  }
0x94: {  	[sflag:s9] =	ssyncadd.s32 $0xFFFFF000  }
0x95: {  	_ =	swait.ge [sflag:s9], $0x1000  }
0x96: {  	[sflag:s9] =	ssyncset.done $0x0  }
0x97: {  	[sflag:s9] =	ssyncadd.s32 $0xFFFFF000  }
0x98: {  	_ =	swait.ge [sflag:s9], $0x1000  }
0x99: {  	[sflag:s9] =	ssyncset.done $0x0  }
0x9a: {  	[sflag:s9] =	ssyncadd.s32 $0xFFFFF000  }
0x9b: {  	_ =	swait.ge [sflag:s9], $0x1000  }
0x9c: {  	[sflag:s9] =	ssyncset.done $0x0  }
0x9d: {  	[sflag:s9] =	ssyncadd.s32 $0xFFFFF000  }
0x9e: {  	[tilespmem:s10], [sflag:$0x1] =	stream.indirect.gather [hbm4b:s1+s0], $0x80, s18, s0, $0xb8;
	[tilespmem:$0x1EE20] =	vst v63  }
0x9f: {  	[bflag:$0x0] =	sbarrier.arrive $0xFFFF  }
0xa0: {  	_ =	swait.ge [sflag:s9], $0x1400  }
0xa1: {  	[sflag:s9] =	ssyncset.done $0x0  }
0xa2: {  	s20 =	simm.s32 $0x2710;
	[sflag:s9] =	ssyncadd.s32 $0xFFFFEC00  }
0xa3: {  	[spmem:s3] =	stream.indirect.scatter.add.f32 [tilespmem:s10], [sflag:$0x5], $0x80, s20, s0, $0xb8;
	[tilespmem:$0x1EE20] =	vst v63  }
0xa4: {  	_ =	swait.ge [sflag:s11], $0x1400  }
0xa5: {  	[sflag:s11] =	ssyncset.done $0x0  }
0xa6: {  	s19 =	simm.s32 $0x2738;
	[sflag:s11] =	ssyncadd.s32 $0xFFFFEC00  }
0xa7: {  	[spmem:s3] =	stream.indirect.scatter.add.f32 [tilespmem:s6], [sflag:$0x6], $0x80, s19, s0, $0xb8;
	[tilespmem:$0x1EE20] =	vst v63  }
0xa8: {  	_ =	swait.ge [sflag:s12], $0x1400  }
0xa9: {  	[sflag:s12] =	ssyncset.done $0x0  }
0xaa: {  	s20 =	simm.s32 $0x2760;
	[sflag:s12] =	ssyncadd.s32 $0xFFFFEC00  }
0xab: {  	[spmem:s3] =	stream.indirect.scatter.add.f32 [tilespmem:s7], [sflag:$0x7], $0x80, s20, s0, $0xb8;
	[tilespmem:$0x1EE20] =	vst v63  }
0xac: {  	_ =	swait.ge [sflag:s13], $0x1400  }
0xad: {  	[sflag:s13] =	ssyncset.done $0x0  }
0xae: {  	s19 =	simm.s32 $0x2788;
	[sflag:s13] =	ssyncadd.s32 $0xFFFFEC00  }
0xaf: {  	[spmem:s3] =	stream.indirect.scatter.add.f32 [tilespmem:s8], [sflag:$0x8], $0x80, s19, s0, $0xb8;
	[tilespmem:$0x1EE20] =	vst v63  }
0xb0: {  	_ =	swait.ge [sflag:s14], $0x1400  }
0xb1: {  	[sflag:s14] =	ssyncset.done $0x0  }
0xb2: {  	s20 =	simm.s32 $0xA0;
	[sflag:s14] =	ssyncadd.s32 $0xFFFFEC00  }
0xb3: {  	[tilespmem:s10], [sflag:$0x1] =	stream.indirect.gather [hbm4b:s1+s0], $0x80, s20, s0, $0xb8;
	[tilespmem:$0x1EE20] =	vst v63  }
0xb4: {  	_ =	swait.ge [sflag:s15], $0x1400  }
0xb5: {  	[sflag:s15] =	ssyncset.done $0x0  }
0xb6: {  	s19 =	simm.s32 $0xC8;
	[sflag:s15] =	ssyncadd.s32 $0xFFFFEC00  }
0xb7: {  	[tilespmem:s6], [sflag:$0x2] =	stream.indirect.gather [hbm4b:s1+s0], $0x80, s19, s0, $0xb8;
	[tilespmem:$0x1EE20] =	vst v63  }
0xb8: {  	_ =	swait.ge [sflag:s16], $0x1400  }
0xb9: {  	[sflag:s16] =	ssyncset.done $0x0  }
0xba: {  	s20 =	simm.s32 $0xF0;
	[sflag:s16] =	ssyncadd.s32 $0xFFFFEC00  }
0xbb: {  	[tilespmem:s7], [sflag:$0x3] =	stream.indirect.gather [hbm4b:s1+s0], $0x80, s20, s0, $0xb8;
	[tilespmem:$0x1EE20] =	vst v63  }
0xbc: {  	_ =	swait.ge [sflag:s17], $0x1400  }
0xbd: {  	[sflag:s17] =	ssyncset.done $0x0  }
0xbe: {  	s18 =	simm.s32 $0x280;
	s19 =	simm.s32 $0x118;
	[sflag:s17] =	ssyncadd.s32 $0xFFFFEC00  }
.LBB2_4:
0xbf: {  	[tilespmem:s8], [sflag:$0x4] =	stream.indirect.gather [hbm4b:s1+s0], $0x80, s19, s0, $0xb8;
	[tilespmem:$0x1EE20] =	vst v63  }
0xc0: {  	s19 =	smov.u32 s18  }
0xc1: {  	p0 =	sne.s32 s18, $0x9600;
	s18 =	sadd.s32 $0x280, s18;
	_ =	swait.ge [sflag:s9], $0x1400  }
0xc2: {  	s19 =	sshra.s32 s19, $0x2;
	[sflag:s9] =	ssyncset.done $0x0  }
0xc3: {  	s20 =	sadd.s32 $0x2710, s19;
	[sflag:s9] =	ssyncadd.s32 $0xFFFFEC00  }
0xc4: {  	[spmem:s3] =	stream.indirect.scatter.add.f32 [tilespmem:s10], [sflag:$0x5], $0x80, s20, s0, $0xb8;
	[tilespmem:$0x1EE20] =	vst v63  }
0xc5: {  	_ =	swait.ge [sflag:s11], $0x1400  }
0xc6: {  	[sflag:s11] =	ssyncset.done $0x0  }
0xc7: {  	s20 =	sadd.s32 $0x2738, s19;
	[sflag:s11] =	ssyncadd.s32 $0xFFFFEC00  }
0xc8: {  	[spmem:s3] =	stream.indirect.scatter.add.f32 [tilespmem:s6], [sflag:$0x6], $0x80, s20, s0, $0xb8;
	[tilespmem:$0x1EE20] =	vst v63  }
0xc9: {  	_ =	swait.ge [sflag:s12], $0x1400  }
0xca: {  	[sflag:s12] =	ssyncset.done $0x0  }
0xcb: {  	s20 =	sadd.s32 $0x2760, s19;
	[sflag:s12] =	ssyncadd.s32 $0xFFFFEC00  }
0xcc: {  	[spmem:s3] =	stream.indirect.scatter.add.f32 [tilespmem:s7], [sflag:$0x7], $0x80, s20, s0, $0xb8;
	[tilespmem:$0x1EE20] =	vst v63  }
0xcd: {  	_ =	swait.ge [sflag:s13], $0x1400  }
0xce: {  	[sflag:s13] =	ssyncset.done $0x0  }
0xcf: {  	s20 =	sadd.s32 $0x2788, s19;
	[sflag:s13] =	ssyncadd.s32 $0xFFFFEC00  }
0xd0: {  	[spmem:s3] =	stream.indirect.scatter.add.f32 [tilespmem:s8], [sflag:$0x8], $0x80, s20, s0, $0xb8;
	[tilespmem:$0x1EE20] =	vst v63  }
0xd1: {  	_ =	swait.ge [sflag:s14], $0x1400  }
0xd2: {  	[sflag:s14] =	ssyncset.done $0x0  }
0xd3: {  	s20 =	sadd.s32 $0xA0, s19;
	[sflag:s14] =	ssyncadd.s32 $0xFFFFEC00  }
0xd4: {  	[tilespmem:s10], [sflag:$0x1] =	stream.indirect.gather [hbm4b:s1+s0], $0x80, s20, s0, $0xb8;
	[tilespmem:$0x1EE20] =	vst v63  }
0xd5: {  	_ =	swait.ge [sflag:s15], $0x1400  }
0xd6: {  	[sflag:s15] =	ssyncset.done $0x0  }
0xd7: {  	s20 =	sadd.s32 $0xC8, s19;
	[sflag:s15] =	ssyncadd.s32 $0xFFFFEC00  }
0xd8: {  	[tilespmem:s6], [sflag:$0x2] =	stream.indirect.gather [hbm4b:s1+s0], $0x80, s20, s0, $0xb8;
	[tilespmem:$0x1EE20] =	vst v63  }
0xd9: {  	_ =	swait.ge [sflag:s16], $0x1400  }
0xda: {  	[sflag:s16] =	ssyncset.done $0x0  }
.Ltmp1:
0xdb: {  	s20 =	sadd.s32 $0xF0, s19;
	[sflag:s16] =	ssyncadd.s32 $0xFFFFEC00;
	(pc) =	sbr.rel @p0 .LBB2_4-.Ltmp1, $4  }
0xdc: {  	[tilespmem:s7], [sflag:$0x3] =	stream.indirect.gather [hbm4b:s1+s0], $0x80, s20, s0, $0xb8;
	[tilespmem:$0x1EE20] =	vst v63  }
0xdd: {  	_ =	swait.ge [sflag:s17], $0x1400  }
0xde: {  	[sflag:s17] =	ssyncset.done $0x0  }
0xdf: {  	s19 =	sadd.s32 $0x118, s19;
	[sflag:s17] =	ssyncadd.s32 $0xFFFFEC00  }
0xe0: {  	[tilespmem:s8], [sflag:$0x4] =	stream.indirect.gather [hbm4b:s1+s0], $0x80, s19, s0, $0xb8;
	[tilespmem:$0x1EE20] =	vst v63  }
0xe1: {  	_ =	swait.ge [sflag:s9], $0x1400  }
0xe2: {  	[sflag:s9] =	ssyncset.done $0x0  }
0xe3: {  	s18 =	simm.s32 $0x4D30;
	[sflag:s9] =	ssyncadd.s32 $0xFFFFEC00  }
0xe4: {  	[spmem:s3] =	stream.indirect.scatter.add.f32 [tilespmem:s10], [sflag:$0x5], $0x80, s18, s0, $0xb8;
	[tilespmem:$0x1EE20] =	vst v63  }
0xe5: {  	_ =	swait.ge [sflag:s11], $0x1400  }
0xe6: {  	[sflag:s11] =	ssyncset.done $0x0  }
0xe7: {  	s20 =	simm.s32 $0x4D58;
	[sflag:s11] =	ssyncadd.s32 $0xFFFFEC00  }
0xe8: {  	[spmem:s3] =	stream.indirect.scatter.add.f32 [tilespmem:s6], [sflag:$0x6], $0x80, s20, s0, $0xb8;
	[tilespmem:$0x1EE20] =	vst v63  }
0xe9: {  	_ =	swait.ge [sflag:s12], $0x1400  }
0xea: {  	[sflag:s12] =	ssyncset.done $0x0  }
0xeb: {  	s19 =	simm.s32 $0x4D80;
	[sflag:s12] =	ssyncadd.s32 $0xFFFFEC00  }
0xec: {  	[spmem:s3] =	stream.indirect.scatter.add.f32 [tilespmem:s7], [sflag:$0x7], $0x80, s19, s0, $0xb8;
	[tilespmem:$0x1EE20] =	vst v63  }
0xed: {  	_ =	swait.ge [sflag:s13], $0x1400  }
0xee: {  	[sflag:s13] =	ssyncset.done $0x0  }
0xef: {  	s20 =	simm.s32 $0x4DA8;
	[sflag:s13] =	ssyncadd.s32 $0xFFFFEC00  }
0xf0: {  	[spmem:s3] =	stream.indirect.scatter.add.f32 [tilespmem:s8], [sflag:$0x8], $0x80, s20, s0, $0xb8;
	[tilespmem:$0x1EE20] =	vst v63  }
0xf1: {  	_ =	swait.ge [sflag:s14], $0x1400  }
0xf2: {  	[sflag:s14] =	ssyncset.done $0x0  }
0xf3: {  	s19 =	simm.s32 $0x26C0;
	[sflag:s14] =	ssyncadd.s32 $0xFFFFEC00  }
0xf4: {  	[tilespmem:s10], [sflag:$0x1] =	stream.indirect.gather [hbm4b:s1+s0], $0x80, s19, s0, $0xb8;
	[tilespmem:$0x1EE20] =	vst v63  }
0xf5: {  	_ =	swait.ge [sflag:s15], $0x1400  }
0xf6: {  	[sflag:s15] =	ssyncset.done $0x0  }
0xf7: {  	s20 =	simm.s32 $0x26E8;
	[sflag:s15] =	ssyncadd.s32 $0xFFFFEC00  }
0xf8: {  	[tilespmem:s6], [sflag:$0x2] =	stream.indirect.gather [hbm4b:s1+s0], $0x80, s20, s0, $0xb8;
	[tilespmem:$0x1EE20] =	vst v63  }
0xf9: {  	_ =	swait.ge [sflag:s9], $0x1400  }
0xfa: {  	[sflag:s9] =	ssyncset.done $0x0  }
0xfb: {  	s19 =	simm.s32 $0x4DD0;
	[sflag:s9] =	ssyncadd.s32 $0xFFFFEC00  }
0xfc: {  	[spmem:s3] =	stream.indirect.scatter.add.f32 [tilespmem:s10], [sflag:$0x5], $0x80, s19, s0, $0xb8;
	[tilespmem:$0x1EE20] =	vst v63  }
0xfd: {  	_ =	swait.ge [sflag:s11], $0x1400  }
0xfe: {  	[sflag:s11] =	ssyncset.done $0x0  }
0xff: {  	s20 =	simm.s32 $0x4DF8;
	[sflag:s11] =	ssyncadd.s32 $0xFFFFEC00  }
0x100: {  	[spmem:s3] =	stream.indirect.scatter.add.f32 [tilespmem:s6], [sflag:$0x6], $0x80, s20, s0, $0xb8;
	[tilespmem:$0x1EE20] =	vst v63  }
0x101: {  	_ =	swait.ge [sflag:s16], $0x1400  }
0x102: {  	[sflag:s16] =	ssyncset.done $0x0  }
0x103: {  	[sflag:s16] =	ssyncadd.s32 $0xFFFFEC00  }
0x104: {  	_ =	swait.ge [sflag:s17], $0x1400  }
0x105: {  	[sflag:s17] =	ssyncset.done $0x0  }
0x106: {  	[sflag:s17] =	ssyncadd.s32 $0xFFFFEC00  }
0x107: {  	_ =	swait.ge [sflag:s14], $0x1400  }
0x108: {  	[sflag:s14] =	ssyncset.done $0x0  }
0x109: {  	[sflag:s14] =	ssyncadd.s32 $0xFFFFEC00  }
0x10a: {  	_ =	swait.ge [sflag:s15], $0x1400  }
0x10b: {  	[sflag:s15] =	ssyncset.done $0x0  }
0x10c: {  	s19 =	stileid.u32;
	[sflag:s15] =	ssyncadd.s32 $0xFFFFEC00  }
0x10d: {  	s18 =	sshll.u32 s19, $0x6;
	[bflag:$0x0] =	sbarrier.arrive $0xFFFF  }
0x10e: {  	s18 =	sor.u32 $0x1C09, s18;
	s20 =	rddreg [dreg:$0x6]  }
0x10f: {  	[hbm:s20], [sflag:s18] =	dma.local [spmem:s25], $0x2800  }
0x110: {  	_ =	swait.ge [sflag:s2], $0x2800  }
0x111: {  	s4 =	sadd.s32 $0x1, s4;
	s20 =	rddreg [dreg:$0x7]  }
0x112: {  	p0 =	sne.s32 s4, s20  }
.Ltmp2:
0x113: {  	_ = 	snop;
	(pc) =	sbr.rel @p0 .LBB2_1-.Ltmp2, $3  }
0x114: {  	_ =	sdelay $0x1  }
0x115: {  	[sflag:s2] =	ssyncset.done $0x0  }
0x116: {  	[sflag:s2] =	ssyncadd.s32 $0xFFFFD800  }
0x117: {  	_ =	sfence.sel $0x180000  }
0x118: {  	[bflag:$0x0] =	sbarrier.arrive $0xFFFF  }
0x119: {  	_ =	strace $0x9000004A  }
0x11a: {  	s0 =	stileid.u32;
	[bflag:$0x2] =	sbarrier.arrive $0xFFFF  }
0x11b: {  	p0 =	sne.s32 s0, $0x0;
	s0 =	rddreg [dreg:$0x3]  }
0x11c: {  	s0 =	sadd.s32 @!p0 $0x100000, s0  }
0x11d: {  	[sflag:s0] =	ssyncadd.tile.s32 @!p0 $0x1;
	_ =	shalt  }
.Lfunc_end2:
_tile_overlayer_lowered:
.L_overlay_start_2:
0x11e: {  	(tag) =	ssettag $0x2  }
0x11f: {  	s0 =	rddreg [dreg:$0x0];
	s2 =	stileid.u32  }
0x120: {  	s1 =	rddreg [dreg:$0x1];
	p0 =	sne.s32 s2, $0x0  }
0x121: {  	s3 =	rddreg [dreg:$0x2];
	[bflag:$0x3] =	sbarrier.arrive $0xFFFF;
	s2 =	simm.s32 @!p0 $0x1C09  }
0x122: {  	[timem:s3], [sflag:s2] =	dma.local @!p0 [hbm:s0], s1  }
0x123: {  	s0 =	simm.s32 @!p0 $0x9  }
0x124: {  	_ =	swait.ge @!p0 [sflag:s0], s1  }
0x125: {  	s1 =	ssub.s32 @!p0 $0x0, s1;
	[sflag:s0] =	ssyncset.done @!p0 $0x0  }
0x126: {  	[sflag:s0] =	ssyncadd.s32 @!p0 s1  }
0x127: {  	[bflag:$0x3] =	sbarrier.arrive $0xFFFF  }
0x128: {  	_ =	shalt  }

// kernel: kernel.15.cloned.1.call-start
scs
__scs_entry_jumppad:
0x0: {  	(pc) =	sbr.rel $0x88, $3  }
0x1: {  	(tag) =	ssettag $0x0;
	lr =	simm.s32 $0x1  }
0x2: {  	[smem:$0x3F9B] =	sst lr;
	_ =	strace $0xD0000000  }
0x3: {  	_ = 	snop  }
0x4: {  	_ = 	snop  }
0x5: {  	_ = 	snop  }
0x6: {  	_ = 	snop  }
0x7: {  	_ = 	snop  }
__scs_overlays_trampoline_lowered:
0x8: {  	[smem:$0x3FAA] =	sst s0  }
0x9: {  	[smem:$0x3FAB] =	sst s1  }
0xa: {  	[smem:$0x3FAC] =	sst s2  }
0xb: {  	[smem:$0x3FAD] =	sst s3  }
0xc: {  	[smem:$0x3FAE] =	sst s4  }
0xd: {  	[smem:$0x3FAF] =	sst s5  }
0xe: {  	[smem:$0x3FB0] =	sst s6  }
0xf: {  	[smem:$0x3FB1] =	sst s7  }
0x10: {  	[smem:$0x3FB2] =	sst s8  }
0x11: {  	[smem:$0x3FB3] =	sst s9;
	s0 =	simm.s32 @!p0 $0x0  }
0x12: {  	s1 =	sld [smem:$0x3F99];
	s0 =	simm.s32 @p0 $0x1  }
0x13: {  	[smem:$0x3FB4] =	sst s0;
	s0 =	simm.s32 @!p1 $0x0  }
0x14: {  	s2 =	sld [smem:$0x3F98];
	s0 =	simm.s32 @p1 $0x1  }
0x15: {  	[smem:$0x3FB5] =	sst s0;
	s0 =	simm.s32 @!p2 $0x0  }
0x16: {  	s3 =	sld [smem:$0x3FDB];
	s0 =	simm.s32 @p2 $0x1  }
0x17: {  	s4 =	simm.s32 $0x1BF5;
	[smem:$0x3FB7] =	sst s0  }
0x18: {  	s0 =	sld [smem:$0x3F9A];
	_ =	swait.ge [sflag:s4], $0x0  }
0x19: {  	s7 =	sld [smem:$0x3F9B]  }
0x1a: {  	s8 =	sadd.s32 $0xFFFFE003, lr  }
0x1b: {  	s9 =	sadd.s32 $0xFFFFFEF7, lr;
	s5 =	simm.s32 $0xFFFFFFFF;
	p2 =	slt.u32 s8, $0xFFFFF086  }
0x1c: {  	p1 =	slt.u32 s9, $0xF7A;
	s5 =	simm.s32 @!p2 $0x0  }
0x1d: {  	s5 =	simm.s32 @p1 $0x1;
	p0 =	seq.s32 s7, s2  }
0x1e: {  	s7 =	smul.u32 @!p0 $0xF7A, s2;
	p2 =	seq.s32 @!p0 s5, $0x0  }
0x1f: {  	s9 =	smul.u32 $0xF7A, s1;
	s8 =	simm.s32 @!p0 $0x1BF5;
	p2 =	por !p2, p0  }
0x20: {  	[sflag:s8] =	ssyncset.s32 @!p0 $0xFFFFF086;
	s6 =	sadd.s32 @!p0 s3, s7;
	s7 =	simm.s32 @!p0 $0x108  }
0x21: {  	s3 =	sadd.s32 s3, s9;
	s6 =	sadd.s32 @!p0 $0x88, s6;
	s7 =	simm.s32 @p2 $0x1082  }
0x22: {  	[simem:s7], [sflag:s8] =	dma.local @!p0 [hbm:s6], $0xF7A  }
0x23: {  	s9 =	sor.u32 $0xD0000000, s2;
	s6 =	simm.s32 $0x108;
	_ =	swait.ge @!p0 [sflag:s8], $0x0  }
0x24: {  	s3 =	sadd.s32 $0x88, s3;
	s6 =	simm.s32 @!p1 $0x1082;
	[sflag:s4] =	ssyncset.s32 $0xFFFFF086  }
0x25: {  	[simem:s6], [sflag:s4] =	dma.local [hbm:s3], $0xF7A  }
0x26: {  	[smem:$0x3F9B] =	sst s1;
	(tag) =	ssettag s2;
	_ =	strace s9  }
0x27: {  	s1 =	sld [smem:$0x3FAB]  }
0x28: {  	s2 =	sld [smem:$0x3FAC]  }
0x29: {  	s4 =	sld [smem:$0x3FAE]  }
0x2a: {  	p0 =	seq.s32 s5, $0x0;
	s5 =	sld [smem:$0x3FAF]  }
0x2b: {  	s6 =	sld [smem:$0x3FB0]  }
0x2c: {  	s7 =	sld [smem:$0x3FB1]  }
0x2d: {  	s3 =	simm.s32 $0x108;
	s8 =	sld [smem:$0x3FB2]  }
0x2e: {  	s3 =	simm.s32 @!p0 $0x1082;
	s9 =	sld [smem:$0x3FB3]  }
0x2f: {  	lr =	sadd.s32 s0, s3;
	s0 =	sld [smem:$0x3FAA]  }
0x30: {  	s3 =	sld [smem:$0x3FAD]  }
0x31: {  	[smem:$0x3FB6] =	sst s10  }
0x32: {  	s10 =	sld [smem:$0x3FB4];
	_ =	sdelay $0x3  }
0x33: {  	p0 =	seq.s32 s10, $0x1;
	s10 =	sld [smem:$0x3FB6];
	_ =	sdelay $0x3  }
0x34: {  	[smem:$0x3FB6] =	sst s10  }
0x35: {  	s10 =	sld [smem:$0x3FB5];
	_ =	sdelay $0x3  }
0x36: {  	p1 =	seq.s32 s10, $0x1;
	s10 =	sld [smem:$0x3FB6];
	_ =	sdelay $0x3  }
0x37: {  	[smem:$0x3FB6] =	sst s10  }
0x38: {  	s10 =	sld [smem:$0x3FB7]  }
0x39: {  	_ = 	snop;
	(pc) =	sbr.ind lr, $3  }
0x3a: {  	_ = 	snop  }
0x3b: {  	_ = 	snop  }
0x3c: {  	p2 =	seq.s32 s10, $0x1;
	s10 =	sld [smem:$0x3FB6]  }
0x3d: {  	_ =	shalt  }
0x3e: {  	_ =	shalt  }
0x3f: {  	_ =	shalt  }
0x40: {  	_ =	shalt  }
0x41: {  	_ =	shalt  }
0x42: {  	_ =	shalt  }
0x43: {  	_ =	shalt  }
0x44: {  	_ =	shalt  }
0x45: {  	_ =	shalt  }
0x46: {  	_ =	shalt  }
0x47: {  	_ =	shalt  }
0x48: {  	_ =	shalt  }
0x49: {  	_ =	shalt  }
0x4a: {  	_ =	shalt  }
0x4b: {  	_ =	shalt  }
0x4c: {  	_ =	shalt  }
0x4d: {  	_ =	shalt  }
0x4e: {  	_ =	shalt  }
0x4f: {  	_ =	shalt  }
0x50: {  	_ =	shalt  }
0x51: {  	_ =	shalt  }
0x52: {  	_ =	shalt  }
0x53: {  	_ =	shalt  }
0x54: {  	_ =	shalt  }
0x55: {  	_ =	shalt  }
0x56: {  	_ =	shalt  }
0x57: {  	_ =	shalt  }
0x58: {  	_ =	shalt  }
0x59: {  	_ =	shalt  }
0x5a: {  	_ =	shalt  }
0x5b: {  	_ =	shalt  }
0x5c: {  	_ =	shalt  }
0x5d: {  	_ =	shalt  }
0x5e: {  	_ =	shalt  }
0x5f: {  	_ =	shalt  }
0x60: {  	_ =	shalt  }
0x61: {  	_ =	shalt  }
0x62: {  	_ =	shalt  }
0x63: {  	_ =	shalt  }
0x64: {  	_ =	shalt  }
0x65: {  	_ =	shalt  }
0x66: {  	_ =	shalt  }
0x67: {  	_ =	shalt  }
0x68: {  	_ =	shalt  }
0x69: {  	_ =	shalt  }
0x6a: {  	_ =	shalt  }
0x6b: {  	_ =	shalt  }
0x6c: {  	_ =	shalt  }
0x6d: {  	_ =	shalt  }
0x6e: {  	_ =	shalt  }
0x6f: {  	_ =	shalt  }
0x70: {  	_ =	shalt  }
0x71: {  	_ =	shalt  }
0x72: {  	_ =	shalt  }
0x73: {  	_ =	shalt  }
0x74: {  	_ =	shalt  }
0x75: {  	_ =	shalt  }
0x76: {  	_ =	shalt  }
0x77: {  	_ =	shalt  }
0x78: {  	_ =	shalt  }
0x79: {  	_ =	shalt  }
0x7a: {  	_ =	shalt  }
0x7b: {  	_ =	shalt  }
0x7c: {  	_ =	shalt  }
0x7d: {  	_ =	shalt  }
0x7e: {  	_ =	shalt  }
0x7f: {  	_ =	shalt  }
0x80: {  	_ =	shalt  }
0x81: {  	_ =	shalt  }
0x82: {  	_ =	shalt  }
0x83: {  	_ =	shalt  }
0x84: {  	_ =	shalt  }
0x85: {  	_ =	shalt  }
0x86: {  	_ =	shalt  }
0x87: {  	_ =	shalt  }
.Lfunc_end0:
.L_simem_size_0:
called_computation.2_lowered:
.L_overlay_start_0:
0x88: {  	s2 =	sld [smem:$0x3FD9]  }
0x89: {  	s3 =	sld [smem:$0x3FFE];
	_ =	sdelay $0x1  }
0x8a: {  	s1 =	srdreg.scid  }
0x8b: {  	s0 =	sand.u32 $0x1, s1  }
0x8c: {  	s17 =	sshll.u32 s0, $0xA;
	s2 =	sadd.s32 s3, s2  }
0x8d: {  	s2 =	sadd.s32 s2, s17  }
0x8e: {  	[smem:$0x3FC2] =	sst s2  }
0x8f: {  	_ = 	snop  }
0x90: {  	s2 =	sld [smem:$0x3FD0];
	(tm) =	ssettm $0x1  }
0x91: {  	s18 =	sld [smem:$0x3FFB];
	_ =	sdelay $0x3  }
0x92: {  	_ =	strace s18  }
0x93: {  	s3 =	sld [smem:$0x3FFC];
	_ =	sdelay $0x3  }
0x94: {  	_ =	strace s3  }
0x95: {  	s3 =	sld [smem:$0x3FFD];
	_ =	sdelay $0x3  }
0x96: {  	_ =	strace s3  }
0x97: {  	_ =	strace $0x8FFFFFFF  }
0x98: {  	s19 =	sld [smem:$0x3FDB];
	_ =	sdelay $0x1  }
0x99: {  	s4 =	simm.s32 $_scs_section_size  }
0x9a: {  	s5 =	simm.s32 $_size__tile_overlayer_lowered;
	s6 =	simm.s32 $_tile_overlayer_lowered  }
0x9b: {  	s22 =	simm.s32 $0x1BFF;
	s21 =	sshll.u32 s6, $0x1;
	s3 =	sadd.s32 s4, s19  }
0x9c: {  	s7 =	simm.s32 $0x0;
	s20 =	sshll.u32 s5, $0x1;
	s5 =	sadd.s32 s21, s3  }
0x9d: {  	[timem:s7], [sflag:s22] =	dma.local [hbm:s5], s20  }
0x9e: {  	_ =	swait.ge [sflag:s22], s20  }
0x9f: {  	s4 =	ssub.s32 $0x0, s20;
	[sflag:s22] =	ssyncset.done $0x0  }
0xa0: {  	[sflag:s22] =	ssyncadd.s32 s4;
	_ =	sdelay $0x1  }
0xa1: {  	s23 =	simm.s32 $0x1B8B  }
0xa2: {  	_ =	swait.ge [sflag:s23], $0x1  }
0xa3: {  	[sflag:s23] =	ssyncset.done $0x0  }
0xa4: {  	s25 =	simm.s32 $0x1B8E;
	s24 =	sld [smem:$0x3FFE];
	[sflag:s23] =	ssyncadd.s32 $0xFFFFFFFF  }
0xa5: {  	s26 =	simm.s32 $execute0_lowered;
	[smem:$0x3FD2] =	sst s25  }
0xa6: {  	s5 =	sshll.u32 s26, $0x1;
	_ =	strace $0x8000004C;
	[dreg:$0x1] =	wrdreg $0xFFFFFFFF  }
0xa7: {  	s28 =	simm.s32 $_size_execute0_lowered;
	s3 =	sadd.s32 s3, s5;
	[dreg:$0x0] =	wrdreg $0x0  }
0xa8: {  	s5 =	sshll.u32 s28, $0x1;
	[dreg:$0x2] =	wrdreg s3  }
0xa9: {  	[dreg:$0x3] =	wrdreg s5  }
0xaa: {  	[dreg:$0x4] =	wrdreg $0xC0  }
0xab: {  	_ =	task [dreg:s7], $0x5FFFF  }
0xac: {  	[dreg:$0x1] =	wrdreg $0xFFFFFFFF  }
0xad: {  	[dreg:$0x0] =	wrdreg $0x60  }
0xae: {  	[dreg:$0x2] =	wrdreg s2  }
0xaf: {  	[dreg:$0x3] =	wrdreg s24  }
0xb0: {  	[dreg:$0x4] =	wrdreg $0xAE200  }
0xb1: {  	[dreg:$0x5] =	wrdreg $0x9  }
0xb2: {  	_ =	task.clear_ibuf [dreg:s7], $0x6FFFF;
	_ =	strace $0x9000004C  }
0xb3: {  	s29 =	simm.s32 $0x9;
	_ =	strace $0x8000004E  }
0xb4: {  	_ =	swait.ge [sflag:s29], $0x1  }
0xb5: {  	[sflag:s29] =	ssyncadd.s32 $0xFFFFFFFF  }
0xb6: {  	_ =	strace $0x9000004E  }
0xb7: {  	_ =	sfence  }
0xb8: {  	s30 =	sld [smem:$0x0];
	_ =	sdelay $0x2  }
0xb9: {  	s31 =	sshll.u32 s1, $0xD;
	s1 =	sshrl.u32 s1, $0x2  }
0xba: {  	s3 =	sand.u32 $0x4000, s31;
	s1 =	sadd.s32 s1, s30  }
0xbb: {  	s0 =	sor.u32 s3, s0;
	s1 =	sshll.u32 s1, $0x11  }
0xbc: {  	s0 =	sor.u32 s1, s0  }
0xbd: {  	s0 =	sadd.s32 $0x8F2B, s0  }
0xbe: {  	[sflag:s0] =	ssyncadd.remote.s32 $0x1  }
0xbf: {  	_ =	sfence.sel $0xFFFF  }
0xc0: {  	[dreg:$0x0] =	wrdreg $0xFFFFFFFF;
	(pc) =	sbr.abs _section_cstart, $3  }
0xc1: {  	[dreg:$0x1] =	wrdreg $0xFFFFFFFF  }
0xc2: {  	_ =	task.clear_ibuf [dreg:s7], $0x2FFFF;
	_ =	strace $0x9FFFFFFF  }
0xc3: {  	(tm) =	ssettm $0x7FFFFFFF  }
tec
execute0_lowered:
.L_overlay_start_1:
0x0: {  	(tag) =	ssettag $0x1  }
0x1: {  	s0 =	srdreg.scid;
	s1 =	rddreg [dreg:$0x0]  }
0x2: {  	s8 =	stileid.u32;
	s5 =	rddreg [dreg:$0x1]  }
0x3: {  	s3 =	rddreg [dreg:$0x2];
	s4 =	simm.s32 $0x0;
	s0 =	sand.u32 $0x1, s0  }
0x4: {  	[smem:$0x7FF] =	sst s4;
	s7 =	smul.u32 $0x14000, s8;
	s2 =	sshll.u32 s0, $0x4  }
0x5: {  	s6 =	smul.u32 $0x140000, s0;
	s0 =	ssub.s32 $0x2, s0;
	s2 =	sor.u32 s8, s2  }
0x6: {  	_ =	strace $0x8000004D;
	s9 =	sshrl.u32 s0, $0x1;
	s2 =	smul.u32 $0x4E2, s2  }
0x7: {  	s8 =	smul.u32 $0x50000, s8;
	s6 =	sadd.s32 s7, s6;
	s0 =	ssub.s32 s0, s9  }
0x8: {  	s6 =	sshrl.u32 s6, $0x3;
	s0 =	smax.u32 s0, $0x1;
	s2 =	sadd.s32 s2, s5  }
0x9: {  	s8 =	sshrl.u32 s8, $0x2;
	[dreg:$0x7] =	wrdreg s0;
	s13 =	sadd.s32 $0x1800, s2  }
0xa: {  	s6 =	sadd.s32 s6, s5;
	s2 =	sadd.s32 $0xB600, s2;
	[dreg:$0x4] =	wrdreg s13  }
0xb: {  	s5 =	sadd.s32 s8, s3;
	s14 =	sadd.s32 $0x15400, s6;
	[dreg:$0x5] =	wrdreg s2  }
0xc: {  	s31 =	simm.s32 $0x9E20;
	s16 =	sadd.s32 $0x1000, s5;
	[dreg:$0x6] =	wrdreg s14  }
0xd: {  	s10 =	simm.s32 $0x4E20;
	s17 =	sadd.s32 $0x2000, s5;
	[dreg:$0x8] =	wrdreg s16  }
0xe: {  	s11 =	simm.s32 $0x2;
	s18 =	sadd.s32 $0x3000, s5;
	[dreg:$0x9] =	wrdreg s17  }
0xf: {  	s12 =	simm.s32 $0x3;
	s19 =	sadd.s32 $0x4000, s5;
	[dreg:$0xa] =	wrdreg s18  }
0x10: {  	s15 =	sadd.s32 s7, s3;
	s20 =	sadd.s32 $0x5000, s5;
	[dreg:$0xb] =	wrdreg s19  }
0x11: {  	s7 =	simm.s32 $0x7620;
	s21 =	sadd.s32 $0x6000, s5;
	[dreg:$0xc] =	wrdreg s20  }
0x12: {  	s9 =	simm.s32 $0x1;
	s22 =	sadd.s32 $0x7000, s5;
	[dreg:$0xd] =	wrdreg s21  }
0x13: {  	s0 =	simm.s32 $0x28;
	s23 =	sadd.s32 $0x8000, s5;
	[dreg:$0xe] =	wrdreg s22  }
0x14: {  	s8 =	simm.s32 $0x8A20;
	s24 =	sadd.s32 $0x9000, s5;
	[dreg:$0xf] =	wrdreg s23  }
0x15: {  	s25 =	sadd.s32 $0xA000, s5;
	s26 =	sadd.s32 $0xB000, s5;
	[dreg:$0x10] =	wrdreg s24  }
0x16: {  	s28 =	sadd.s32 $0x11000, s5;
	s29 =	sadd.s32 $0x12000, s5;
	[dreg:$0x11] =	wrdreg s25  }
0x17: {  	s30 =	sadd.s32 $0x13000, s5;
	s6 =	simm.s32 $0x6220;
	[dreg:$0x12] =	wrdreg s26  }
0x18: {  	s21 =	sadd.s32 $0xC000, s5;
	s22 =	sadd.s32 $0xD000, s5;
	s23 =	sadd.s32 $0xE000, s5  }
0x19: {  	s24 =	sadd.s32 $0xF000, s5;
	s25 =	sshrl.u32 s15, $0x3;
	s26 =	sadd.s32 $0x10000, s5  }
0x1a: {  	s2 =	simm.s32 $0x9;
	s13 =	simm.s32 $0x4;
	s14 =	simm.s32 $0x5  }
0x1b: {  	v0 =	vimm.f32 $0.0e+00;
	s15 =	simm.s32 $0x6;
	s16 =	simm.s32 $0x7;
	s17 =	simm.s32 $0x8  }
.LBB2_1:
0x1c: {  	s18 =	simm.s32 $0x0;
	s19 =	simm.s32 $0x200  }
.LBB2_2:
0x1d: {  	p0 =	sne.s32 s19, $0x3E00;
	[tilespmem:s18+$0x9E90] =	vst v0  }
0x1e: {  	[tilespmem:s18+$0x9E20] =	vst v0  }
0x1f: {  	[tilespmem:s18+$0x9E30] =	vst v0  }
.Ltmp0:
0x20: {  	[tilespmem:s18+$0x9E40] =	vst v0;
	(pc) =	sbr.rel @p0 .LBB2_2-.Ltmp0, $4  }
0x21: {  	[tilespmem:s18+$0x9E50] =	vst v0  }
0x22: {  	[tilespmem:s18+$0x9E60] =	vst v0  }
0x23: {  	[tilespmem:s18+$0x9E70] =	vst v0  }
0x24: {  	[tilespmem:s18+$0x9E80] =	vst v0;
	s18 =	sshra.s32 s19, $0x2;
	s19 =	sadd.s32 $0x200, s19  }
0x25: {  	[tilespmem:s18+$0x9E90] =	vst v0  }
0x26: {  	[tilespmem:s18+$0x9E20] =	vst v0  }
0x27: {  	[tilespmem:s18+$0x9E30] =	vst v0  }
0x28: {  	[tilespmem:s18+$0x9E40] =	vst v0  }
0x29: {  	[tilespmem:s18+$0x9E50] =	vst v0  }
0x2a: {  	[tilespmem:s18+$0x9E60] =	vst v0  }
0x2b: {  	[tilespmem:s18+$0x9E70] =	vst v0  }
0x2c: {  	[tilespmem:s18+$0x9E80] =	vst v0  }
0x2d: {  	[spmem:s5] =	stream.linear.scatter [tilespmem:s31], [sflag:$0x1], $0x1000, $0x38;
	[tilespmem:$0x1EE20] =	vst v63  }
0x2e: {  	s19 =	rddreg [dreg:$0x8]  }
0x2f: {  	[spmem:s19] =	stream.linear.scatter [tilespmem:s31], [sflag:$0x1], $0x1000, $0x38;
	[tilespmem:$0x1EE20] =	vst v63  }
0x30: {  	s20 =	rddreg [dreg:$0x9]  }
0x31: {  	[spmem:s20] =	stream.linear.scatter [tilespmem:s31], [sflag:$0x1], $0x1000, $0x38;
	[tilespmem:$0x1EE20] =	vst v63  }
0x32: {  	s19 =	rddreg [dreg:$0xa]  }
0x33: {  	[spmem:s19] =	stream.linear.scatter [tilespmem:s31], [sflag:$0x1], $0x1000, $0x38;
	[tilespmem:$0x1EE20] =	vst v63  }
0x34: {  	s20 =	rddreg [dreg:$0xb]  }
0x35: {  	[spmem:s20] =	stream.linear.scatter [tilespmem:s31], [sflag:$0x1], $0x1000, $0x38;
	[tilespmem:$0x1EE20] =	vst v63  }
0x36: {  	s19 =	rddreg [dreg:$0xc]  }
0x37: {  	[spmem:s19] =	stream.linear.scatter [tilespmem:s31], [sflag:$0x1], $0x1000, $0x38;
	[tilespmem:$0x1EE20] =	vst v63  }
0x38: {  	s20 =	rddreg [dreg:$0xd]  }
0x39: {  	[spmem:s20] =	stream.linear.scatter [tilespmem:s31], [sflag:$0x1], $0x1000, $0x38;
	[tilespmem:$0x1EE20] =	vst v63  }
0x3a: {  	s19 =	rddreg [dreg:$0xe]  }
0x3b: {  	[spmem:s19] =	stream.linear.scatter [tilespmem:s31], [sflag:$0x1], $0x1000, $0x38;
	[tilespmem:$0x1EE20] =	vst v63  }
0x3c: {  	s20 =	rddreg [dreg:$0xf]  }
0x3d: {  	[spmem:s20] =	stream.linear.scatter [tilespmem:s31], [sflag:$0x1], $0x1000, $0x38;
	[tilespmem:$0x1EE20] =	vst v63  }
0x3e: {  	s19 =	rddreg [dreg:$0x10]  }
0x3f: {  	[spmem:s19] =	stream.linear.scatter [tilespmem:s31], [sflag:$0x1], $0x1000, $0x38;
	[tilespmem:$0x1EE20] =	vst v63  }
0x40: {  	s20 =	rddreg [dreg:$0x11]  }
0x41: {  	[spmem:s20] =	stream.linear.scatter [tilespmem:s31], [sflag:$0x1], $0x1000, $0x38;
	[tilespmem:$0x1EE20] =	vst v63  }
0x42: {  	s19 =	rddreg [dreg:$0x12]  }
0x43: {  	[spmem:s19] =	stream.linear.scatter [tilespmem:s31], [sflag:$0x1], $0x1000, $0x38;
	[tilespmem:$0x1EE20] =	vst v63  }
0x44: {  	_ = 	snop  }
0x45: {  	[spmem:s21] =	stream.linear.scatter [tilespmem:s31], [sflag:$0x1], $0x1000, $0x38;
	[tilespmem:$0x1EE20] =	vst v63  }
0x46: {  	_ = 	snop  }
0x47: {  	[spmem:s22] =	stream.linear.scatter [tilespmem:s31], [sflag:$0x1], $0x1000, $0x38;
	[tilespmem:$0x1EE20] =	vst v63  }
0x48: {  	_ = 	snop  }
0x49: {  	[spmem:s23] =	stream.linear.scatter [tilespmem:s31], [sflag:$0x1], $0x1000, $0x38;
	[tilespmem:$0x1EE20] =	vst v63  }
0x4a: {  	_ = 	snop  }
0x4b: {  	[spmem:s24] =	stream.linear.scatter [tilespmem:s31], [sflag:$0x1], $0x1000, $0x38;
	[tilespmem:$0x1EE20] =	vst v63  }
0x4c: {  	_ = 	snop  }
0x4d: {  	[spmem:s26] =	stream.linear.scatter [tilespmem:s31], [sflag:$0x1], $0x1000, $0x38;
	[tilespmem:$0x1EE20] =	vst v63  }
0x4e: {  	_ = 	snop  }
0x4f: {  	[spmem:s28] =	stream.linear.scatter [tilespmem:s31], [sflag:$0x1], $0x1000, $0x38;
	[tilespmem:$0x1EE20] =	vst v63  }
0x50: {  	_ = 	snop  }
0x51: {  	[spmem:s29] =	stream.linear.scatter [tilespmem:s31], [sflag:$0x1], $0x1000, $0x38;
	[tilespmem:$0x1EE20] =	vst v63  }
0x52: {  	_ = 	snop  }
0x53: {  	[spmem:s30] =	stream.linear.scatter [tilespmem:s31], [sflag:$0x1], $0x1000, $0x38;
	[tilespmem:$0x1EE20] =	vst v63  }
0x54: {  	s18 =	simm.s32 $0x0;
	s19 =	rddreg [dreg:$0x4]  }
0x55: {  	[tilespmem:s18], [sflag:$0x9] =	stream.linear.gather [hbm4b:s19+s18], $0x2710, $0x38;
	[tilespmem:$0x1EE20] =	vst v63  }
0x56: {  	_ =	swait.ge [sflag:s2], $0x2710  }
0x57: {  	[sflag:s2] =	ssyncset.done $0x0  }
0x58: {  	s20 =	simm.s32 $0x2710;
	s19 =	rddreg [dreg:$0x5];
	[sflag:s2] =	ssyncadd.s32 $0xFFFFD8F0  }
0x59: {  	[tilespmem:s20], [sflag:$0x9] =	stream.linear.gather [hbm4b:s19+s18], $0x2710, $0x38;
	[tilespmem:$0x1EE20] =	vst v63  }
0x5a: {  	_ =	swait.ge [sflag:s2], $0x2710  }
0x5b: {  	[sflag:s2] =	ssyncset.done $0x0  }
0x5c: {  	[sflag:s2] =	ssyncadd.s32 $0xFFFFD8F0  }
0x5d: {  	[tilespmem:s6], [sflag:$0x2] =	stream.indirect.gather [hbm4b:s1+s0], $0x80, s0, s0, $0xb8;
	[tilespmem:$0x1EE20] =	vst v63  }
0x5e: {  	s20 =	simm.s32 $0x50  }
0x5f: {  	[tilespmem:s7], [sflag:$0x3] =	stream.indirect.gather [hbm4b:s1+s0], $0x80, s20, s0, $0xb8;
	[tilespmem:$0x1EE20] =	vst v63  }
0x60: {  	s20 =	simm.s32 $0x78  }
0x61: {  	[tilespmem:s8], [sflag:$0x4] =	stream.indirect.gather [hbm4b:s1+s0], $0x80, s20, s0, $0xb8;
	[tilespmem:$0x1EE20] =	vst v63  }
0x62: {  	_ =	swait.ge [sflag:s9], $0x1000  }
0x63: {  	[sflag:s9] =	ssyncset.done $0x0  }
0x64: {  	[sflag:s9] =	ssyncadd.s32 $0xFFFFF000  }
0x65: {  	_ =	swait.ge [sflag:s9], $0x1000  }
0x66: {  	[sflag:s9] =	ssyncset.done $0x0  }
0x67: {  	[sflag:s9] =	ssyncadd.s32 $0xFFFFF000  }
0x68: {  	_ =	swait.ge [sflag:s9], $0x1000  }
0x69: {  	[sflag:s9] =	ssyncset.done $0x0  }
0x6a: {  	[sflag:s9] =	ssyncadd.s32 $0xFFFFF000  }
0x6b: {  	_ =	swait.ge [sflag:s9], $0x1000  }
0x6c: {  	[sflag:s9] =	ssyncset.done $0x0  }
0x6d: {  	[sflag:s9] =	ssyncadd.s32 $0xFFFFF000  }
0x6e: {  	_ =	swait.ge [sflag:s9], $0x1000  }
0x6f: {  	[sflag:s9] =	ssyncset.done $0x0  }
0x70: {  	[sflag:s9] =	ssyncadd.s32 $0xFFFFF000  }
0x71: {  	_ =	swait.ge [sflag:s9], $0x1000  }
0x72: {  	[sflag:s9] =	ssyncset.done $0x0  }
0x73: {  	[sflag:s9] =	ssyncadd.s32 $0xFFFFF000  }
0x74: {  	_ =	swait.ge [sflag:s9], $0x1000  }
0x75: {  	[sflag:s9] =	ssyncset.done $0x0  }
0x76: {  	[sflag:s9] =	ssyncadd.s32 $0xFFFFF000  }
0x77: {  	_ =	swait.ge [sflag:s9], $0x1000  }
0x78: {  	[sflag:s9] =	ssyncset.done $0x0  }
0x79: {  	[sflag:s9] =	ssyncadd.s32 $0xFFFFF000  }
0x7a: {  	_ =	swait.ge [sflag:s9], $0x1000  }
0x7b: {  	[sflag:s9] =	ssyncset.done $0x0  }
0x7c: {  	[sflag:s9] =	ssyncadd.s32 $0xFFFFF000  }
0x7d: {  	_ =	swait.ge [sflag:s9], $0x1000  }
0x7e: {  	[sflag:s9] =	ssyncset.done $0x0  }
0x7f: {  	[sflag:s9] =	ssyncadd.s32 $0xFFFFF000  }
0x80: {  	_ =	swait.ge [sflag:s9], $0x1000  }
0x81: {  	[sflag:s9] =	ssyncset.done $0x0  }
0x82: {  	[sflag:s9] =	ssyncadd.s32 $0xFFFFF000  }
0x83: {  	_ =	swait.ge [sflag:s9], $0x1000  }
0x84: {  	[sflag:s9] =	ssyncset.done $0x0  }
0x85: {  	[sflag:s9] =	ssyncadd.s32 $0xFFFFF000  }
0x86: {  	_ =	swait.ge [sflag:s9], $0x1000  }
0x87: {  	[sflag:s9] =	ssyncset.done $0x0  }
0x88: {  	[sflag:s9] =	ssyncadd.s32 $0xFFFFF000  }
0x89: {  	_ =	swait.ge [sflag:s9], $0x1000  }
0x8a: {  	[sflag:s9] =	ssyncset.done $0x0  }
0x8b: {  	[sflag:s9] =	ssyncadd.s32 $0xFFFFF000  }
0x8c: {  	_ =	swait.ge [sflag:s9], $0x1000  }
0x8d: {  	[sflag:s9] =	ssyncset.done $0x0  }
0x8e: {  	[sflag:s9] =	ssyncadd.s32 $0xFFFFF000  }
0x8f: {  	_ =	swait.ge [sflag:s9], $0x1000  }
0x90: {  	[sflag:s9] =	ssyncset.done $0x0  }
0x91: {  	[sflag:s9] =	ssyncadd.s32 $0xFFFFF000  }
0x92: {  	_ =	swait.ge [sflag:s9], $0x1000  }
0x93: {  	[sflag:s9] =	ssyncset.done $0x0  }
0x94: {  	[sflag:s9] =	ssyncadd.s32 $0xFFFFF000  }
0x95: {  	_ =	swait.ge [sflag:s9], $0x1000  }
0x96: {  	[sflag:s9] =	ssyncset.done $0x0  }
0x97: {  	[sflag:s9] =	ssyncadd.s32 $0xFFFFF000  }
0x98: {  	_ =	swait.ge [sflag:s9], $0x1000  }
0x99: {  	[sflag:s9] =	ssyncset.done $0x0  }
0x9a: {  	[sflag:s9] =	ssyncadd.s32 $0xFFFFF000  }
0x9b: {  	_ =	swait.ge [sflag:s9], $0x1000  }
0x9c: {  	[sflag:s9] =	ssyncset.done $0x0  }
0x9d: {  	[sflag:s9] =	ssyncadd.s32 $0xFFFFF000  }
0x9e: {  	[tilespmem:s10], [sflag:$0x1] =	stream.indirect.gather [hbm4b:s1+s0], $0x80, s18, s0, $0xb8;
	[tilespmem:$0x1EE20] =	vst v63  }
0x9f: {  	[bflag:$0x0] =	sbarrier.arrive $0xFFFF  }
0xa0: {  	_ =	swait.ge [sflag:s9], $0x1400  }
0xa1: {  	[sflag:s9] =	ssyncset.done $0x0  }
0xa2: {  	s20 =	simm.s32 $0x2710;
	[sflag:s9] =	ssyncadd.s32 $0xFFFFEC00  }
0xa3: {  	[spmem:s3] =	stream.indirect.scatter.add.f32 [tilespmem:s10], [sflag:$0x5], $0x80, s20, s0, $0xb8;
	[tilespmem:$0x1EE20] =	vst v63  }
0xa4: {  	_ =	swait.ge [sflag:s11], $0x1400  }
0xa5: {  	[sflag:s11] =	ssyncset.done $0x0  }
0xa6: {  	s19 =	simm.s32 $0x2738;
	[sflag:s11] =	ssyncadd.s32 $0xFFFFEC00  }
0xa7: {  	[spmem:s3] =	stream.indirect.scatter.add.f32 [tilespmem:s6], [sflag:$0x6], $0x80, s19, s0, $0xb8;
	[tilespmem:$0x1EE20] =	vst v63  }
0xa8: {  	_ =	swait.ge [sflag:s12], $0x1400  }
0xa9: {  	[sflag:s12] =	ssyncset.done $0x0  }
0xaa: {  	s20 =	simm.s32 $0x2760;
	[sflag:s12] =	ssyncadd.s32 $0xFFFFEC00  }
0xab: {  	[spmem:s3] =	stream.indirect.scatter.add.f32 [tilespmem:s7], [sflag:$0x7], $0x80, s20, s0, $0xb8;
	[tilespmem:$0x1EE20] =	vst v63  }
0xac: {  	_ =	swait.ge [sflag:s13], $0x1400  }
0xad: {  	[sflag:s13] =	ssyncset.done $0x0  }
0xae: {  	s19 =	simm.s32 $0x2788;
	[sflag:s13] =	ssyncadd.s32 $0xFFFFEC00  }
0xaf: {  	[spmem:s3] =	stream.indirect.scatter.add.f32 [tilespmem:s8], [sflag:$0x8], $0x80, s19, s0, $0xb8;
	[tilespmem:$0x1EE20] =	vst v63  }
0xb0: {  	_ =	swait.ge [sflag:s14], $0x1400  }
0xb1: {  	[sflag:s14] =	ssyncset.done $0x0  }
0xb2: {  	s20 =	simm.s32 $0xA0;
	[sflag:s14] =	ssyncadd.s32 $0xFFFFEC00  }
0xb3: {  	[tilespmem:s10], [sflag:$0x1] =	stream.indirect.gather [hbm4b:s1+s0], $0x80, s20, s0, $0xb8;
	[tilespmem:$0x1EE20] =	vst v63  }
0xb4: {  	_ =	swait.ge [sflag:s15], $0x1400  }
0xb5: {  	[sflag:s15] =	ssyncset.done $0x0  }
0xb6: {  	s19 =	simm.s32 $0xC8;
	[sflag:s15] =	ssyncadd.s32 $0xFFFFEC00  }
0xb7: {  	[tilespmem:s6], [sflag:$0x2] =	stream.indirect.gather [hbm4b:s1+s0], $0x80, s19, s0, $0xb8;
	[tilespmem:$0x1EE20] =	vst v63  }
0xb8: {  	_ =	swait.ge [sflag:s16], $0x1400  }
0xb9: {  	[sflag:s16] =	ssyncset.done $0x0  }
0xba: {  	s20 =	simm.s32 $0xF0;
	[sflag:s16] =	ssyncadd.s32 $0xFFFFEC00  }
0xbb: {  	[tilespmem:s7], [sflag:$0x3] =	stream.indirect.gather [hbm4b:s1+s0], $0x80, s20, s0, $0xb8;
	[tilespmem:$0x1EE20] =	vst v63  }
0xbc: {  	_ =	swait.ge [sflag:s17], $0x1400  }
0xbd: {  	[sflag:s17] =	ssyncset.done $0x0  }
0xbe: {  	s18 =	simm.s32 $0x280;
	s19 =	simm.s32 $0x118;
	[sflag:s17] =	ssyncadd.s32 $0xFFFFEC00  }
.LBB2_4:
0xbf: {  	[tilespmem:s8], [sflag:$0x4] =	stream.indirect.gather [hbm4b:s1+s0], $0x80, s19, s0, $0xb8;
	[tilespmem:$0x1EE20] =	vst v63  }
0xc0: {  	s19 =	smov.u32 s18  }
0xc1: {  	p0 =	sne.s32 s18, $0x9600;
	s18 =	sadd.s32 $0x280, s18;
	_ =	swait.ge [sflag:s9], $0x1400  }
0xc2: {  	s19 =	sshra.s32 s19, $0x2;
	[sflag:s9] =	ssyncset.done $0x0  }
0xc3: {  	s20 =	sadd.s32 $0x2710, s19;
	[sflag:s9] =	ssyncadd.s32 $0xFFFFEC00  }
0xc4: {  	[spmem:s3] =	stream.indirect.scatter.add.f32 [tilespmem:s10], [sflag:$0x5], $0x80, s20, s0, $0xb8;
	[tilespmem:$0x1EE20] =	vst v63  }
0xc5: {  	_ =	swait.ge [sflag:s11], $0x1400  }
0xc6: {  	[sflag:s11] =	ssyncset.done $0x0  }
0xc7: {  	s20 =	sadd.s32 $0x2738, s19;
	[sflag:s11] =	ssyncadd.s32 $0xFFFFEC00  }
0xc8: {  	[spmem:s3] =	stream.indirect.scatter.add.f32 [tilespmem:s6], [sflag:$0x6], $0x80, s20, s0, $0xb8;
	[tilespmem:$0x1EE20] =	vst v63  }
0xc9: {  	_ =	swait.ge [sflag:s12], $0x1400  }
0xca: {  	[sflag:s12] =	ssyncset.done $0x0  }
0xcb: {  	s20 =	sadd.s32 $0x2760, s19;
	[sflag:s12] =	ssyncadd.s32 $0xFFFFEC00  }
0xcc: {  	[spmem:s3] =	stream.indirect.scatter.add.f32 [tilespmem:s7], [sflag:$0x7], $0x80, s20, s0, $0xb8;
	[tilespmem:$0x1EE20] =	vst v63  }
0xcd: {  	_ =	swait.ge [sflag:s13], $0x1400  }
0xce: {  	[sflag:s13] =	ssyncset.done $0x0  }
0xcf: {  	s20 =	sadd.s32 $0x2788, s19;
	[sflag:s13] =	ssyncadd.s32 $0xFFFFEC00  }
0xd0: {  	[spmem:s3] =	stream.indirect.scatter.add.f32 [tilespmem:s8], [sflag:$0x8], $0x80, s20, s0, $0xb8;
	[tilespmem:$0x1EE20] =	vst v63  }
0xd1: {  	_ =	swait.ge [sflag:s14], $0x1400  }
0xd2: {  	[sflag:s14] =	ssyncset.done $0x0  }
0xd3: {  	s20 =	sadd.s32 $0xA0, s19;
	[sflag:s14] =	ssyncadd.s32 $0xFFFFEC00  }
0xd4: {  	[tilespmem:s10], [sflag:$0x1] =	stream.indirect.gather [hbm4b:s1+s0], $0x80, s20, s0, $0xb8;
	[tilespmem:$0x1EE20] =	vst v63  }
0xd5: {  	_ =	swait.ge [sflag:s15], $0x1400  }
0xd6: {  	[sflag:s15] =	ssyncset.done $0x0  }
0xd7: {  	s20 =	sadd.s32 $0xC8, s19;
	[sflag:s15] =	ssyncadd.s32 $0xFFFFEC00  }
0xd8: {  	[tilespmem:s6], [sflag:$0x2] =	stream.indirect.gather [hbm4b:s1+s0], $0x80, s20, s0, $0xb8;
	[tilespmem:$0x1EE20] =	vst v63  }
0xd9: {  	_ =	swait.ge [sflag:s16], $0x1400  }
0xda: {  	[sflag:s16] =	ssyncset.done $0x0  }
.Ltmp1:
0xdb: {  	s20 =	sadd.s32 $0xF0, s19;
	[sflag:s16] =	ssyncadd.s32 $0xFFFFEC00;
	(pc) =	sbr.rel @p0 .LBB2_4-.Ltmp1, $4  }
0xdc: {  	[tilespmem:s7], [sflag:$0x3] =	stream.indirect.gather [hbm4b:s1+s0], $0x80, s20, s0, $0xb8;
	[tilespmem:$0x1EE20] =	vst v63  }
0xdd: {  	_ =	swait.ge [sflag:s17], $0x1400  }
0xde: {  	[sflag:s17] =	ssyncset.done $0x0  }
0xdf: {  	s19 =	sadd.s32 $0x118, s19;
	[sflag:s17] =	ssyncadd.s32 $0xFFFFEC00  }
0xe0: {  	[tilespmem:s8], [sflag:$0x4] =	stream.indirect.gather [hbm4b:s1+s0], $0x80, s19, s0, $0xb8;
	[tilespmem:$0x1EE20] =	vst v63  }
0xe1: {  	_ =	swait.ge [sflag:s9], $0x1400  }
0xe2: {  	[sflag:s9] =	ssyncset.done $0x0  }
0xe3: {  	s18 =	simm.s32 $0x4D30;
	[sflag:s9] =	ssyncadd.s32 $0xFFFFEC00  }
0xe4: {  	[spmem:s3] =	stream.indirect.scatter.add.f32 [tilespmem:s10], [sflag:$0x5], $0x80, s18, s0, $0xb8;
	[tilespmem:$0x1EE20] =	vst v63  }
0xe5: {  	_ =	swait.ge [sflag:s11], $0x1400  }
0xe6: {  	[sflag:s11] =	ssyncset.done $0x0  }
0xe7: {  	s20 =	simm.s32 $0x4D58;
	[sflag:s11] =	ssyncadd.s32 $0xFFFFEC00  }
0xe8: {  	[spmem:s3] =	stream.indirect.scatter.add.f32 [tilespmem:s6], [sflag:$0x6], $0x80, s20, s0, $0xb8;
	[tilespmem:$0x1EE20] =	vst v63  }
0xe9: {  	_ =	swait.ge [sflag:s12], $0x1400  }
0xea: {  	[sflag:s12] =	ssyncset.done $0x0  }
0xeb: {  	s19 =	simm.s32 $0x4D80;
	[sflag:s12] =	ssyncadd.s32 $0xFFFFEC00  }
0xec: {  	[spmem:s3] =	stream.indirect.scatter.add.f32 [tilespmem:s7], [sflag:$0x7], $0x80, s19, s0, $0xb8;
	[tilespmem:$0x1EE20] =	vst v63  }
0xed: {  	_ =	swait.ge [sflag:s13], $0x1400  }
0xee: {  	[sflag:s13] =	ssyncset.done $0x0  }
0xef: {  	s20 =	simm.s32 $0x4DA8;
	[sflag:s13] =	ssyncadd.s32 $0xFFFFEC00  }
0xf0: {  	[spmem:s3] =	stream.indirect.scatter.add.f32 [tilespmem:s8], [sflag:$0x8], $0x80, s20, s0, $0xb8;
	[tilespmem:$0x1EE20] =	vst v63  }
0xf1: {  	_ =	swait.ge [sflag:s14], $0x1400  }
0xf2: {  	[sflag:s14] =	ssyncset.done $0x0  }
0xf3: {  	s19 =	simm.s32 $0x26C0;
	[sflag:s14] =	ssyncadd.s32 $0xFFFFEC00  }
0xf4: {  	[tilespmem:s10], [sflag:$0x1] =	stream.indirect.gather [hbm4b:s1+s0], $0x80, s19, s0, $0xb8;
	[tilespmem:$0x1EE20] =	vst v63  }
0xf5: {  	_ =	swait.ge [sflag:s15], $0x1400  }
0xf6: {  	[sflag:s15] =	ssyncset.done $0x0  }
0xf7: {  	s20 =	simm.s32 $0x26E8;
	[sflag:s15] =	ssyncadd.s32 $0xFFFFEC00  }
0xf8: {  	[tilespmem:s6], [sflag:$0x2] =	stream.indirect.gather [hbm4b:s1+s0], $0x80, s20, s0, $0xb8;
	[tilespmem:$0x1EE20] =	vst v63  }
0xf9: {  	_ =	swait.ge [sflag:s9], $0x1400  }
0xfa: {  	[sflag:s9] =	ssyncset.done $0x0  }
0xfb: {  	s19 =	simm.s32 $0x4DD0;
	[sflag:s9] =	ssyncadd.s32 $0xFFFFEC00  }
0xfc: {  	[spmem:s3] =	stream.indirect.scatter.add.f32 [tilespmem:s10], [sflag:$0x5], $0x80, s19, s0, $0xb8;
	[tilespmem:$0x1EE20] =	vst v63  }
0xfd: {  	_ =	swait.ge [sflag:s11], $0x1400  }
0xfe: {  	[sflag:s11] =	ssyncset.done $0x0  }
0xff: {  	s20 =	simm.s32 $0x4DF8;
	[sflag:s11] =	ssyncadd.s32 $0xFFFFEC00  }
0x100: {  	[spmem:s3] =	stream.indirect.scatter.add.f32 [tilespmem:s6], [sflag:$0x6], $0x80, s20, s0, $0xb8;
	[tilespmem:$0x1EE20] =	vst v63  }
0x101: {  	_ =	swait.ge [sflag:s16], $0x1400  }
0x102: {  	[sflag:s16] =	ssyncset.done $0x0  }
0x103: {  	[sflag:s16] =	ssyncadd.s32 $0xFFFFEC00  }
0x104: {  	_ =	swait.ge [sflag:s17], $0x1400  }
0x105: {  	[sflag:s17] =	ssyncset.done $0x0  }
0x106: {  	[sflag:s17] =	ssyncadd.s32 $0xFFFFEC00  }
0x107: {  	_ =	swait.ge [sflag:s14], $0x1400  }
0x108: {  	[sflag:s14] =	ssyncset.done $0x0  }
0x109: {  	[sflag:s14] =	ssyncadd.s32 $0xFFFFEC00  }
0x10a: {  	_ =	swait.ge [sflag:s15], $0x1400  }
0x10b: {  	[sflag:s15] =	ssyncset.done $0x0  }
0x10c: {  	s19 =	stileid.u32;
	[sflag:s15] =	ssyncadd.s32 $0xFFFFEC00  }
0x10d: {  	s18 =	sshll.u32 s19, $0x6;
	[bflag:$0x0] =	sbarrier.arrive $0xFFFF  }
0x10e: {  	s18 =	sor.u32 $0x1C09, s18;
	s20 =	rddreg [dreg:$0x6]  }
0x10f: {  	[hbm:s20], [sflag:s18] =	dma.local [spmem:s25], $0x2800  }
0x110: {  	_ =	swait.ge [sflag:s2], $0x2800  }
0x111: {  	s4 =	sadd.s32 $0x1, s4;
	s20 =	rddreg [dreg:$0x7]  }
0x112: {  	p0 =	sne.s32 s4, s20  }
.Ltmp2:
0x113: {  	_ = 	snop;
	(pc) =	sbr.rel @p0 .LBB2_1-.Ltmp2, $3  }
0x114: {  	_ =	sdelay $0x1  }
0x115: {  	[sflag:s2] =	ssyncset.done $0x0  }
0x116: {  	[sflag:s2] =	ssyncadd.s32 $0xFFFFD800  }
0x117: {  	_ =	sfence.sel $0x180000  }
0x118: {  	[bflag:$0x0] =	sbarrier.arrive $0xFFFF  }
0x119: {  	_ =	strace $0x9000004D  }
0x11a: {  	s0 =	stileid.u32;
	[bflag:$0x2] =	sbarrier.arrive $0xFFFF  }
0x11b: {  	p0 =	sne.s32 s0, $0x0;
	s0 =	rddreg [dreg:$0x3]  }
0x11c: {  	s0 =	sadd.s32 @!p0 $0x100000, s0  }
0x11d: {  	[sflag:s0] =	ssyncadd.tile.s32 @!p0 $0x1;
	_ =	shalt  }
.Lfunc_end2:
_tile_overlayer_lowered:
.L_overlay_start_2:
0x11e: {  	(tag) =	ssettag $0x2  }
0x11f: {  	s0 =	rddreg [dreg:$0x0];
	s2 =	stileid.u32  }
0x120: {  	s1 =	rddreg [dreg:$0x1];
	p0 =	sne.s32 s2, $0x0  }
0x121: {  	s3 =	rddreg [dreg:$0x2];
	[bflag:$0x3] =	sbarrier.arrive $0xFFFF;
	s2 =	simm.s32 @!p0 $0x1C09  }
0x122: {  	[timem:s3], [sflag:s2] =	dma.local @!p0 [hbm:s0], s1  }
0x123: {  	s0 =	simm.s32 @!p0 $0x9  }
0x124: {  	_ =	swait.ge @!p0 [sflag:s0], s1  }
0x125: {  	s1 =	ssub.s32 @!p0 $0x0, s1;
	[sflag:s0] =	ssyncset.done @!p0 $0x0  }
0x126: {  	[sflag:s0] =	ssyncadd.s32 @!p0 s1  }
0x127: {  	[bflag:$0x3] =	sbarrier.arrive $0xFFFF  }
0x128: {  	_ =	shalt  }

// kernel: kernel.9.cloned.1.call-start
scs
__scs_entry_jumppad:
0x0: {  	(pc) =	sbr.rel $0x88, $3  }
0x1: {  	(tag) =	ssettag $0x0;
	lr =	simm.s32 $0x1  }
0x2: {  	[smem:$0x3F9B] =	sst lr;
	_ =	strace $0xD0000000  }
0x3: {  	_ = 	snop  }
0x4: {  	_ = 	snop  }
0x5: {  	_ = 	snop  }
0x6: {  	_ = 	snop  }
0x7: {  	_ = 	snop  }
__scs_overlays_trampoline_lowered:
0x8: {  	[smem:$0x3FAA] =	sst s0  }
0x9: {  	[smem:$0x3FAB] =	sst s1  }
0xa: {  	[smem:$0x3FAC] =	sst s2  }
0xb: {  	[smem:$0x3FAD] =	sst s3  }
0xc: {  	[smem:$0x3FAE] =	sst s4  }
0xd: {  	[smem:$0x3FAF] =	sst s5  }
0xe: {  	[smem:$0x3FB0] =	sst s6  }
0xf: {  	[smem:$0x3FB1] =	sst s7  }
0x10: {  	[smem:$0x3FB2] =	sst s8  }
0x11: {  	[smem:$0x3FB3] =	sst s9;
	s0 =	simm.s32 @!p0 $0x0  }
0x12: {  	s1 =	sld [smem:$0x3F99];
	s0 =	simm.s32 @p0 $0x1  }
0x13: {  	[smem:$0x3FB4] =	sst s0;
	s0 =	simm.s32 @!p1 $0x0  }
0x14: {  	s2 =	sld [smem:$0x3F98];
	s0 =	simm.s32 @p1 $0x1  }
0x15: {  	[smem:$0x3FB5] =	sst s0;
	s0 =	simm.s32 @!p2 $0x0  }
0x16: {  	s3 =	sld [smem:$0x3FDB];
	s0 =	simm.s32 @p2 $0x1  }
0x17: {  	s4 =	simm.s32 $0x1BF5;
	[smem:$0x3FB7] =	sst s0  }
0x18: {  	s0 =	sld [smem:$0x3F9A];
	_ =	swait.ge [sflag:s4], $0x0  }
0x19: {  	s7 =	sld [smem:$0x3F9B]  }
0x1a: {  	s8 =	sadd.s32 $0xFFFFE003, lr  }
0x1b: {  	s9 =	sadd.s32 $0xFFFFFEF7, lr;
	s5 =	simm.s32 $0xFFFFFFFF;
	p2 =	slt.u32 s8, $0xFFFFF086  }
0x1c: {  	p1 =	slt.u32 s9, $0xF7A;
	s5 =	simm.s32 @!p2 $0x0  }
0x1d: {  	s5 =	simm.s32 @p1 $0x1;
	p0 =	seq.s32 s7, s2  }
0x1e: {  	s7 =	smul.u32 @!p0 $0xF7A, s2;
	p2 =	seq.s32 @!p0 s5, $0x0  }
0x1f: {  	s9 =	smul.u32 $0xF7A, s1;
	s8 =	simm.s32 @!p0 $0x1BF5;
	p2 =	por !p2, p0  }
0x20: {  	[sflag:s8] =	ssyncset.s32 @!p0 $0xFFFFF086;
	s6 =	sadd.s32 @!p0 s3, s7;
	s7 =	simm.s32 @!p0 $0x108  }
0x21: {  	s3 =	sadd.s32 s3, s9;
	s6 =	sadd.s32 @!p0 $0x88, s6;
	s7 =	simm.s32 @p2 $0x1082  }
0x22: {  	[simem:s7], [sflag:s8] =	dma.local @!p0 [hbm:s6], $0xF7A  }
0x23: {  	s9 =	sor.u32 $0xD0000000, s2;
	s6 =	simm.s32 $0x108;
	_ =	swait.ge @!p0 [sflag:s8], $0x0  }
0x24: {  	s3 =	sadd.s32 $0x88, s3;
	s6 =	simm.s32 @!p1 $0x1082;
	[sflag:s4] =	ssyncset.s32 $0xFFFFF086  }
0x25: {  	[simem:s6], [sflag:s4] =	dma.local [hbm:s3], $0xF7A  }
0x26: {  	[smem:$0x3F9B] =	sst s1;
	(tag) =	ssettag s2;
	_ =	strace s9  }
0x27: {  	s1 =	sld [smem:$0x3FAB]  }
0x28: {  	s2 =	sld [smem:$0x3FAC]  }
0x29: {  	s4 =	sld [smem:$0x3FAE]  }
0x2a: {  	p0 =	seq.s32 s5, $0x0;
	s5 =	sld [smem:$0x3FAF]  }
0x2b: {  	s6 =	sld [smem:$0x3FB0]  }
0x2c: {  	s7 =	sld [smem:$0x3FB1]  }
0x2d: {  	s3 =	simm.s32 $0x108;
	s8 =	sld [smem:$0x3FB2]  }
0x2e: {  	s3 =	simm.s32 @!p0 $0x1082;
	s9 =	sld [smem:$0x3FB3]  }
0x2f: {  	lr =	sadd.s32 s0, s3;
	s0 =	sld [smem:$0x3FAA]  }
0x30: {  	s3 =	sld [smem:$0x3FAD]  }
0x31: {  	[smem:$0x3FB6] =	sst s10  }
0x32: {  	s10 =	sld [smem:$0x3FB4];
	_ =	sdelay $0x3  }
0x33: {  	p0 =	seq.s32 s10, $0x1;
	s10 =	sld [smem:$0x3FB6];
	_ =	sdelay $0x3  }
0x34: {  	[smem:$0x3FB6] =	sst s10  }
0x35: {  	s10 =	sld [smem:$0x3FB5];
	_ =	sdelay $0x3  }
0x36: {  	p1 =	seq.s32 s10, $0x1;
	s10 =	sld [smem:$0x3FB6];
	_ =	sdelay $0x3  }
0x37: {  	[smem:$0x3FB6] =	sst s10  }
0x38: {  	s10 =	sld [smem:$0x3FB7]  }
0x39: {  	_ = 	snop;
	(pc) =	sbr.ind lr, $3  }
0x3a: {  	_ = 	snop  }
0x3b: {  	_ = 	snop  }
0x3c: {  	p2 =	seq.s32 s10, $0x1;
	s10 =	sld [smem:$0x3FB6]  }
0x3d: {  	_ =	shalt  }
0x3e: {  	_ =	shalt  }
0x3f: {  	_ =	shalt  }
0x40: {  	_ =	shalt  }
0x41: {  	_ =	shalt  }
0x42: {  	_ =	shalt  }
0x43: {  	_ =	shalt  }
0x44: {  	_ =	shalt  }
0x45: {  	_ =	shalt  }
0x46: {  	_ =	shalt  }
0x47: {  	_ =	shalt  }
0x48: {  	_ =	shalt  }
0x49: {  	_ =	shalt  }
0x4a: {  	_ =	shalt  }
0x4b: {  	_ =	shalt  }
0x4c: {  	_ =	shalt  }
0x4d: {  	_ =	shalt  }
0x4e: {  	_ =	shalt  }
0x4f: {  	_ =	shalt  }
0x50: {  	_ =	shalt  }
0x51: {  	_ =	shalt  }
0x52: {  	_ =	shalt  }
0x53: {  	_ =	shalt  }
0x54: {  	_ =	shalt  }
0x55: {  	_ =	shalt  }
0x56: {  	_ =	shalt  }
0x57: {  	_ =	shalt  }
0x58: {  	_ =	shalt  }
0x59: {  	_ =	shalt  }
0x5a: {  	_ =	shalt  }
0x5b: {  	_ =	shalt  }
0x5c: {  	_ =	shalt  }
0x5d: {  	_ =	shalt  }
0x5e: {  	_ =	shalt  }
0x5f: {  	_ =	shalt  }
0x60: {  	_ =	shalt  }
0x61: {  	_ =	shalt  }
0x62: {  	_ =	shalt  }
0x63: {  	_ =	shalt  }
0x64: {  	_ =	shalt  }
0x65: {  	_ =	shalt  }
0x66: {  	_ =	shalt  }
0x67: {  	_ =	shalt  }
0x68: {  	_ =	shalt  }
0x69: {  	_ =	shalt  }
0x6a: {  	_ =	shalt  }
0x6b: {  	_ =	shalt  }
0x6c: {  	_ =	shalt  }
0x6d: {  	_ =	shalt  }
0x6e: {  	_ =	shalt  }
0x6f: {  	_ =	shalt  }
0x70: {  	_ =	shalt  }
0x71: {  	_ =	shalt  }
0x72: {  	_ =	shalt  }
0x73: {  	_ =	shalt  }
0x74: {  	_ =	shalt  }
0x75: {  	_ =	shalt  }
0x76: {  	_ =	shalt  }
0x77: {  	_ =	shalt  }
0x78: {  	_ =	shalt  }
0x79: {  	_ =	shalt  }
0x7a: {  	_ =	shalt  }
0x7b: {  	_ =	shalt  }
0x7c: {  	_ =	shalt  }
0x7d: {  	_ =	shalt  }
0x7e: {  	_ =	shalt  }
0x7f: {  	_ =	shalt  }
0x80: {  	_ =	shalt  }
0x81: {  	_ =	shalt  }
0x82: {  	_ =	shalt  }
0x83: {  	_ =	shalt  }
0x84: {  	_ =	shalt  }
0x85: {  	_ =	shalt  }
0x86: {  	_ =	shalt  }
0x87: {  	_ =	shalt  }
.Lfunc_end0:
.L_simem_size_0:
called_computation_lowered:
.L_overlay_start_0:
0x88: {  	s2 =	sld [smem:$0x3FD9]  }
0x89: {  	s3 =	sld [smem:$0x3FFE];
	_ =	sdelay $0x1  }
0x8a: {  	s1 =	srdreg.scid  }
0x8b: {  	s0 =	sand.u32 $0x1, s1  }
0x8c: {  	s17 =	sshll.u32 s0, $0xA;
	s2 =	sadd.s32 s3, s2  }
0x8d: {  	s2 =	sadd.s32 s2, s17  }
0x8e: {  	[smem:$0x3FC2] =	sst s2  }
0x8f: {  	_ = 	snop  }
0x90: {  	s2 =	sld [smem:$0x3FD0];
	(tm) =	ssettm $0x1  }
0x91: {  	s18 =	sld [smem:$0x3FFB];
	_ =	sdelay $0x3  }
0x92: {  	_ =	strace s18  }
0x93: {  	s3 =	sld [smem:$0x3FFC];
	_ =	sdelay $0x3  }
0x94: {  	_ =	strace s3  }
0x95: {  	s3 =	sld [smem:$0x3FFD];
	_ =	sdelay $0x3  }
0x96: {  	_ =	strace s3  }
0x97: {  	_ =	strace $0x8FFFFFFF  }
0x98: {  	s19 =	sld [smem:$0x3FDB];
	_ =	sdelay $0x1  }
0x99: {  	s4 =	simm.s32 $_scs_section_size  }
0x9a: {  	s5 =	simm.s32 $_size__tile_overlayer_lowered;
	s6 =	simm.s32 $_tile_overlayer_lowered  }
0x9b: {  	s22 =	simm.s32 $0x1BFF;
	s21 =	sshll.u32 s6, $0x1;
	s3 =	sadd.s32 s4, s19  }
0x9c: {  	s7 =	simm.s32 $0x0;
	s20 =	sshll.u32 s5, $0x1;
	s5 =	sadd.s32 s21, s3  }
0x9d: {  	[timem:s7], [sflag:s22] =	dma.local [hbm:s5], s20  }
0x9e: {  	_ =	swait.ge [sflag:s22], s20  }
0x9f: {  	s4 =	ssub.s32 $0x0, s20;
	[sflag:s22] =	ssyncset.done $0x0  }
0xa0: {  	[sflag:s22] =	ssyncadd.s32 s4;
	_ =	sdelay $0x1  }
0xa1: {  	s23 =	simm.s32 $0x1B8B  }
0xa2: {  	_ =	swait.ge [sflag:s23], $0x1  }
0xa3: {  	[sflag:s23] =	ssyncset.done $0x0  }
0xa4: {  	s25 =	simm.s32 $0x1B8E;
	s24 =	sld [smem:$0x3FFE];
	[sflag:s23] =	ssyncadd.s32 $0xFFFFFFFF  }
0xa5: {  	s26 =	simm.s32 $execute0_lowered;
	[smem:$0x3FD2] =	sst s25  }
0xa6: {  	s5 =	sshll.u32 s26, $0x1;
	_ =	strace $0x80000046;
	[dreg:$0x1] =	wrdreg $0xFFFFFFFF  }
0xa7: {  	s28 =	simm.s32 $_size_execute0_lowered;
	s3 =	sadd.s32 s3, s5;
	[dreg:$0x0] =	wrdreg $0x0  }
0xa8: {  	s5 =	sshll.u32 s28, $0x1;
	[dreg:$0x2] =	wrdreg s3  }
0xa9: {  	[dreg:$0x3] =	wrdreg s5  }
0xaa: {  	[dreg:$0x4] =	wrdreg $0xC0  }
0xab: {  	_ =	task [dreg:s7], $0x5FFFF  }
0xac: {  	[dreg:$0x1] =	wrdreg $0xFFFFFFFF  }
0xad: {  	[dreg:$0x0] =	wrdreg $0x60  }
0xae: {  	[dreg:$0x2] =	wrdreg s24  }
0xaf: {  	[dreg:$0x3] =	wrdreg s2  }
0xb0: {  	[dreg:$0x4] =	wrdreg $0x53700  }
0xb1: {  	[dreg:$0x5] =	wrdreg $0x9  }
0xb2: {  	_ =	task.clear_ibuf [dreg:s7], $0x6FFFF;
	_ =	strace $0x90000046  }
0xb3: {  	s29 =	simm.s32 $0x9;
	_ =	strace $0x80000048  }
0xb4: {  	_ =	swait.ge [sflag:s29], $0x1  }
0xb5: {  	[sflag:s29] =	ssyncadd.s32 $0xFFFFFFFF  }
0xb6: {  	_ =	strace $0x90000048  }
0xb7: {  	_ =	sfence  }
0xb8: {  	s30 =	sld [smem:$0x0];
	_ =	sdelay $0x2  }
0xb9: {  	s31 =	sshll.u32 s1, $0xD;
	s1 =	sshrl.u32 s1, $0x2  }
0xba: {  	s3 =	sand.u32 $0x4000, s31;
	s1 =	sadd.s32 s1, s30  }
0xbb: {  	s0 =	sor.u32 s3, s0;
	s1 =	sshll.u32 s1, $0x11  }
0xbc: {  	s0 =	sor.u32 s1, s0  }
0xbd: {  	s0 =	sadd.s32 $0x8F2B, s0  }
0xbe: {  	[sflag:s0] =	ssyncadd.remote.s32 $0x1  }
0xbf: {  	_ =	sfence.sel $0xFFFF  }
0xc0: {  	[dreg:$0x0] =	wrdreg $0xFFFFFFFF;
	(pc) =	sbr.abs _section_cstart, $3  }
0xc1: {  	[dreg:$0x1] =	wrdreg $0xFFFFFFFF  }
0xc2: {  	_ =	task.clear_ibuf [dreg:s7], $0x2FFFF;
	_ =	strace $0x9FFFFFFF  }
0xc3: {  	(tm) =	ssettm $0x7FFFFFFF  }
tec
execute0_lowered:
.L_overlay_start_1:
0x0: {  	(tag) =	ssettag $0x1  }
0x1: {  	s0 =	rddreg [dreg:$0x0]  }
0x2: {  	s7 =	rddreg [dreg:$0x1]  }
0x3: {  	s1 =	rddreg [dreg:$0x2];
	s3 =	simm.s32 $0x0;
	s4 =	srdreg.scid  }
0x4: {  	s2 =	stileid.u32;
	s11 =	simm.s32 $0x50;
	s12 =	simm.s32 $0x4E20  }
0x5: {  	s13 =	simm.s32 $0xA0;
	s14 =	simm.s32 $0xF0;
	s15 =	simm.s32 $0x140  }
0x6: {  	s16 =	simm.s32 $0x190;
	s17 =	simm.s32 $0x1E0;
	s18 =	simm.s32 $0x230  }
0x7: {  	s19 =	simm.s32 $0x280;
	s20 =	simm.s32 $0x2D0;
	s21 =	simm.s32 $0x1  }
0x8: {  	s22 =	simm.s32 $0x50F0;
	s23 =	simm.s32 $0x5230;
	s24 =	simm.s32 $0x0  }
0x9: {  	[smem:$0x7FF] =	sst s3;
	s4 =	sand.u32 $0x1, s4;
	s6 =	smul.u32 $0xA00, s2  }
0xa: {  	s8 =	smul.u32 $0x9C4, s2;
	s5 =	sshll.u32 s4, $0x4;
	s4 =	ssub.s32 $0x2, s4  }
0xb: {  	_ =	strace $0x80000047;
	s5 =	sor.u32 s2, s5;
	s9 =	sshrl.u32 s4, $0x1  }
0xc: {  	s6 =	sshrl.u32 s6, $0x2;
	s0 =	sadd.s32 s8, s0;
	s10 =	smul.u32 $0x140, s5  }
0xd: {  	s30 =	ssub.s32 s4, s9;
	s4 =	sadd.s32 s6, s1;
	s5 =	sadd.s32 $0xB600, s0  }
0xe: {  	s9 =	simm.s32 $0x4E70;
	s8 =	smax.u32 s30, $0x1;
	s31 =	sshrl.u32 s10, $0x3  }
0xf: {  	v0 =	vimm.f32 $0.0e+00;
	v1 =	vimm.f32 $1.000000000e+00;
	s6 =	sadd.s32 s10, s1;
	s10 =	simm.s32 $0x3;
	s7 =	sadd.s32 s7, s31  }
.LBB2_1:
0x10: {  	[tilespmem:$0x4E70] =	vst v0  }
0x11: {  	[tilespmem:$0x4E80] =	vst v0  }
0x12: {  	[tilespmem:$0x4E90] =	vst v0  }
0x13: {  	[tilespmem:$0x4EA0] =	vst v0  }
0x14: {  	[tilespmem:$0x4EB0] =	vst v0  }
0x15: {  	[tilespmem:$0x4EC0] =	vst v0  }
0x16: {  	[tilespmem:$0x4ED0] =	vst v0  }
0x17: {  	[tilespmem:$0x4EE0] =	vst v0  }
0x18: {  	[tilespmem:$0x4EF0] =	vst v0  }
0x19: {  	[tilespmem:$0x4F00] =	vst v0  }
0x1a: {  	[tilespmem:$0x4F10] =	vst v0  }
0x1b: {  	[tilespmem:$0x4F20] =	vst v0  }
0x1c: {  	[tilespmem:$0x4F30] =	vst v0  }
0x1d: {  	[tilespmem:$0x4F40] =	vst v0  }
0x1e: {  	[tilespmem:$0x4F50] =	vst v0  }
0x1f: {  	[tilespmem:$0x4F60] =	vst v0  }
0x20: {  	[tilespmem:$0x4F70] =	vst v0  }
0x21: {  	[tilespmem:$0x4F80] =	vst v0  }
0x22: {  	[tilespmem:$0x4F90] =	vst v0  }
0x23: {  	[tilespmem:$0x4FA0] =	vst v0  }
0x24: {  	[tilespmem:$0x4FB0] =	vst v0  }
0x25: {  	[tilespmem:$0x4FC0] =	vst v0  }
0x26: {  	[tilespmem:$0x4FD0] =	vst v0  }
0x27: {  	[tilespmem:$0x4FE0] =	vst v0  }
0x28: {  	[tilespmem:$0x4FF0] =	vst v0  }
0x29: {  	[tilespmem:$0x5000] =	vst v0  }
0x2a: {  	[tilespmem:$0x5010] =	vst v0  }
0x2b: {  	[tilespmem:$0x5020] =	vst v0  }
0x2c: {  	[tilespmem:$0x5030] =	vst v0  }
0x2d: {  	[tilespmem:$0x5040] =	vst v0  }
0x2e: {  	[tilespmem:$0x5050] =	vst v0  }
0x2f: {  	[tilespmem:$0x5060] =	vst v0  }
0x30: {  	[tilespmem:$0x5070] =	vst v0  }
0x31: {  	[tilespmem:$0x5080] =	vst v0  }
0x32: {  	[tilespmem:$0x5090] =	vst v0  }
0x33: {  	[tilespmem:$0x50A0] =	vst v0  }
0x34: {  	[tilespmem:$0x50B0] =	vst v0  }
0x35: {  	[tilespmem:$0x50C0] =	vst v0  }
0x36: {  	[tilespmem:$0x50D0] =	vst v0  }
0x37: {  	[tilespmem:$0x50E0] =	vst v0  }
0x38: {  	[tilespmem:$0x4E20] =	vst v1  }
0x39: {  	[tilespmem:$0x4E30] =	vst v1  }
0x3a: {  	[tilespmem:$0x4E40] =	vst v1  }
0x3b: {  	[tilespmem:$0x4E50] =	vst v1  }
0x3c: {  	[tilespmem:$0x4E60] =	vst v1  }
0x3d: {  	[spmem:s4] =	stream.linear.scatter [tilespmem:s9], [sflag:$0x3], $0x280, $0x38;
	[tilespmem:$0x55F0] =	vst v63  }
0x3e: {  	_ =	swait.ge [sflag:s10], $0x280  }
0x3f: {  	[sflag:s10] =	ssyncset.done $0x0  }
0x40: {  	[sflag:s10] =	ssyncadd.s32 $0xFFFFFD80  }
0x41: {  	[tilespmem:s3], [sflag:$0x3] =	stream.linear.gather [hbm4b:s5+s3], $0x4E20, $0x38;
	[tilespmem:$0x55F0] =	vst v63  }
0x42: {  	_ =	swait.ge [sflag:s10], $0x4E20  }
0x43: {  	[sflag:s10] =	ssyncset.done $0x0  }
0x44: {  	[sflag:s10] =	ssyncadd.s32 $0xFFFFB1E0  }
0x45: {  	[bflag:$0x0] =	sbarrier.arrive $0xFFFF  }
0x46: {  	[spmem:s1] =	stream.indirect.scatter.add.f32 [tilespmem:s12], [sflag:$0x1], $0x1, s3, s11, $0xb8;
	[tilespmem:$0x55F0] =	vst v63  }
0x47: {  	_ = 	snop  }
0x48: {  	[spmem:s1] =	stream.indirect.scatter.add.f32 [tilespmem:s12], [sflag:$0x1], $0x1, s11, s11, $0xb8;
	[tilespmem:$0x55F0] =	vst v63  }
0x49: {  	_ = 	snop  }
0x4a: {  	[spmem:s1] =	stream.indirect.scatter.add.f32 [tilespmem:s12], [sflag:$0x1], $0x1, s13, s11, $0xb8;
	[tilespmem:$0x55F0] =	vst v63  }
0x4b: {  	_ = 	snop  }
0x4c: {  	[spmem:s1] =	stream.indirect.scatter.add.f32 [tilespmem:s12], [sflag:$0x1], $0x1, s14, s11, $0xb8;
	[tilespmem:$0x55F0] =	vst v63  }
0x4d: {  	_ = 	snop  }
0x4e: {  	[spmem:s1] =	stream.indirect.scatter.add.f32 [tilespmem:s12], [sflag:$0x1], $0x1, s15, s11, $0xb8;
	[tilespmem:$0x55F0] =	vst v63  }
0x4f: {  	_ = 	snop  }
0x50: {  	[spmem:s1] =	stream.indirect.scatter.add.f32 [tilespmem:s12], [sflag:$0x1], $0x1, s16, s11, $0xb8;
	[tilespmem:$0x55F0] =	vst v63  }
0x51: {  	_ = 	snop  }
0x52: {  	[spmem:s1] =	stream.indirect.scatter.add.f32 [tilespmem:s12], [sflag:$0x1], $0x1, s17, s11, $0xb8;
	[tilespmem:$0x55F0] =	vst v63  }
0x53: {  	_ = 	snop  }
0x54: {  	[spmem:s1] =	stream.indirect.scatter.add.f32 [tilespmem:s12], [sflag:$0x1], $0x1, s18, s11, $0xb8;
	[tilespmem:$0x55F0] =	vst v63  }
0x55: {  	s0 =	sand.u32 $0x1, s3  }
0x56: {  	[spmem:s1] =	stream.indirect.scatter.add.f32 [tilespmem:s12], [sflag:$0x1], $0x1, s19, s11, $0xb8;
	[tilespmem:$0x55F0] =	vst v63  }
0x57: {  	p0 =	seq.s32 s0, $0x1;
	s0 =	simm.s32 $0x1  }
0x58: {  	[spmem:s1] =	stream.indirect.scatter.add.f32 [tilespmem:s12], [sflag:$0x1], $0x1, s20, s11, $0xb8;
	[tilespmem:$0x55F0] =	vst v63  }
0x59: {  	s25 =	simm.s32 $0x320;
	s0 =	simm.s32 @!p0 $0x2  }
0x5a: {  	[spmem:s1] =	stream.indirect.scatter.add.f32 [tilespmem:s12], [sflag:s0], $0x1, s25, s11, $0xb8;
	[tilespmem:$0x55F0] =	vst v63  }
0x5b: {  	s29 =	simm.s32 $0x370  }
0x5c: {  	[spmem:s1] =	stream.indirect.scatter.add.f32 [tilespmem:s12], [sflag:s0], $0x1, s29, s11, $0xb8;
	[tilespmem:$0x55F0] =	vst v63  }
0x5d: {  	s31 =	simm.s32 $0x3C0  }
0x5e: {  	[spmem:s1] =	stream.indirect.scatter.add.f32 [tilespmem:s12], [sflag:s0], $0x1, s31, s11, $0xb8;
	[tilespmem:$0x55F0] =	vst v63  }
0x5f: {  	s2 =	simm.s32 $0x410  }
0x60: {  	[spmem:s1] =	stream.indirect.scatter.add.f32 [tilespmem:s12], [sflag:s0], $0x1, s2, s11, $0xb8;
	[tilespmem:$0x55F0] =	vst v63  }
0x61: {  	s26 =	simm.s32 $0x460  }
0x62: {  	[spmem:s1] =	stream.indirect.scatter.add.f32 [tilespmem:s12], [sflag:s0], $0x1, s26, s11, $0xb8;
	[tilespmem:$0x55F0] =	vst v63  }
0x63: {  	s29 =	simm.s32 $0x4B0  }
0x64: {  	[spmem:s1] =	stream.indirect.scatter.add.f32 [tilespmem:s12], [sflag:s0], $0x1, s29, s11, $0xb8;
	[tilespmem:$0x55F0] =	vst v63  }
0x65: {  	s31 =	simm.s32 $0x500  }
0x66: {  	[spmem:s1] =	stream.indirect.scatter.add.f32 [tilespmem:s12], [sflag:s0], $0x1, s31, s11, $0xb8;
	[tilespmem:$0x55F0] =	vst v63  }
0x67: {  	s2 =	simm.s32 $0x550  }
0x68: {  	[spmem:s1] =	stream.indirect.scatter.add.f32 [tilespmem:s12], [sflag:s0], $0x1, s2, s11, $0xb8;
	[tilespmem:$0x55F0] =	vst v63  }
0x69: {  	s28 =	simm.s32 $0x2;
	s26 =	simm.s32 $0x5A0  }
0x6a: {  	[spmem:s1] =	stream.indirect.scatter.add.f32 [tilespmem:s12], [sflag:s0], $0x1, s26, s11, $0xb8;
	[tilespmem:$0x55F0] =	vst v63  }
0x6b: {  	s28 =	simm.s32 @!p0 $0x1;
	s29 =	simm.s32 $0x5F0  }
0x6c: {  	[spmem:s1] =	stream.indirect.scatter.add.f32 [tilespmem:s12], [sflag:s0], $0x1, s29, s11, $0xb8;
	[tilespmem:$0x55F0] =	vst v63  }
0x6d: {  	_ =	swait.ge [sflag:s28], $0x50  }
0x6e: {  	[sflag:s28] =	ssyncset.done $0x0  }
0x6f: {  	[sflag:s28] =	ssyncadd.s32 $0xFFFFFFB0  }
0x70: {  	_ =	swait.ge [sflag:s28], $0x50  }
0x71: {  	[sflag:s28] =	ssyncset.done $0x0  }
0x72: {  	[sflag:s28] =	ssyncadd.s32 $0xFFFFFFB0  }
0x73: {  	_ =	swait.ge [sflag:s28], $0x50  }
0x74: {  	[sflag:s28] =	ssyncset.done $0x0  }
0x75: {  	[sflag:s28] =	ssyncadd.s32 $0xFFFFFFB0  }
0x76: {  	_ =	swait.ge [sflag:s28], $0x50  }
0x77: {  	[sflag:s28] =	ssyncset.done $0x0  }
0x78: {  	[sflag:s28] =	ssyncadd.s32 $0xFFFFFFB0  }
0x79: {  	_ =	swait.ge [sflag:s28], $0x50  }
0x7a: {  	[sflag:s28] =	ssyncset.done $0x0  }
0x7b: {  	[sflag:s28] =	ssyncadd.s32 $0xFFFFFFB0  }
0x7c: {  	_ =	swait.ge [sflag:s28], $0x50  }
0x7d: {  	[sflag:s28] =	ssyncset.done $0x0  }
0x7e: {  	[sflag:s28] =	ssyncadd.s32 $0xFFFFFFB0  }
0x7f: {  	_ =	swait.ge [sflag:s28], $0x50  }
0x80: {  	[sflag:s28] =	ssyncset.done $0x0  }
0x81: {  	[sflag:s28] =	ssyncadd.s32 $0xFFFFFFB0  }
0x82: {  	_ =	swait.ge [sflag:s28], $0x50  }
0x83: {  	[sflag:s28] =	ssyncset.done $0x0  }
0x84: {  	[sflag:s28] =	ssyncadd.s32 $0xFFFFFFB0  }
0x85: {  	_ =	swait.ge [sflag:s28], $0x50  }
0x86: {  	[sflag:s28] =	ssyncset.done $0x0  }
0x87: {  	s25 =	simm.s32 $0x1;
	[sflag:s28] =	ssyncadd.s32 $0xFFFFFFB0  }
0x88: {  	s30 =	simm.s32 $0x320;
	s31 =	sand.u32 $0x1, s25;
	_ =	swait.ge [sflag:s28], $0x50  }
0x89: {  	p1 =	seq.s32 s31, $0x1;
	s26 =	simm.s32 $0x1900;
	[sflag:s28] =	ssyncset.done $0x0  }
.LBB2_2:
0x8a: {  	s0 =	sadd.s32 $0x320, s30;
	s31 =	simm.s32 $0x1  }
0x8b: {  	[sflag:s28] =	ssyncadd.s32 $0xFFFFFFB0;
	s29 =	smov.u32 s26;
	s31 =	simm.s32 @!p1 $0x2  }
0x8c: {  	[spmem:s1] =	stream.indirect.scatter.add.f32 [tilespmem:s12], [sflag:s31], $0x1, s0, s11, $0xb8;
	[tilespmem:$0x55F0] =	vst v63  }
0x8d: {  	p0 =	sne.s32 s26, $0x11F80;
	s26 =	sadd.s32 $0xC80, s26;
	s0 =	sadd.s32 $0x370, s30  }
0x8e: {  	[spmem:s1] =	stream.indirect.scatter.add.f32 [tilespmem:s12], [sflag:s31], $0x1, s0, s11, $0xb8;
	[tilespmem:$0x55F0] =	vst v63  }
0x8f: {  	s0 =	sadd.s32 $0x3C0, s30  }
0x90: {  	[spmem:s1] =	stream.indirect.scatter.add.f32 [tilespmem:s12], [sflag:s31], $0x1, s0, s11, $0xb8;
	[tilespmem:$0x55F0] =	vst v63  }
0x91: {  	s0 =	sadd.s32 $0x410, s30  }
0x92: {  	[spmem:s1] =	stream.indirect.scatter.add.f32 [tilespmem:s12], [sflag:s31], $0x1, s0, s11, $0xb8;
	[tilespmem:$0x55F0] =	vst v63  }
0x93: {  	s0 =	sadd.s32 $0x460, s30  }
0x94: {  	[spmem:s1] =	stream.indirect.scatter.add.f32 [tilespmem:s12], [sflag:s31], $0x1, s0, s11, $0xb8;
	[tilespmem:$0x55F0] =	vst v63  }
0x95: {  	s0 =	sadd.s32 $0x4B0, s30  }
0x96: {  	[spmem:s1] =	stream.indirect.scatter.add.f32 [tilespmem:s12], [sflag:s31], $0x1, s0, s11, $0xb8;
	[tilespmem:$0x55F0] =	vst v63  }
0x97: {  	s0 =	sadd.s32 $0x500, s30  }
0x98: {  	[spmem:s1] =	stream.indirect.scatter.add.f32 [tilespmem:s12], [sflag:s31], $0x1, s0, s11, $0xb8;
	[tilespmem:$0x55F0] =	vst v63  }
0x99: {  	s0 =	sadd.s32 $0x550, s30  }
0x9a: {  	[spmem:s1] =	stream.indirect.scatter.add.f32 [tilespmem:s12], [sflag:s31], $0x1, s0, s11, $0xb8;
	[tilespmem:$0x55F0] =	vst v63  }
0x9b: {  	s28 =	simm.s32 $0x2;
	s0 =	sadd.s32 $0x5A0, s30  }
0x9c: {  	[spmem:s1] =	stream.indirect.scatter.add.f32 [tilespmem:s12], [sflag:s31], $0x1, s0, s11, $0xb8;
	[tilespmem:$0x55F0] =	vst v63  }
0x9d: {  	s28 =	simm.s32 @!p1 $0x1;
	s0 =	sadd.s32 $0x5F0, s30  }
0x9e: {  	[spmem:s1] =	stream.indirect.scatter.add.f32 [tilespmem:s12], [sflag:s31], $0x1, s0, s11, $0xb8;
	[tilespmem:$0x55F0] =	vst v63  }
0x9f: {  	_ =	swait.ge [sflag:s28], $0x50  }
0xa0: {  	[sflag:s28] =	ssyncset.done $0x0  }
0xa1: {  	[sflag:s28] =	ssyncadd.s32 $0xFFFFFFB0  }
0xa2: {  	_ =	swait.ge [sflag:s28], $0x50  }
0xa3: {  	[sflag:s28] =	ssyncset.done $0x0  }
0xa4: {  	[sflag:s28] =	ssyncadd.s32 $0xFFFFFFB0  }
0xa5: {  	_ =	swait.ge [sflag:s28], $0x50  }
0xa6: {  	[sflag:s28] =	ssyncset.done $0x0  }
0xa7: {  	[sflag:s28] =	ssyncadd.s32 $0xFFFFFFB0  }
0xa8: {  	_ =	swait.ge [sflag:s28], $0x50  }
0xa9: {  	[sflag:s28] =	ssyncset.done $0x0  }
0xaa: {  	[sflag:s28] =	ssyncadd.s32 $0xFFFFFFB0  }
0xab: {  	_ =	swait.ge [sflag:s28], $0x50  }
0xac: {  	[sflag:s28] =	ssyncset.done $0x0  }
0xad: {  	[sflag:s28] =	ssyncadd.s32 $0xFFFFFFB0  }
0xae: {  	_ =	swait.ge [sflag:s28], $0x50  }
0xaf: {  	[sflag:s28] =	ssyncset.done $0x0  }
0xb0: {  	[sflag:s28] =	ssyncadd.s32 $0xFFFFFFB0  }
0xb1: {  	_ =	swait.ge [sflag:s28], $0x50  }
0xb2: {  	[sflag:s28] =	ssyncset.done $0x0  }
0xb3: {  	[sflag:s28] =	ssyncadd.s32 $0xFFFFFFB0  }
0xb4: {  	_ =	swait.ge [sflag:s28], $0x50  }
0xb5: {  	[sflag:s28] =	ssyncset.done $0x0  }
0xb6: {  	[sflag:s28] =	ssyncadd.s32 $0xFFFFFFB0  }
.Ltmp0:
0xb7: {  	_ =	swait.ge [sflag:s28], $0x50;
	(pc) =	sbr.rel @p0 .LBB2_2-.Ltmp0, $4  }
0xb8: {  	[sflag:s28] =	ssyncset.done $0x0  }
0xb9: {  	s25 =	sadd.s32 $0x1, s25;
	[sflag:s28] =	ssyncadd.s32 $0xFFFFFFB0  }
0xba: {  	s0 =	sand.u32 $0x1, s25;
	_ =	swait.ge [sflag:s28], $0x50  }
0xbb: {  	s30 =	sshra.s32 s29, $0x2;
	p1 =	seq.s32 s0, $0x1;
	[sflag:s28] =	ssyncset.done $0x0  }
0xbc: {  	s0 =	simm.s32 $0x1  }
0xbd: {  	s25 =	sadd.s32 $0x320, s30;
	[sflag:s28] =	ssyncadd.s32 $0xFFFFFFB0;
	s0 =	simm.s32 @!p1 $0x2  }
0xbe: {  	[spmem:s1] =	stream.indirect.scatter.add.f32 [tilespmem:s12], [sflag:s0], $0x1, s25, s11, $0xb8;
	[tilespmem:$0x55F0] =	vst v63  }
0xbf: {  	s2 =	sadd.s32 $0x370, s30  }
0xc0: {  	[spmem:s1] =	stream.indirect.scatter.add.f32 [tilespmem:s12], [sflag:s0], $0x1, s2, s11, $0xb8;
	[tilespmem:$0x55F0] =	vst v63  }
0xc1: {  	s26 =	sadd.s32 $0x3C0, s30  }
0xc2: {  	[spmem:s1] =	stream.indirect.scatter.add.f32 [tilespmem:s12], [sflag:s0], $0x1, s26, s11, $0xb8;
	[tilespmem:$0x55F0] =	vst v63  }
0xc3: {  	s2 =	sadd.s32 $0x410, s30  }
0xc4: {  	[spmem:s1] =	stream.indirect.scatter.add.f32 [tilespmem:s12], [sflag:s0], $0x1, s2, s11, $0xb8;
	[tilespmem:$0x55F0] =	vst v63  }
0xc5: {  	s26 =	sadd.s32 $0x460, s30  }
0xc6: {  	[spmem:s1] =	stream.indirect.scatter.add.f32 [tilespmem:s12], [sflag:s0], $0x1, s26, s11, $0xb8;
	[tilespmem:$0x55F0] =	vst v63  }
0xc7: {  	s2 =	sadd.s32 $0x4B0, s30  }
0xc8: {  	[spmem:s1] =	stream.indirect.scatter.add.f32 [tilespmem:s12], [sflag:s0], $0x1, s2, s11, $0xb8;
	[tilespmem:$0x55F0] =	vst v63  }
0xc9: {  	s26 =	sadd.s32 $0x500, s30  }
0xca: {  	[spmem:s1] =	stream.indirect.scatter.add.f32 [tilespmem:s12], [sflag:s0], $0x1, s26, s11, $0xb8;
	[tilespmem:$0x55F0] =	vst v63  }
0xcb: {  	s2 =	sadd.s32 $0x550, s30  }
0xcc: {  	[spmem:s1] =	stream.indirect.scatter.add.f32 [tilespmem:s12], [sflag:s0], $0x1, s2, s11, $0xb8;
	[tilespmem:$0x55F0] =	vst v63  }
0xcd: {  	s25 =	simm.s32 $0x2;
	s26 =	sadd.s32 $0x5A0, s30  }
0xce: {  	[spmem:s1] =	stream.indirect.scatter.add.f32 [tilespmem:s12], [sflag:s0], $0x1, s26, s11, $0xb8;
	[tilespmem:$0x55F0] =	vst v63  }
0xcf: {  	s25 =	simm.s32 @!p1 $0x1;
	s26 =	sadd.s32 $0x5F0, s30  }
0xd0: {  	[spmem:s1] =	stream.indirect.scatter.add.f32 [tilespmem:s12], [sflag:s0], $0x1, s26, s11, $0xb8;
	[tilespmem:$0x55F0] =	vst v63  }
0xd1: {  	_ =	swait.ge [sflag:s25], $0x50  }
0xd2: {  	[sflag:s25] =	ssyncset.done $0x0  }
0xd3: {  	[sflag:s25] =	ssyncadd.s32 $0xFFFFFFB0  }
0xd4: {  	_ =	swait.ge [sflag:s25], $0x50  }
0xd5: {  	[sflag:s25] =	ssyncset.done $0x0  }
0xd6: {  	[sflag:s25] =	ssyncadd.s32 $0xFFFFFFB0  }
0xd7: {  	_ =	swait.ge [sflag:s25], $0x50  }
0xd8: {  	[sflag:s25] =	ssyncset.done $0x0  }
0xd9: {  	[sflag:s25] =	ssyncadd.s32 $0xFFFFFFB0  }
0xda: {  	_ =	swait.ge [sflag:s25], $0x50  }
0xdb: {  	[sflag:s25] =	ssyncset.done $0x0  }
0xdc: {  	[sflag:s25] =	ssyncadd.s32 $0xFFFFFFB0  }
0xdd: {  	_ =	swait.ge [sflag:s25], $0x50  }
0xde: {  	[sflag:s25] =	ssyncset.done $0x0  }
0xdf: {  	[sflag:s25] =	ssyncadd.s32 $0xFFFFFFB0  }
0xe0: {  	_ =	swait.ge [sflag:s25], $0x50  }
0xe1: {  	[sflag:s25] =	ssyncset.done $0x0  }
0xe2: {  	[sflag:s25] =	ssyncadd.s32 $0xFFFFFFB0  }
0xe3: {  	_ =	swait.ge [sflag:s25], $0x50  }
0xe4: {  	[sflag:s25] =	ssyncset.done $0x0  }
0xe5: {  	[sflag:s25] =	ssyncadd.s32 $0xFFFFFFB0  }
0xe6: {  	_ =	swait.ge [sflag:s25], $0x50  }
0xe7: {  	[sflag:s25] =	ssyncset.done $0x0  }
0xe8: {  	[sflag:s25] =	ssyncadd.s32 $0xFFFFFFB0  }
0xe9: {  	_ =	swait.ge [sflag:s25], $0x50  }
0xea: {  	[sflag:s25] =	ssyncset.done $0x0  }
0xeb: {  	[sflag:s25] =	ssyncadd.s32 $0xFFFFFFB0  }
0xec: {  	_ =	swait.ge [sflag:s25], $0x50  }
0xed: {  	[sflag:s25] =	ssyncset.done $0x0  }
0xee: {  	[sflag:s25] =	ssyncadd.s32 $0xFFFFFFB0  }
0xef: {  	_ =	swait.ge [sflag:s21], $0x50  }
0xf0: {  	[sflag:s21] =	ssyncset.done $0x0  }
0xf1: {  	[sflag:s21] =	ssyncadd.s32 $0xFFFFFFB0  }
0xf2: {  	_ =	swait.ge [sflag:s21], $0x50  }
0xf3: {  	[sflag:s21] =	ssyncset.done $0x0  }
0xf4: {  	[sflag:s21] =	ssyncadd.s32 $0xFFFFFFB0  }
0xf5: {  	_ =	swait.ge [sflag:s21], $0x50  }
0xf6: {  	[sflag:s21] =	ssyncset.done $0x0  }
0xf7: {  	[sflag:s21] =	ssyncadd.s32 $0xFFFFFFB0  }
0xf8: {  	_ =	swait.ge [sflag:s21], $0x50  }
0xf9: {  	[sflag:s21] =	ssyncset.done $0x0  }
0xfa: {  	[sflag:s21] =	ssyncadd.s32 $0xFFFFFFB0  }
0xfb: {  	_ =	swait.ge [sflag:s21], $0x50  }
0xfc: {  	[sflag:s21] =	ssyncset.done $0x0  }
0xfd: {  	[sflag:s21] =	ssyncadd.s32 $0xFFFFFFB0  }
0xfe: {  	_ =	swait.ge [sflag:s21], $0x50  }
0xff: {  	[sflag:s21] =	ssyncset.done $0x0  }
0x100: {  	[sflag:s21] =	ssyncadd.s32 $0xFFFFFFB0  }
0x101: {  	_ =	swait.ge [sflag:s21], $0x50  }
0x102: {  	[sflag:s21] =	ssyncset.done $0x0  }
0x103: {  	[sflag:s21] =	ssyncadd.s32 $0xFFFFFFB0  }
0x104: {  	_ =	swait.ge [sflag:s21], $0x50  }
0x105: {  	[sflag:s21] =	ssyncset.done $0x0  }
0x106: {  	[sflag:s21] =	ssyncadd.s32 $0xFFFFFFB0  }
0x107: {  	_ =	swait.ge [sflag:s21], $0x50  }
0x108: {  	[sflag:s21] =	ssyncset.done $0x0  }
0x109: {  	[sflag:s21] =	ssyncadd.s32 $0xFFFFFFB0  }
0x10a: {  	_ =	swait.ge [sflag:s21], $0x50  }
0x10b: {  	[sflag:s21] =	ssyncset.done $0x0  }
0x10c: {  	[sflag:s21] =	ssyncadd.s32 $0xFFFFFFB0  }
0x10d: {  	[bflag:$0x0] =	sbarrier.arrive $0xFFFF  }
0x10e: {  	[tilespmem:s22], [sflag:$0x3] =	stream.linear.gather [spmem:s6], $0x140, $0x38;
	[tilespmem:$0x55F0] =	vst v63  }
0x10f: {  	_ =	swait.ge [sflag:s10], $0x140  }
0x110: {  	[sflag:s10] =	ssyncset.done $0x0  }
0x111: {  	s26 =	simm.s32 $0x0;
	[sflag:s10] =	ssyncadd.s32 $0xFFFFFEC0  }
0x112: {  	v2 =	vld [tilespmem:s26+$0x50F0];
	_ =	sdelay $0x4  }
0x113: {  	s25 =	simm.s32 $0x10;
	v2 =	vadd.f32 $1.000000000e+00, v2  }
0x114: {  	v3 =	vld [tilespmem:s25+$0x50F0]  }
0x115: {  	v4 =	vshra.s32 v2, $0x1;
	v5 =	vmul.f32 $5.000000000e-01, v2  }
0x116: {  	v2 =	vsub.s32 $0x5F3759DF, v4  }
0x117: {  	v4 =	vmul.f32 v2, v5  }
0x118: {  	s28 =	simm.s32 $0x20  }
0x119: {  	v6 =	vld [tilespmem:s28+$0x50F0];
	v3 =	vadd.f32 $1.000000000e+00, v3;
	v4 =	vmul.f32 v2, v4;
	_ =	sdelay $0x1  }
0x11a: {  	v7 =	vshra.s32 v3, $0x1;
	v9 =	vmul.f32 $5.000000000e-01, v3;
	v3 =	vsub.f32 $1.500000000e+00, v4  }
0x11b: {  	v4 =	vsub.s32 $0x5F3759DF, v7  }
0x11c: {  	v7 =	vmul.f32 v4, v9;
	v3 =	vmul.f32 v2, v3  }
0x11d: {  	s29 =	simm.s32 $0x30;
	v2 =	vadd.f32 $1.000000000e+00, v6  }
0x11e: {  	v6 =	vld [tilespmem:s29+$0x50F0];
	v7 =	vmul.f32 v4, v7;
	v8 =	vmul.f32 v3, v5  }
0x11f: {  	v10 =	vshra.s32 v2, $0x1;
	v2 =	vmul.f32 $5.000000000e-01, v2  }
0x120: {  	v7 =	vsub.f32 $1.500000000e+00, v7;
	v10 =	vsub.s32 $0x5F3759DF, v10;
	v8 =	vmul.f32 v8, v3  }
0x121: {  	v11 =	vmul.f32 v10, v2  }
0x122: {  	v4 =	vmul.f32 v4, v7;
	v7 =	vsub.f32 $1.500000000e+00, v8  }
0x123: {  	v6 =	vadd.f32 $1.000000000e+00, v6;
	v11 =	vmul.f32 v10, v11  }
0x124: {  	s30 =	simm.s32 $0x40;
	v12 =	vmul.f32 v4, v9;
	v7 =	vmul.f32 v7, v3  }
0x125: {  	v8 =	vld [tilespmem:s30+$0x50F0];
	v13 =	vshra.s32 v6, $0x1;
	v3 =	vmul.f32 $5.000000000e-01, v6;
	v6 =	vsub.f32 $1.500000000e+00, v11  }
0x126: {  	v14 =	vsub.s32 $0x5F3759DF, v13;
	v11 =	vmul.f32 v12, v4;
	v5 =	vmul.f32 v7, v5  }
0x127: {  	v12 =	vmul.f32 v14, v3;
	v6 =	vmul.f32 v10, v6  }
0x128: {  	v10 =	vsub.f32 $1.500000000e+00, v11;
	v5 =	vmul.f32 v5, v7  }
0x129: {  	v11 =	vmul.f32 v14, v12;
	v12 =	vmul.f32 v6, v2  }
0x12a: {  	s31 =	simm.s32 $0x50;
	v8 =	vadd.f32 $1.000000000e+00, v8;
	v4 =	vmul.f32 v10, v4  }
0x12b: {  	v15 =	vsub.f32 $1.500000000e+00, v5;
	v16 =	vsub.f32 $1.500000000e+00, v11;
	v11 =	vmul.f32 v12, v6;
	v12 =	vld [tilespmem:s31+$0x50F0]  }
0x12c: {  	v13 =	vshra.s32 v8, $0x1;
	v5 =	vmul.f32 $5.000000000e-01, v8  }
0x12d: {  	v8 =	vsub.s32 $0x5F3759DF, v13;
	v10 =	vmul.f32 v4, v9;
	v7 =	vmul.f32 v15, v7  }
0x12e: {  	s0 =	simm.s32 $0x180;
	v13 =	vmul.f32 v8, v5;
	v9 =	vmul.f32 v14, v16  }
.LBB2_4:
0x12f: {  	s2 =	sshra.s32 s0, $0x2  }
0x130: {  	v14 =	vadd.f32 $1.000000000e+00, v12;
	v11 =	vsub.f32 $1.500000000e+00, v11;
	v10 =	vmul.f32 v10, v4;
	[tilespmem:s26+$0x5230] =	vst v7;
	s26 =	smov.u32 s25;
	s25 =	smov.u32 s28;
	p0 =	sne.s32 s0, $0x4C0  }
.Ltmp1:
0x131: {  	s28 =	smov.u32 s29;
	s29 =	smov.u32 s30;
	v12 =	vld [tilespmem:s2+$0x50F0];
	v7 =	vmul.f32 v8, v13;
	v13 =	vmul.f32 v9, v3;
	(pc) =	sbr.rel @p0 .LBB2_4-.Ltmp1, $4  }
0x132: {  	s0 =	sadd.s32 $0x40, s0;
	s30 =	smov.u32 s31;
	v15 =	vshra.s32 v14, $0x1;
	v16 =	vmul.f32 v11, v6;
	v17 =	vsub.f32 $1.500000000e+00, v10;
	v6 =	vmovc v9  }
0x133: {  	s31 =	smov.u32 s2;
	v14 =	vmul.f32 $5.000000000e-01, v14;
	v9 =	vsub.f32 $1.500000000e+00, v7;
	v11 =	vmul.f32 v13, v6  }
0x134: {  	v15 =	vsub.s32 $0x5F3759DF, v15;
	v10 =	vmul.f32 v16, v2;
	v7 =	vmul.f32 v17, v4;
	v4 =	vmovc v16;
	v2 =	vmovc v3  }
0x135: {  	v13 =	vmul.f32 v15, v14;
	v3 =	vmovc v5;
	v5 =	vmovc v14;
	v9 =	vmul.f32 v8, v9;
	v8 =	vmov v15  }
0x136: {  	v12 =	vadd.f32 $1.000000000e+00, v12;
	_ =	sdelay $0x1  }
0x137: {  	v14 =	vshra.s32 v12, $0x1;
	v12 =	vmul.f32 $5.000000000e-01, v12  }
0x138: {  	v14 =	vsub.s32 $0x5F3759DF, v14  }
0x139: {  	v15 =	vmul.f32 v14, v12  }
0x13a: {  	v13 =	vmul.f32 v8, v13  }
0x13b: {  	v15 =	vmul.f32 v14, v15  }
0x13c: {  	v13 =	vsub.f32 $1.500000000e+00, v13  }
0x13d: {  	v15 =	vsub.f32 $1.500000000e+00, v15  }
0x13e: {  	v53 =	vmul.f32 v8, v13  }
0x13f: {  	v54 =	vmul.f32 v9, v3;
	v14 =	vmul.f32 v14, v15  }
0x140: {  	v55 =	vmul.f32 v53, v5  }
0x141: {  	v13 =	vmul.f32 v54, v9;
	v16 =	vmul.f32 v14, v12  }
0x142: {  	v11 =	vsub.f32 $1.500000000e+00, v11;
	v15 =	vmul.f32 v55, v53  }
0x143: {  	v13 =	vsub.f32 $1.500000000e+00, v13;
	v16 =	vmul.f32 v16, v14  }
0x144: {  	v6 =	vmul.f32 v11, v6;
	v56 =	vsub.f32 $1.500000000e+00, v15  }
0x145: {  	v10 =	vmul.f32 v10, v4;
	v57 =	vmul.f32 v13, v9;
	v58 =	vsub.f32 $1.500000000e+00, v16  }
0x146: {  	v2 =	vmul.f32 v6, v2;
	v8 =	vmul.f32 v56, v53  }
0x147: {  	v3 =	vmul.f32 v57, v3;
	v59 =	vmul.f32 v58, v14  }
0x148: {  	v2 =	vmul.f32 v2, v6;
	v60 =	vmul.f32 v8, v5  }
0x149: {  	v10 =	vsub.f32 $1.500000000e+00, v10;
	v3 =	vmul.f32 v3, v57;
	v12 =	vmul.f32 v59, v12  }
0x14a: {  	v2 =	vsub.f32 $1.500000000e+00, v2;
	v5 =	vmul.f32 v60, v8  }
0x14b: {  	v61 =	vmul.f32 v10, v4;
	v3 =	vsub.f32 $1.500000000e+00, v3;
	v62 =	vmul.f32 v12, v59  }
0x14c: {  	[tilespmem:s26+$0x5230] =	vst v7;
	v2 =	vmul.f32 v2, v6;
	v5 =	vsub.f32 $1.500000000e+00, v5  }
0x14d: {  	[tilespmem:s25+$0x5230] =	vst v61;
	v3 =	vmul.f32 v3, v57;
	v63 =	vsub.f32 $1.500000000e+00, v62  }
0x14e: {  	[tilespmem:s28+$0x5230] =	vst v2;
	v2 =	vmul.f32 v5, v8  }
0x14f: {  	s24 =	sadd.s32 $0x1, s24;
	[tilespmem:s29+$0x5230] =	vst v3;
	v3 =	vmul.f32 v63, v59  }
0x150: {  	p0 =	sne.s32 s24, s8;
	[tilespmem:s30+$0x5230] =	vst v2  }
.Ltmp2:
0x151: {  	[tilespmem:s31+$0x5230] =	vst v3;
	(pc) =	sbr.rel @p0 .LBB2_1-.Ltmp2, $4  }
0x152: {  	[hbm4b:s7+s3] =	stream.linear.scatter [tilespmem:s23], [sflag:$0x3], $0x140, $0x38;
	[tilespmem:$0x55F0] =	vst v63  }
0x153: {  	_ =	swait.ge [sflag:s10], $0x140  }
0x154: {  	[sflag:s10] =	ssyncset.done $0x0  }
0x155: {  	[sflag:s10] =	ssyncadd.s32 $0xFFFFFEC0  }
0x156: {  	_ =	sfence.sel $0x180000  }
0x157: {  	[bflag:$0x0] =	sbarrier.arrive $0xFFFF  }
0x158: {  	_ =	strace $0x90000047  }
0x159: {  	s0 =	stileid.u32;
	[bflag:$0x2] =	sbarrier.arrive $0xFFFF  }
0x15a: {  	p0 =	sne.s32 s0, $0x0;
	s0 =	rddreg [dreg:$0x3]  }
0x15b: {  	s0 =	sadd.s32 @!p0 $0x100000, s0  }
0x15c: {  	[sflag:s0] =	ssyncadd.tile.s32 @!p0 $0x1;
	_ =	shalt  }
.Lfunc_end2:
_tile_overlayer_lowered:
.L_overlay_start_2:
0x15d: {  	(tag) =	ssettag $0x2  }
0x15e: {  	s0 =	rddreg [dreg:$0x0];
	s2 =	stileid.u32  }
0x15f: {  	s1 =	rddreg [dreg:$0x1];
	p0 =	sne.s32 s2, $0x0  }
0x160: {  	s3 =	rddreg [dreg:$0x2];
	[bflag:$0x3] =	sbarrier.arrive $0xFFFF;
	s2 =	simm.s32 @!p0 $0x1C03  }
0x161: {  	[timem:s3], [sflag:s2] =	dma.local @!p0 [hbm:s0], s1  }
0x162: {  	s0 =	simm.s32 @!p0 $0x3  }
0x163: {  	_ =	swait.ge @!p0 [sflag:s0], s1  }
0x164: {  	s1 =	ssub.s32 @!p0 $0x0, s1;
	[sflag:s0] =	ssyncset.done @!p0 $0x0  }
0x165: {  	[sflag:s0] =	ssyncadd.s32 @!p0 s1  }
0x166: {  	[bflag:$0x3] =	sbarrier.arrive $0xFFFF  }
0x167: {  	_ =	shalt  }

</sc_bundles>
